<compile_context>
chip_gen: v7x
topology: tpu7x:2x2x1
jax: 0.10.2.dev20260603
libtpu: 0.0.44.dev20260713+nightly
codegen_flags: <defaults>
</compile_context>

<pallas_src>
import functools

import jax
import jax.numpy as jnp
from jax import lax
from jax.experimental import pallas as pl
from jax.experimental.pallas import tpu as pltpu
from jax.experimental.pallas import tpu_sc as plsc

_N = 10000
_E = 320000
_D_IN = 128
_D_HID = 128
_D_OUT = 32

_NC = 2
_NS = 16
_NW = _NC * _NS
_E_PER = _E // _NW
_CHUNK = 40
_ITERS = _E_PER // _CHUNK
_RPT = _N // _NS


_NBUF = 6
_G = (_ITERS - _NBUF) // _NBUF
_REM = _ITERS - _NBUF * _G


def _make_sc_aggregate(D):
    mesh = plsc.VectorSubcoreMesh(core_axis_name="c", subcore_axis_name="s")

    @functools.partial(
        pl.kernel,
        out_type=jax.ShapeDtypeStruct((_NC, _N, D), jnp.float32),
        mesh=mesh,
        scratch_types=(
            [pltpu.VMEM((_ITERS, _CHUNK), jnp.int32)] * 2
            + [pltpu.VMEM((_CHUNK, D), jnp.float32)] * _NBUF
            + [pltpu.VMEM_SHARED((_N, D), jnp.float32)]
            + [pltpu.SemaphoreType.DMA] * (2 * _NBUF)
        ),
        compiler_params=pltpu.CompilerParams(use_tc_tiling_on_sc=False),
    )
    def agg(h_hbm, ei_hbm, out_hbm, sidx_v, didx_v, *rest):
        rows = rest[:_NBUF]
        acc_s = rest[_NBUF]
        gsem = rest[_NBUF + 1:_NBUF + 1 + _NBUF]
        ssem = rest[_NBUF + 1 + _NBUF:]
        cid = lax.axis_index("c")
        sid = lax.axis_index("s")
        wid = sid * _NC + cid
        r0 = sid * _RPT
        pltpu.sync_copy(h_hbm.at[pl.ds(r0, _RPT)], acc_s.at[pl.ds(r0, _RPT)])
        pltpu.sync_copy(ei_hbm.at[0, wid], sidx_v)
        pltpu.sync_copy(ei_hbm.at[1, wid], didx_v)
        plsc.subcore_barrier()

        def gather(i, b):
            pltpu.async_copy(h_hbm.at[sidx_v.at[i]], rows[b], gsem[b])

        def wait_gather(i, b):
            pltpu.make_async_copy(h_hbm.at[sidx_v.at[i]],
                                  rows[b], gsem[b]).wait()

        def scatter(i, b):
            pltpu.async_copy(rows[b], acc_s.at[didx_v.at[i]],
                             ssem[b], add=True)

        def wait_scatter(i, b):
            pltpu.make_async_copy(rows[b], acc_s.at[didx_v.at[i]],
                                  ssem[b]).wait()

        for b in range(_NBUF):
            gather(b, b)

        def group(j, carry):
            i0 = j * _NBUF
            for b in range(_NBUF):
                wait_gather(i0 + b, b)
                scatter(i0 + b, b)
            for b in range(_NBUF):
                wait_scatter(i0 + b, b)
                gather(i0 + _NBUF + b, b)
            return carry

        lax.fori_loop(0, _G, group, 0)
        t0 = _NBUF * _G
        for b in range(_NBUF):
            wait_gather(t0 + b, b)
            scatter(t0 + b, b)
        for i in range(t0 + _NBUF, _ITERS):
            b = i % _NBUF
            wait_scatter(i - _NBUF, b)
            gather(i, b)
            wait_gather(i, b)
            scatter(i, b)
        for i in range(_ITERS - _NBUF, _ITERS):
            wait_scatter(i, i % _NBUF)
        plsc.subcore_barrier()
        pltpu.sync_copy(acc_s.at[pl.ds(r0, _RPT)],
                        out_hbm.at[cid, pl.ds(r0, _RPT)])

    return agg


_sc_agg = _make_sc_aggregate(_D_HID)


def _bn(z, g, b):
    mean = jnp.mean(z, axis=0, keepdims=True)
    zc = z - mean
    var = jnp.mean(zc * zc, axis=0, keepdims=True)
    return zc * lax.rsqrt(var + 1e-5) * g + b


def _tc_block1(x, parts, W1a, b1a, W1b, b1b, g1, be1):

    def body(x_ref, parts_ref, W1a_ref, b1a_ref, W1b_ref, b1b_ref,
             g1_ref, be1_ref, h1_ref):
        s = parts_ref[0] + parts_ref[1] - x_ref[...]
        z = jnp.dot(s, W1a_ref[...], preferred_element_type=jnp.float32)
        z = jnp.maximum(z + b1a_ref[...], 0.0)
        z = jnp.dot(z, W1b_ref[...], preferred_element_type=jnp.float32)
        z = z + b1b_ref[...]
        h1 = _bn(z, g1_ref[...], be1_ref[...])
        h1_ref[...] = jnp.maximum(h1, 0.0)

    return pl.pallas_call(
        body,
        out_shape=jax.ShapeDtypeStruct((_N, _D_HID), jnp.float32),
    )(x, parts, W1a, b1a, W1b, b1b, g1, be1)


def _tc_block2(h1, parts2, W2a, b2a, W2b, b2b, g2, be2):

    def body(h1_ref, parts2_ref, W2a_ref, b2a_ref, W2b_ref, b2b_ref,
             g2_ref, be2_ref, out_ref):
        s = parts2_ref[0] + parts2_ref[1] - h1_ref[...]
        z = jnp.dot(s, W2a_ref[...], preferred_element_type=jnp.float32)
        z = jnp.maximum(z + b2a_ref[...], 0.0)
        z = jnp.dot(z, W2b_ref[...], preferred_element_type=jnp.float32)
        z = z + b2b_ref[...]
        h2 = _bn(z, g2_ref[...], be2_ref[...])
        out_ref[...] = jnp.maximum(h2, 0.0)

    return pl.pallas_call(
        body,
        out_shape=jax.ShapeDtypeStruct((_N, _D_OUT), jnp.float32),
    )(h1, parts2, W2a, b2a, W2b, b2b, g2, be2)


def kernel(x, edge_index, W1a, b1a, W1b, b1b, g1, be1,
           W2a, b2a, W2b, b2b, g2, be2):
    ei = edge_index.reshape(2, _NW, _ITERS, _CHUNK)
    parts1 = _sc_agg(x, ei)
    h1 = _tc_block1(x, parts1,
                    W1a, b1a.reshape(1, -1), W1b, b1b.reshape(1, -1),
                    g1.reshape(1, -1), be1.reshape(1, -1))
    parts2 = _sc_agg(h1, ei)
    return _tc_block2(h1, parts2,
                      W2a, b2a.reshape(1, -1), W2b, b2b.reshape(1, -1),
                      g2.reshape(1, -1), be2.reshape(1, -1))

# --- scband reference (transcript-rebuilt; emitter-appended) ---
"""Pipeline reference for scband-dense-layer-36850819400348 (READ-ONLY COPY).

The authoritative reference and input builder live on the scoring server;
editing this copy changes nothing except your own understanding.
"""

import jax
import jax.numpy as jnp
import numpy as np

N = 10000
E = 320000
D_IN = 128
D_HID = 128  # growth_rate * bn_size = 32 * 4
D_OUT = 32   # growth_rate


def _linear_init(key, fan_in, fan_out):
    k1, k2 = jax.random.split(key)
    bound = 1.0 / np.sqrt(fan_in)
    W = jax.random.uniform(k1, (fan_in, fan_out), minval=-bound, maxval=bound, dtype=jnp.float32)
    b = jax.random.uniform(k2, (fan_out,), minval=-bound, maxval=bound, dtype=jnp.float32)
    return W, b


def setup_inputs(seed: int = 0) -> dict:
    key = jax.random.key(seed)
    ks = jax.random.split(key, 8)
    x = jax.random.normal(ks[0], (N, D_IN), dtype=jnp.float32)
    edge_index = jax.random.randint(ks[1], (2, E), 0, N, dtype=jnp.int32)
    W1a, b1a = _linear_init(ks[2], D_IN, D_HID)
    W1b, b1b = _linear_init(ks[3], D_HID, D_HID)
    g1 = jnp.ones((D_HID,), dtype=jnp.float32)
    be1 = jnp.zeros((D_HID,), dtype=jnp.float32)
    W2a, b2a = _linear_init(ks[4], D_HID, D_OUT)
    W2b, b2b = _linear_init(ks[5], D_OUT, D_OUT)
    g2 = jnp.ones((D_OUT,), dtype=jnp.float32)
    be2 = jnp.zeros((D_OUT,), dtype=jnp.float32)
    return {"x": x, "edge_index": edge_index,
            "W1a": W1a, "b1a": b1a, "W1b": W1b, "b1b": b1b, "g1": g1, "be1": be1,
            "W2a": W2a, "b2a": b2a, "W2b": W2b, "b2b": b2b, "g2": g2, "be2": be2}


def _gin_bn_block(h, edge_index, Wa, ba, Wb, bb, gamma, beta):
    # GINConv (eps=0, sum aggregation over source->target edges):
    #   agg[i] = sum_{(j->i) in E} h[j];  z = mlp(h + agg)
    src = edge_index[0]
    dst = edge_index[1]
    msgs = jnp.take(h, src, axis=0)                      # gather
    agg = jax.ops.segment_sum(msgs, dst, num_segments=h.shape[0])  # scatter-add
    z = h + agg
    z = jnp.maximum(z @ Wa + ba, 0.0)
    z = z @ Wb + bb
    # BatchNorm1d in training mode (batch statistics, biased variance), eps=1e-5
    mean = jnp.mean(z, axis=0)
    var = jnp.var(z, axis=0)
    z = (z - mean) / jnp.sqrt(var + 1e-5) * gamma + beta
    return jnp.maximum(z, 0.0)


def reference(x, edge_index, W1a, b1a, W1b, b1b, g1, be1, W2a, b2a, W2b, b2b, g2, be2):
    # DenseLayer.forward: x -> [x] -> concat (no-op for single tensor) -> conv1 -> conv2
    h1 = _gin_bn_block(x, edge_index, W1a, b1a, W1b, b1b, g1, be1)
    h2 = _gin_bn_block(h1, edge_index, W2a, b2a, W2b, b2b, g2, be2)
    return h2


if False:  # reference __main__ guard neutralized (emitter)
    inp = setup_inputs()
    out = reference(**inp)
    print(out.shape, out.dtype)

if __name__ == "__main__":
    import jax
    _d = setup_inputs()
    print(jax.jit(kernel)(*tuple(_d.values())))

</pallas_src>

<mosaic_0001>
#map = affine_map<(d0, d1) -> (0, 0)>
#map1 = affine_map<(d0, d1) -> (0, 0, 0, 0)>
#map2 = affine_map<(d0, d1) -> (0, 0, 0)>
module attributes {stable_mosaic.version = 14 : i64} {
  func.func @agg(%arg0: i32, %arg1: i32, %arg2: memref<10000x128xf32, #tpu.memory_space<hbm>>, %arg3: memref<2x32x250x40xi32, #tpu.memory_space<hbm>>, %arg4: memref<2x10000x128xf32, #tpu.memory_space<hbm>>, %arg5: memref<250x40xi32, #tpu.memory_space<vmem>>, %arg6: memref<250x40xi32, #tpu.memory_space<vmem>>, %arg7: memref<40x128xf32, #tpu.memory_space<vmem>>, %arg8: memref<40x128xf32, #tpu.memory_space<vmem>>, %arg9: memref<40x128xf32, #tpu.memory_space<vmem>>, %arg10: memref<40x128xf32, #tpu.memory_space<vmem>>, %arg11: memref<40x128xf32, #tpu.memory_space<vmem>>, %arg12: memref<40x128xf32, #tpu.memory_space<vmem>>, %arg13: memref<10000x128xf32, #tpu.memory_space<vmem_shared>>, %arg14: memref<!tpu.dma_semaphore, #tpu.memory_space<semaphore_mem>>, %arg15: memref<!tpu.dma_semaphore, #tpu.memory_space<semaphore_mem>>, %arg16: memref<!tpu.dma_semaphore, #tpu.memory_space<semaphore_mem>>, %arg17: memref<!tpu.dma_semaphore, #tpu.memory_space<semaphore_mem>>, %arg18: memref<!tpu.dma_semaphore, #tpu.memory_space<semaphore_mem>>, %arg19: memref<!tpu.dma_semaphore, #tpu.memory_space<semaphore_mem>>, %arg20: memref<!tpu.dma_semaphore, #tpu.memory_space<semaphore_mem>>, %arg21: memref<!tpu.dma_semaphore, #tpu.memory_space<semaphore_mem>>, %arg22: memref<!tpu.dma_semaphore, #tpu.memory_space<semaphore_mem>>, %arg23: memref<!tpu.dma_semaphore, #tpu.memory_space<semaphore_mem>>, %arg24: memref<!tpu.dma_semaphore, #tpu.memory_space<semaphore_mem>>, %arg25: memref<!tpu.dma_semaphore, #tpu.memory_space<semaphore_mem>>) attributes {dimension_semantics = [#tpu.dimension_semantics<core_parallel>, #tpu.dimension_semantics<subcore_parallel>], iteration_bounds = array<i64: 2, 16>, scalar_prefetch = 0 : i64, scratch_operands = 21 : i64, tpu.core_type = #tpu.core_type<sc_vector_subcore>, window_params = [{transform_indices = #map}, {transform_indices = #map1}, {transform_indices = #map2}]} {
    %mul3A = arith.constant 2 : i32
    %mul3A_0 = arith.muli %arg1, %mul3A : i32
    %add3A = arith.addi %mul3A_0, %arg0 : i32
    %mul3A_1 = arith.constant 625 : i32
    %mul3A_2 = arith.muli %arg1, %mul3A_1 : i32
    "tpu.region"() ({
      %run_scoped3A_288 = tpu.sem_alloc : memref<!tpu.dma_semaphore, #tpu.memory_space<semaphore_mem>>
      %dma_start3A_289 = arith.constant 0 : i32
      %dma_start3A_290 = tpu.memref_slice %arg13[%mul3A_2, %dma_start3A_289] : memref<10000x128xf32, #tpu.memory_space<vmem_shared>> -> memref<625x128xf32, #tpu.memory_space<vmem_shared>>
      %dma_start3A_291 = arith.constant 0 : i32
      %dma_start3A_292 = tpu.memref_slice %arg2[%mul3A_2, %dma_start3A_291] : memref<10000x128xf32, #tpu.memory_space<hbm>> -> memref<625x128xf32, #tpu.memory_space<hbm>>
      tpu.enqueue_dma source(%dma_start3A_292 : memref<625x128xf32, #tpu.memory_space<hbm>>) target(%dma_start3A_290 : memref<625x128xf32, #tpu.memory_space<vmem_shared>>) target_semaphore(%run_scoped3A_288 : memref<!tpu.dma_semaphore, #tpu.memory_space<semaphore_mem>>)
      %dma_wait3A_293 = arith.constant 0 : i32
      %dma_wait3A_294 = tpu.memref_slice %arg13[%mul3A_2, %dma_wait3A_293] : memref<10000x128xf32, #tpu.memory_space<vmem_shared>> -> memref<625x128xf32, #tpu.memory_space<vmem_shared>>
      %dma_wait3A_295 = arith.constant 0 : i32
      %dma_wait3A_296 = tpu.memref_slice %arg2[%mul3A_2, %dma_wait3A_295] : memref<10000x128xf32, #tpu.memory_space<hbm>> -> memref<625x128xf32, #tpu.memory_space<hbm>>
      tpu.wait_dma2 semaphore(%run_scoped3A_288 : memref<!tpu.dma_semaphore, #tpu.memory_space<semaphore_mem>>) src(%dma_wait3A_296 : memref<625x128xf32, #tpu.memory_space<hbm>>) dst(%dma_wait3A_294 : memref<625x128xf32, #tpu.memory_space<vmem_shared>>)
      tpu.yield
    }) : () -> ()
    %run_scoped3A = arith.constant 0 : i32
    "tpu.region"() ({
      %run_scoped3A_288 = tpu.sem_alloc : memref<!tpu.dma_semaphore, #tpu.memory_space<semaphore_mem>>
      %dma_start3A_289 = arith.constant 0 : i32
      %dma_start3A_290 = arith.constant 0 : i32
      %dma_start3A_291 = tpu.memref_slice %arg3[%run_scoped3A, %add3A, %dma_start3A_289, %dma_start3A_290] : memref<2x32x250x40xi32, #tpu.memory_space<hbm>> -> memref<1x1x250x40xi32, #tpu.memory_space<hbm>>
      %dma_start3A_292 = tpu.memref_squeeze %dma_start3A_291 : memref<1x1x250x40xi32, #tpu.memory_space<hbm>> -> memref<250x40xi32, #tpu.memory_space<hbm>>
      %dma_start3A_293 = arith.constant 0 : i32
      %dma_start3A_294 = arith.constant 0 : i32
      %dma_start3A_295 = tpu.memref_slice %arg3[%run_scoped3A, %add3A, %dma_start3A_293, %dma_start3A_294] : memref<2x32x250x40xi32, #tpu.memory_space<hbm>> -> memref<1x1x250x40xi32, #tpu.memory_space<hbm>>
      %dma_start3A_296 = tpu.memref_squeeze %dma_start3A_295 : memref<1x1x250x40xi32, #tpu.memory_space<hbm>> -> memref<250x40xi32, #tpu.memory_space<hbm>>
      tpu.enqueue_dma source(%dma_start3A_296 : memref<250x40xi32, #tpu.memory_space<hbm>>) target(%arg5 : memref<250x40xi32, #tpu.memory_space<vmem>>) target_semaphore(%run_scoped3A_288 : memref<!tpu.dma_semaphore, #tpu.memory_space<semaphore_mem>>)
      %dma_wait3A_297 = arith.constant 0 : i32
      %dma_wait3A_298 = arith.constant 0 : i32
      %dma_wait3A_299 = tpu.memref_slice %arg3[%run_scoped3A, %add3A, %dma_wait3A_297, %dma_wait3A_298] : memref<2x32x250x40xi32, #tpu.memory_space<hbm>> -> memref<1x1x250x40xi32, #tpu.memory_space<hbm>>
      %dma_wait3A_300 = tpu.memref_squeeze %dma_wait3A_299 : memref<1x1x250x40xi32, #tpu.memory_space<hbm>> -> memref<250x40xi32, #tpu.memory_space<hbm>>
      %dma_wait3A_301 = arith.constant 0 : i32
      %dma_wait3A_302 = arith.constant 0 : i32
      %dma_wait3A_303 = tpu.memref_slice %arg3[%run_scoped3A, %add3A, %dma_wait3A_301, %dma_wait3A_302] : memref<2x32x250x40xi32, #tpu.memory_space<hbm>> -> memref<1x1x250x40xi32, #tpu.memory_space<hbm>>
      %dma_wait3A_304 = tpu.memref_squeeze %dma_wait3A_303 : memref<1x1x250x40xi32, #tpu.memory_space<hbm>> -> memref<250x40xi32, #tpu.memory_space<hbm>>
      tpu.wait_dma2 semaphore(%run_scoped3A_288 : memref<!tpu.dma_semaphore, #tpu.memory_space<semaphore_mem>>) src(%dma_wait3A_304 : memref<250x40xi32, #tpu.memory_space<hbm>>) dst(%arg5 : memref<250x40xi32, #tpu.memory_space<vmem>>)
      tpu.yield
    }) : () -> ()
    %run_scoped3A_3 = arith.constant 1 : i32
    "tpu.region"() ({
      %run_scoped3A_288 = tpu.sem_alloc : memref<!tpu.dma_semaphore, #tpu.memory_space<semaphore_mem>>
      %dma_start3A_289 = arith.constant 0 : i32
      %dma_start3A_290 = arith.constant 0 : i32
      %dma_start3A_291 = tpu.memref_slice %arg3[%run_scoped3A_3, %add3A, %dma_start3A_289, %dma_start3A_290] : memref<2x32x250x40xi32, #tpu.memory_space<hbm>> -> memref<1x1x250x40xi32, #tpu.memory_space<hbm>>
      %dma_start3A_292 = tpu.memref_squeeze %dma_start3A_291 : memref<1x1x250x40xi32, #tpu.memory_space<hbm>> -> memref<250x40xi32, #tpu.memory_space<hbm>>
      %dma_start3A_293 = arith.constant 0 : i32
      %dma_start3A_294 = arith.constant 0 : i32
      %dma_start3A_295 = tpu.memref_slice %arg3[%run_scoped3A_3, %add3A, %dma_start3A_293, %dma_start3A_294] : memref<2x32x250x40xi32, #tpu.memory_space<hbm>> -> memref<1x1x250x40xi32, #tpu.memory_space<hbm>>
      %dma_start3A_296 = tpu.memref_squeeze %dma_start3A_295 : memref<1x1x250x40xi32, #tpu.memory_space<hbm>> -> memref<250x40xi32, #tpu.memory_space<hbm>>
      tpu.enqueue_dma source(%dma_start3A_296 : memref<250x40xi32, #tpu.memory_space<hbm>>) target(%arg6 : memref<250x40xi32, #tpu.memory_space<vmem>>) target_semaphore(%run_scoped3A_288 : memref<!tpu.dma_semaphore, #tpu.memory_space<semaphore_mem>>)
      %dma_wait3A_297 = arith.constant 0 : i32
      %dma_wait3A_298 = arith.constant 0 : i32
      %dma_wait3A_299 = tpu.memref_slice %arg3[%run_scoped3A_3, %add3A, %dma_wait3A_297, %dma_wait3A_298] : memref<2x32x250x40xi32, #tpu.memory_space<hbm>> -> memref<1x1x250x40xi32, #tpu.memory_space<hbm>>
      %dma_wait3A_300 = tpu.memref_squeeze %dma_wait3A_299 : memref<1x1x250x40xi32, #tpu.memory_space<hbm>> -> memref<250x40xi32, #tpu.memory_space<hbm>>
      %dma_wait3A_301 = arith.constant 0 : i32
      %dma_wait3A_302 = arith.constant 0 : i32
      %dma_wait3A_303 = tpu.memref_slice %arg3[%run_scoped3A_3, %add3A, %dma_wait3A_301, %dma_wait3A_302] : memref<2x32x250x40xi32, #tpu.memory_space<hbm>> -> memref<1x1x250x40xi32, #tpu.memory_space<hbm>>
      %dma_wait3A_304 = tpu.memref_squeeze %dma_wait3A_303 : memref<1x1x250x40xi32, #tpu.memory_space<hbm>> -> memref<250x40xi32, #tpu.memory_space<hbm>>
      tpu.wait_dma2 semaphore(%run_scoped3A_288 : memref<!tpu.dma_semaphore, #tpu.memory_space<semaphore_mem>>) src(%dma_wait3A_304 : memref<250x40xi32, #tpu.memory_space<hbm>>) dst(%arg6 : memref<250x40xi32, #tpu.memory_space<vmem>>)
      tpu.yield
    }) : () -> ()
    %barrier3A = arith.constant 0 : index
    tpu.barrier barrier_id(%barrier3A)
    %dma_start3A = arith.constant 0 : i32
    %dma_start3A_4 = arith.constant 0 : i32
    %dma_start3A_5 = tpu.memref_slice %arg5[%dma_start3A, %dma_start3A_4] : memref<250x40xi32, #tpu.memory_space<vmem>> -> memref<1x40xi32, #tpu.memory_space<vmem>>
    %dma_start3A_6 = tpu.memref_squeeze %dma_start3A_5 : memref<1x40xi32, #tpu.memory_space<vmem>> -> memref<40xi32, #tpu.memory_space<vmem>>
    %dma_start3A_7 = arith.constant 0 : i32
    %dma_start3A_8 = arith.constant 0 : i32
    %dma_start3A_9 = tpu.memref_slice %arg2[%dma_start3A_7, %dma_start3A_8] : memref<10000x128xf32, #tpu.memory_space<hbm>> -> memref<10000x128xf32, #tpu.memory_space<hbm>>
    tpu.enqueue_indirect_dma source(%dma_start3A_9 : memref<10000x128xf32, #tpu.memory_space<hbm>>) target(%arg7 : memref<40x128xf32, #tpu.memory_space<vmem>>) offsets(%dma_start3A_6 : memref<40xi32, #tpu.memory_space<vmem>>) semaphore(%arg14 : memref<!tpu.dma_semaphore, #tpu.memory_space<semaphore_mem>>)
    %dma_start3A_10 = arith.constant 1 : i32
    %dma_start3A_11 = arith.constant 0 : i32
    %dma_start3A_12 = tpu.memref_slice %arg5[%dma_start3A_10, %dma_start3A_11] : memref<250x40xi32, #tpu.memory_space<vmem>> -> memref<1x40xi32, #tpu.memory_space<vmem>>
    %dma_start3A_13 = tpu.memref_squeeze %dma_start3A_12 : memref<1x40xi32, #tpu.memory_space<vmem>> -> memref<40xi32, #tpu.memory_space<vmem>>
    %dma_start3A_14 = arith.constant 0 : i32
    %dma_start3A_15 = arith.constant 0 : i32
    %dma_start3A_16 = tpu.memref_slice %arg2[%dma_start3A_14, %dma_start3A_15] : memref<10000x128xf32, #tpu.memory_space<hbm>> -> memref<10000x128xf32, #tpu.memory_space<hbm>>
    tpu.enqueue_indirect_dma source(%dma_start3A_16 : memref<10000x128xf32, #tpu.memory_space<hbm>>) target(%arg8 : memref<40x128xf32, #tpu.memory_space<vmem>>) offsets(%dma_start3A_13 : memref<40xi32, #tpu.memory_space<vmem>>) semaphore(%arg15 : memref<!tpu.dma_semaphore, #tpu.memory_space<semaphore_mem>>)
    %dma_start3A_17 = arith.constant 2 : i32
    %dma_start3A_18 = arith.constant 0 : i32
    %dma_start3A_19 = tpu.memref_slice %arg5[%dma_start3A_17, %dma_start3A_18] : memref<250x40xi32, #tpu.memory_space<vmem>> -> memref<1x40xi32, #tpu.memory_space<vmem>>
    %dma_start3A_20 = tpu.memref_squeeze %dma_start3A_19 : memref<1x40xi32, #tpu.memory_space<vmem>> -> memref<40xi32, #tpu.memory_space<vmem>>
    %dma_start3A_21 = arith.constant 0 : i32
    %dma_start3A_22 = arith.constant 0 : i32
    %dma_start3A_23 = tpu.memref_slice %arg2[%dma_start3A_21, %dma_start3A_22] : memref<10000x128xf32, #tpu.memory_space<hbm>> -> memref<10000x128xf32, #tpu.memory_space<hbm>>
    tpu.enqueue_indirect_dma source(%dma_start3A_23 : memref<10000x128xf32, #tpu.memory_space<hbm>>) target(%arg9 : memref<40x128xf32, #tpu.memory_space<vmem>>) offsets(%dma_start3A_20 : memref<40xi32, #tpu.memory_space<vmem>>) semaphore(%arg16 : memref<!tpu.dma_semaphore, #tpu.memory_space<semaphore_mem>>)
    %dma_start3A_24 = arith.constant 3 : i32
    %dma_start3A_25 = arith.constant 0 : i32
    %dma_start3A_26 = tpu.memref_slice %arg5[%dma_start3A_24, %dma_start3A_25] : memref<250x40xi32, #tpu.memory_space<vmem>> -> memref<1x40xi32, #tpu.memory_space<vmem>>
    %dma_start3A_27 = tpu.memref_squeeze %dma_start3A_26 : memref<1x40xi32, #tpu.memory_space<vmem>> -> memref<40xi32, #tpu.memory_space<vmem>>
    %dma_start3A_28 = arith.constant 0 : i32
    %dma_start3A_29 = arith.constant 0 : i32
    %dma_start3A_30 = tpu.memref_slice %arg2[%dma_start3A_28, %dma_start3A_29] : memref<10000x128xf32, #tpu.memory_space<hbm>> -> memref<10000x128xf32, #tpu.memory_space<hbm>>
    tpu.enqueue_indirect_dma source(%dma_start3A_30 : memref<10000x128xf32, #tpu.memory_space<hbm>>) target(%arg10 : memref<40x128xf32, #tpu.memory_space<vmem>>) offsets(%dma_start3A_27 : memref<40xi32, #tpu.memory_space<vmem>>) semaphore(%arg17 : memref<!tpu.dma_semaphore, #tpu.memory_space<semaphore_mem>>)
    %dma_start3A_31 = arith.constant 4 : i32
    %dma_start3A_32 = arith.constant 0 : i32
    %dma_start3A_33 = tpu.memref_slice %arg5[%dma_start3A_31, %dma_start3A_32] : memref<250x40xi32, #tpu.memory_space<vmem>> -> memref<1x40xi32, #tpu.memory_space<vmem>>
    %dma_start3A_34 = tpu.memref_squeeze %dma_start3A_33 : memref<1x40xi32, #tpu.memory_space<vmem>> -> memref<40xi32, #tpu.memory_space<vmem>>
    %dma_start3A_35 = arith.constant 0 : i32
    %dma_start3A_36 = arith.constant 0 : i32
    %dma_start3A_37 = tpu.memref_slice %arg2[%dma_start3A_35, %dma_start3A_36] : memref<10000x128xf32, #tpu.memory_space<hbm>> -> memref<10000x128xf32, #tpu.memory_space<hbm>>
    tpu.enqueue_indirect_dma source(%dma_start3A_37 : memref<10000x128xf32, #tpu.memory_space<hbm>>) target(%arg11 : memref<40x128xf32, #tpu.memory_space<vmem>>) offsets(%dma_start3A_34 : memref<40xi32, #tpu.memory_space<vmem>>) semaphore(%arg18 : memref<!tpu.dma_semaphore, #tpu.memory_space<semaphore_mem>>)
    %dma_start3A_38 = arith.constant 5 : i32
    %dma_start3A_39 = arith.constant 0 : i32
    %dma_start3A_40 = tpu.memref_slice %arg5[%dma_start3A_38, %dma_start3A_39] : memref<250x40xi32, #tpu.memory_space<vmem>> -> memref<1x40xi32, #tpu.memory_space<vmem>>
    %dma_start3A_41 = tpu.memref_squeeze %dma_start3A_40 : memref<1x40xi32, #tpu.memory_space<vmem>> -> memref<40xi32, #tpu.memory_space<vmem>>
    %dma_start3A_42 = arith.constant 0 : i32
    %dma_start3A_43 = arith.constant 0 : i32
    %dma_start3A_44 = tpu.memref_slice %arg2[%dma_start3A_42, %dma_start3A_43] : memref<10000x128xf32, #tpu.memory_space<hbm>> -> memref<10000x128xf32, #tpu.memory_space<hbm>>
    tpu.enqueue_indirect_dma source(%dma_start3A_44 : memref<10000x128xf32, #tpu.memory_space<hbm>>) target(%arg12 : memref<40x128xf32, #tpu.memory_space<vmem>>) offsets(%dma_start3A_41 : memref<40xi32, #tpu.memory_space<vmem>>) semaphore(%arg19 : memref<!tpu.dma_semaphore, #tpu.memory_space<semaphore_mem>>)
    %scan3A = arith.constant 0 : i32
    %scan3A_45 = arith.constant 0 : i32
    %scan3A_46 = arith.constant 40 : i32
    %scan3A_47 = arith.addi %scan3A_45, %scan3A_46 : i32
    %scan3A_48 = arith.constant 1 : i32
    scf.for %scan3A_288 = %scan3A_45 to %scan3A_47 step %scan3A_48  : i32 {
      %mul3A_289 = arith.constant 6 : i32
      %mul3A_290 = arith.muli %scan3A_288, %mul3A_289 : i32
      %add3A_291 = arith.constant 0 : i32
      %add3A_292 = arith.addi %mul3A_290, %add3A_291 : i32
      %dma_wait3A_293 = arith.constant 0 : i32
      %dma_wait3A_294 = tpu.memref_slice %arg5[%add3A_292, %dma_wait3A_293] : memref<250x40xi32, #tpu.memory_space<vmem>> -> memref<1x40xi32, #tpu.memory_space<vmem>>
      %dma_wait3A_295 = tpu.memref_squeeze %dma_wait3A_294 : memref<1x40xi32, #tpu.memory_space<vmem>> -> memref<40xi32, #tpu.memory_space<vmem>>
      %dma_wait3A_296 = arith.constant 0 : i32
      %dma_wait3A_297 = arith.constant 0 : i32
      %dma_wait3A_298 = tpu.memref_slice %arg2[%dma_wait3A_296, %dma_wait3A_297] : memref<10000x128xf32, #tpu.memory_space<hbm>> -> memref<10000x128xf32, #tpu.memory_space<hbm>>
      tpu.wait_indirect_dma semaphore(%arg14 : memref<!tpu.dma_semaphore, #tpu.memory_space<semaphore_mem>>) src(%dma_wait3A_298 : memref<10000x128xf32, #tpu.memory_space<hbm>>) dst(%arg7 : memref<40x128xf32, #tpu.memory_space<vmem>>)
      %add3A_299 = arith.constant 0 : i32
      %add3A_300 = arith.addi %mul3A_290, %add3A_299 : i32
      %dma_start3A_301 = arith.constant 0 : i32
      %dma_start3A_302 = tpu.memref_slice %arg6[%add3A_300, %dma_start3A_301] : memref<250x40xi32, #tpu.memory_space<vmem>> -> memref<1x40xi32, #tpu.memory_space<vmem>>
      %dma_start3A_303 = tpu.memref_squeeze %dma_start3A_302 : memref<1x40xi32, #tpu.memory_space<vmem>> -> memref<40xi32, #tpu.memory_space<vmem>>
      %dma_start3A_304 = arith.constant 0 : i32
      %dma_start3A_305 = arith.constant 0 : i32
      %dma_start3A_306 = tpu.memref_slice %arg13[%dma_start3A_304, %dma_start3A_305] : memref<10000x128xf32, #tpu.memory_space<vmem_shared>> -> memref<10000x128xf32, #tpu.memory_space<vmem_shared>>
      tpu.enqueue_indirect_dma source(%arg7 : memref<40x128xf32, #tpu.memory_space<vmem>>) target(%dma_start3A_306 : memref<10000x128xf32, #tpu.memory_space<vmem_shared>>) offsets(%dma_start3A_303 : memref<40xi32, #tpu.memory_space<vmem>>) semaphore(%arg20 : memref<!tpu.dma_semaphore, #tpu.memory_space<semaphore_mem>>) {add = true}
      %add3A_307 = arith.constant 1 : i32
      %add3A_308 = arith.addi %mul3A_290, %add3A_307 : i32
      %dma_wait3A_309 = arith.constant 0 : i32
      %dma_wait3A_310 = tpu.memref_slice %arg5[%add3A_308, %dma_wait3A_309] : memref<250x40xi32, #tpu.memory_space<vmem>> -> memref<1x40xi32, #tpu.memory_space<vmem>>
      %dma_wait3A_311 = tpu.memref_squeeze %dma_wait3A_310 : memref<1x40xi32, #tpu.memory_space<vmem>> -> memref<40xi32, #tpu.memory_space<vmem>>
      %dma_wait3A_312 = arith.constant 0 : i32
      %dma_wait3A_313 = arith.constant 0 : i32
      %dma_wait3A_314 = tpu.memref_slice %arg2[%dma_wait3A_312, %dma_wait3A_313] : memref<10000x128xf32, #tpu.memory_space<hbm>> -> memref<10000x128xf32, #tpu.memory_space<hbm>>
      tpu.wait_indirect_dma semaphore(%arg15 : memref<!tpu.dma_semaphore, #tpu.memory_space<semaphore_mem>>) src(%dma_wait3A_314 : memref<10000x128xf32, #tpu.memory_space<hbm>>) dst(%arg8 : memref<40x128xf32, #tpu.memory_space<vmem>>)
      %add3A_315 = arith.constant 1 : i32
      %add3A_316 = arith.addi %mul3A_290, %add3A_315 : i32
      %dma_start3A_317 = arith.constant 0 : i32
      %dma_start3A_318 = tpu.memref_slice %arg6[%add3A_316, %dma_start3A_317] : memref<250x40xi32, #tpu.memory_space<vmem>> -> memref<1x40xi32, #tpu.memory_space<vmem>>
      %dma_start3A_319 = tpu.memref_squeeze %dma_start3A_318 : memref<1x40xi32, #tpu.memory_space<vmem>> -> memref<40xi32, #tpu.memory_space<vmem>>
      %dma_start3A_320 = arith.constant 0 : i32
      %dma_start3A_321 = arith.constant 0 : i32
      %dma_start3A_322 = tpu.memref_slice %arg13[%dma_start3A_320, %dma_start3A_321] : memref<10000x128xf32, #tpu.memory_space<vmem_shared>> -> memref<10000x128xf32, #tpu.memory_space<vmem_shared>>
      tpu.enqueue_indirect_dma source(%arg8 : memref<40x128xf32, #tpu.memory_space<vmem>>) target(%dma_start3A_322 : memref<10000x128xf32, #tpu.memory_space<vmem_shared>>) offsets(%dma_start3A_319 : memref<40xi32, #tpu.memory_space<vmem>>) semaphore(%arg21 : memref<!tpu.dma_semaphore, #tpu.memory_space<semaphore_mem>>) {add = true}
      %add3A_323 = arith.constant 2 : i32
      %add3A_324 = arith.addi %mul3A_290, %add3A_323 : i32
      %dma_wait3A_325 = arith.constant 0 : i32
      %dma_wait3A_326 = tpu.memref_slice %arg5[%add3A_324, %dma_wait3A_325] : memref<250x40xi32, #tpu.memory_space<vmem>> -> memref<1x40xi32, #tpu.memory_space<vmem>>
      %dma_wait3A_327 = tpu.memref_squeeze %dma_wait3A_326 : memref<1x40xi32, #tpu.memory_space<vmem>> -> memref<40xi32, #tpu.memory_space<vmem>>
      %dma_wait3A_328 = arith.constant 0 : i32
      %dma_wait3A_329 = arith.constant 0 : i32
      %dma_wait3A_330 = tpu.memref_slice %arg2[%dma_wait3A_328, %dma_wait3A_329] : memref<10000x128xf32, #tpu.memory_space<hbm>> -> memref<10000x128xf32, #tpu.memory_space<hbm>>
      tpu.wait_indirect_dma semaphore(%arg16 : memref<!tpu.dma_semaphore, #tpu.memory_space<semaphore_mem>>) src(%dma_wait3A_330 : memref<10000x128xf32, #tpu.memory_space<hbm>>) dst(%arg9 : memref<40x128xf32, #tpu.memory_space<vmem>>)
      %add3A_331 = arith.constant 2 : i32
      %add3A_332 = arith.addi %mul3A_290, %add3A_331 : i32
      %dma_start3A_333 = arith.constant 0 : i32
      %dma_start3A_334 = tpu.memref_slice %arg6[%add3A_332, %dma_start3A_333] : memref<250x40xi32, #tpu.memory_space<vmem>> -> memref<1x40xi32, #tpu.memory_space<vmem>>
      %dma_start3A_335 = tpu.memref_squeeze %dma_start3A_334 : memref<1x40xi32, #tpu.memory_space<vmem>> -> memref<40xi32, #tpu.memory_space<vmem>>
      %dma_start3A_336 = arith.constant 0 : i32
      %dma_start3A_337 = arith.constant 0 : i32
      %dma_start3A_338 = tpu.memref_slice %arg13[%dma_start3A_336, %dma_start3A_337] : memref<10000x128xf32, #tpu.memory_space<vmem_shared>> -> memref<10000x128xf32, #tpu.memory_space<vmem_shared>>
      tpu.enqueue_indirect_dma source(%arg9 : memref<40x128xf32, #tpu.memory_space<vmem>>) target(%dma_start3A_338 : memref<10000x128xf32, #tpu.memory_space<vmem_shared>>) offsets(%dma_start3A_335 : memref<40xi32, #tpu.memory_space<vmem>>) semaphore(%arg22 : memref<!tpu.dma_semaphore, #tpu.memory_space<semaphore_mem>>) {add = true}
      %add3A_339 = arith.constant 3 : i32
      %add3A_340 = arith.addi %mul3A_290, %add3A_339 : i32
      %dma_wait3A_341 = arith.constant 0 : i32
      %dma_wait3A_342 = tpu.memref_slice %arg5[%add3A_340, %dma_wait3A_341] : memref<250x40xi32, #tpu.memory_space<vmem>> -> memref<1x40xi32, #tpu.memory_space<vmem>>
      %dma_wait3A_343 = tpu.memref_squeeze %dma_wait3A_342 : memref<1x40xi32, #tpu.memory_space<vmem>> -> memref<40xi32, #tpu.memory_space<vmem>>
      %dma_wait3A_344 = arith.constant 0 : i32
      %dma_wait3A_345 = arith.constant 0 : i32
      %dma_wait3A_346 = tpu.memref_slice %arg2[%dma_wait3A_344, %dma_wait3A_345] : memref<10000x128xf32, #tpu.memory_space<hbm>> -> memref<10000x128xf32, #tpu.memory_space<hbm>>
      tpu.wait_indirect_dma semaphore(%arg17 : memref<!tpu.dma_semaphore, #tpu.memory_space<semaphore_mem>>) src(%dma_wait3A_346 : memref<10000x128xf32, #tpu.memory_space<hbm>>) dst(%arg10 : memref<40x128xf32, #tpu.memory_space<vmem>>)
      %add3A_347 = arith.constant 3 : i32
      %add3A_348 = arith.addi %mul3A_290, %add3A_347 : i32
      %dma_start3A_349 = arith.constant 0 : i32
      %dma_start3A_350 = tpu.memref_slice %arg6[%add3A_348, %dma_start3A_349] : memref<250x40xi32, #tpu.memory_space<vmem>> -> memref<1x40xi32, #tpu.memory_space<vmem>>
      %dma_start3A_351 = tpu.memref_squeeze %dma_start3A_350 : memref<1x40xi32, #tpu.memory_space<vmem>> -> memref<40xi32, #tpu.memory_space<vmem>>
      %dma_start3A_352 = arith.constant 0 : i32
      %dma_start3A_353 = arith.constant 0 : i32
      %dma_start3A_354 = tpu.memref_slice %arg13[%dma_start3A_352, %dma_start3A_353] : memref<10000x128xf32, #tpu.memory_space<vmem_shared>> -> memref<10000x128xf32, #tpu.memory_space<vmem_shared>>
      tpu.enqueue_indirect_dma source(%arg10 : memref<40x128xf32, #tpu.memory_space<vmem>>) target(%dma_start3A_354 : memref<10000x128xf32, #tpu.memory_space<vmem_shared>>) offsets(%dma_start3A_351 : memref<40xi32, #tpu.memory_space<vmem>>) semaphore(%arg23 : memref<!tpu.dma_semaphore, #tpu.memory_space<semaphore_mem>>) {add = true}
      %add3A_355 = arith.constant 4 : i32
      %add3A_356 = arith.addi %mul3A_290, %add3A_355 : i32
      %dma_wait3A_357 = arith.constant 0 : i32
      %dma_wait3A_358 = tpu.memref_slice %arg5[%add3A_356, %dma_wait3A_357] : memref<250x40xi32, #tpu.memory_space<vmem>> -> memref<1x40xi32, #tpu.memory_space<vmem>>
      %dma_wait3A_359 = tpu.memref_squeeze %dma_wait3A_358 : memref<1x40xi32, #tpu.memory_space<vmem>> -> memref<40xi32, #tpu.memory_space<vmem>>
      %dma_wait3A_360 = arith.constant 0 : i32
      %dma_wait3A_361 = arith.constant 0 : i32
      %dma_wait3A_362 = tpu.memref_slice %arg2[%dma_wait3A_360, %dma_wait3A_361] : memref<10000x128xf32, #tpu.memory_space<hbm>> -> memref<10000x128xf32, #tpu.memory_space<hbm>>
      tpu.wait_indirect_dma semaphore(%arg18 : memref<!tpu.dma_semaphore, #tpu.memory_space<semaphore_mem>>) src(%dma_wait3A_362 : memref<10000x128xf32, #tpu.memory_space<hbm>>) dst(%arg11 : memref<40x128xf32, #tpu.memory_space<vmem>>)
      %add3A_363 = arith.constant 4 : i32
      %add3A_364 = arith.addi %mul3A_290, %add3A_363 : i32
      %dma_start3A_365 = arith.constant 0 : i32
      %dma_start3A_366 = tpu.memref_slice %arg6[%add3A_364, %dma_start3A_365] : memref<250x40xi32, #tpu.memory_space<vmem>> -> memref<1x40xi32, #tpu.memory_space<vmem>>
      %dma_start3A_367 = tpu.memref_squeeze %dma_start3A_366 : memref<1x40xi32, #tpu.memory_space<vmem>> -> memref<40xi32, #tpu.memory_space<vmem>>
      %dma_start3A_368 = arith.constant 0 : i32
      %dma_start3A_369 = arith.constant 0 : i32
      %dma_start3A_370 = tpu.memref_slice %arg13[%dma_start3A_368, %dma_start3A_369] : memref<10000x128xf32, #tpu.memory_space<vmem_shared>> -> memref<10000x128xf32, #tpu.memory_space<vmem_shared>>
      tpu.enqueue_indirect_dma source(%arg11 : memref<40x128xf32, #tpu.memory_space<vmem>>) target(%dma_start3A_370 : memref<10000x128xf32, #tpu.memory_space<vmem_shared>>) offsets(%dma_start3A_367 : memref<40xi32, #tpu.memory_space<vmem>>) semaphore(%arg24 : memref<!tpu.dma_semaphore, #tpu.memory_space<semaphore_mem>>) {add = true}
      %add3A_371 = arith.constant 5 : i32
      %add3A_372 = arith.addi %mul3A_290, %add3A_371 : i32
      %dma_wait3A_373 = arith.constant 0 : i32
      %dma_wait3A_374 = tpu.memref_slice %arg5[%add3A_372, %dma_wait3A_373] : memref<250x40xi32, #tpu.memory_space<vmem>> -> memref<1x40xi32, #tpu.memory_space<vmem>>
      %dma_wait3A_375 = tpu.memref_squeeze %dma_wait3A_374 : memref<1x40xi32, #tpu.memory_space<vmem>> -> memref<40xi32, #tpu.memory_space<vmem>>
      %dma_wait3A_376 = arith.constant 0 : i32
      %dma_wait3A_377 = arith.constant 0 : i32
      %dma_wait3A_378 = tpu.memref_slice %arg2[%dma_wait3A_376, %dma_wait3A_377] : memref<10000x128xf32, #tpu.memory_space<hbm>> -> memref<10000x128xf32, #tpu.memory_space<hbm>>
      tpu.wait_indirect_dma semaphore(%arg19 : memref<!tpu.dma_semaphore, #tpu.memory_space<semaphore_mem>>) src(%dma_wait3A_378 : memref<10000x128xf32, #tpu.memory_space<hbm>>) dst(%arg12 : memref<40x128xf32, #tpu.memory_space<vmem>>)
      %add3A_379 = arith.constant 5 : i32
      %add3A_380 = arith.addi %mul3A_290, %add3A_379 : i32
      %dma_start3A_381 = arith.constant 0 : i32
      %dma_start3A_382 = tpu.memref_slice %arg6[%add3A_380, %dma_start3A_381] : memref<250x40xi32, #tpu.memory_space<vmem>> -> memref<1x40xi32, #tpu.memory_space<vmem>>
      %dma_start3A_383 = tpu.memref_squeeze %dma_start3A_382 : memref<1x40xi32, #tpu.memory_space<vmem>> -> memref<40xi32, #tpu.memory_space<vmem>>
      %dma_start3A_384 = arith.constant 0 : i32
      %dma_start3A_385 = arith.constant 0 : i32
      %dma_start3A_386 = tpu.memref_slice %arg13[%dma_start3A_384, %dma_start3A_385] : memref<10000x128xf32, #tpu.memory_space<vmem_shared>> -> memref<10000x128xf32, #tpu.memory_space<vmem_shared>>
      tpu.enqueue_indirect_dma source(%arg12 : memref<40x128xf32, #tpu.memory_space<vmem>>) target(%dma_start3A_386 : memref<10000x128xf32, #tpu.memory_space<vmem_shared>>) offsets(%dma_start3A_383 : memref<40xi32, #tpu.memory_space<vmem>>) semaphore(%arg25 : memref<!tpu.dma_semaphore, #tpu.memory_space<semaphore_mem>>) {add = true}
      %add3A_387 = arith.constant 0 : i32
      %add3A_388 = arith.addi %mul3A_290, %add3A_387 : i32
      %dma_wait3A_389 = arith.constant 0 : i32
      %dma_wait3A_390 = tpu.memref_slice %arg6[%add3A_388, %dma_wait3A_389] : memref<250x40xi32, #tpu.memory_space<vmem>> -> memref<1x40xi32, #tpu.memory_space<vmem>>
      %dma_wait3A_391 = tpu.memref_squeeze %dma_wait3A_390 : memref<1x40xi32, #tpu.memory_space<vmem>> -> memref<40xi32, #tpu.memory_space<vmem>>
      %dma_wait3A_392 = arith.constant 0 : i32
      %dma_wait3A_393 = arith.constant 0 : i32
      %dma_wait3A_394 = tpu.memref_slice %arg13[%dma_wait3A_392, %dma_wait3A_393] : memref<10000x128xf32, #tpu.memory_space<vmem_shared>> -> memref<10000x128xf32, #tpu.memory_space<vmem_shared>>
      tpu.wait_indirect_dma semaphore(%arg20 : memref<!tpu.dma_semaphore, #tpu.memory_space<semaphore_mem>>) src(%arg7 : memref<40x128xf32, #tpu.memory_space<vmem>>) dst(%dma_wait3A_394 : memref<10000x128xf32, #tpu.memory_space<vmem_shared>>)
      %add3A_395 = arith.constant 6 : i32
      %add3A_396 = arith.addi %mul3A_290, %add3A_395 : i32
      %add3A_397 = arith.constant 0 : i32
      %add3A_398 = arith.addi %add3A_396, %add3A_397 : i32
      %dma_start3A_399 = arith.constant 0 : i32
      %dma_start3A_400 = tpu.memref_slice %arg5[%add3A_398, %dma_start3A_399] : memref<250x40xi32, #tpu.memory_space<vmem>> -> memref<1x40xi32, #tpu.memory_space<vmem>>
      %dma_start3A_401 = tpu.memref_squeeze %dma_start3A_400 : memref<1x40xi32, #tpu.memory_space<vmem>> -> memref<40xi32, #tpu.memory_space<vmem>>
      %dma_start3A_402 = arith.constant 0 : i32
      %dma_start3A_403 = arith.constant 0 : i32
      %dma_start3A_404 = tpu.memref_slice %arg2[%dma_start3A_402, %dma_start3A_403] : memref<10000x128xf32, #tpu.memory_space<hbm>> -> memref<10000x128xf32, #tpu.memory_space<hbm>>
      tpu.enqueue_indirect_dma source(%dma_start3A_404 : memref<10000x128xf32, #tpu.memory_space<hbm>>) target(%arg7 : memref<40x128xf32, #tpu.memory_space<vmem>>) offsets(%dma_start3A_401 : memref<40xi32, #tpu.memory_space<vmem>>) semaphore(%arg14 : memref<!tpu.dma_semaphore, #tpu.memory_space<semaphore_mem>>)
      %add3A_405 = arith.constant 1 : i32
      %add3A_406 = arith.addi %mul3A_290, %add3A_405 : i32
      %dma_wait3A_407 = arith.constant 0 : i32
      %dma_wait3A_408 = tpu.memref_slice %arg6[%add3A_406, %dma_wait3A_407] : memref<250x40xi32, #tpu.memory_space<vmem>> -> memref<1x40xi32, #tpu.memory_space<vmem>>
      %dma_wait3A_409 = tpu.memref_squeeze %dma_wait3A_408 : memref<1x40xi32, #tpu.memory_space<vmem>> -> memref<40xi32, #tpu.memory_space<vmem>>
      %dma_wait3A_410 = arith.constant 0 : i32
      %dma_wait3A_411 = arith.constant 0 : i32
      %dma_wait3A_412 = tpu.memref_slice %arg13[%dma_wait3A_410, %dma_wait3A_411] : memref<10000x128xf32, #tpu.memory_space<vmem_shared>> -> memref<10000x128xf32, #tpu.memory_space<vmem_shared>>
      tpu.wait_indirect_dma semaphore(%arg21 : memref<!tpu.dma_semaphore, #tpu.memory_space<semaphore_mem>>) src(%arg8 : memref<40x128xf32, #tpu.memory_space<vmem>>) dst(%dma_wait3A_412 : memref<10000x128xf32, #tpu.memory_space<vmem_shared>>)
      %add3A_413 = arith.constant 6 : i32
      %add3A_414 = arith.addi %mul3A_290, %add3A_413 : i32
      %add3A_415 = arith.constant 1 : i32
      %add3A_416 = arith.addi %add3A_414, %add3A_415 : i32
      %dma_start3A_417 = arith.constant 0 : i32
      %dma_start3A_418 = tpu.memref_slice %arg5[%add3A_416, %dma_start3A_417] : memref<250x40xi32, #tpu.memory_space<vmem>> -> memref<1x40xi32, #tpu.memory_space<vmem>>
      %dma_start3A_419 = tpu.memref_squeeze %dma_start3A_418 : memref<1x40xi32, #tpu.memory_space<vmem>> -> memref<40xi32, #tpu.memory_space<vmem>>
      %dma_start3A_420 = arith.constant 0 : i32
      %dma_start3A_421 = arith.constant 0 : i32
      %dma_start3A_422 = tpu.memref_slice %arg2[%dma_start3A_420, %dma_start3A_421] : memref<10000x128xf32, #tpu.memory_space<hbm>> -> memref<10000x128xf32, #tpu.memory_space<hbm>>
      tpu.enqueue_indirect_dma source(%dma_start3A_422 : memref<10000x128xf32, #tpu.memory_space<hbm>>) target(%arg8 : memref<40x128xf32, #tpu.memory_space<vmem>>) offsets(%dma_start3A_419 : memref<40xi32, #tpu.memory_space<vmem>>) semaphore(%arg15 : memref<!tpu.dma_semaphore, #tpu.memory_space<semaphore_mem>>)
      %add3A_423 = arith.constant 2 : i32
      %add3A_424 = arith.addi %mul3A_290, %add3A_423 : i32
      %dma_wait3A_425 = arith.constant 0 : i32
      %dma_wait3A_426 = tpu.memref_slice %arg6[%add3A_424, %dma_wait3A_425] : memref<250x40xi32, #tpu.memory_space<vmem>> -> memref<1x40xi32, #tpu.memory_space<vmem>>
      %dma_wait3A_427 = tpu.memref_squeeze %dma_wait3A_426 : memref<1x40xi32, #tpu.memory_space<vmem>> -> memref<40xi32, #tpu.memory_space<vmem>>
      %dma_wait3A_428 = arith.constant 0 : i32
      %dma_wait3A_429 = arith.constant 0 : i32
      %dma_wait3A_430 = tpu.memref_slice %arg13[%dma_wait3A_428, %dma_wait3A_429] : memref<10000x128xf32, #tpu.memory_space<vmem_shared>> -> memref<10000x128xf32, #tpu.memory_space<vmem_shared>>
      tpu.wait_indirect_dma semaphore(%arg22 : memref<!tpu.dma_semaphore, #tpu.memory_space<semaphore_mem>>) src(%arg9 : memref<40x128xf32, #tpu.memory_space<vmem>>) dst(%dma_wait3A_430 : memref<10000x128xf32, #tpu.memory_space<vmem_shared>>)
      %add3A_431 = arith.constant 6 : i32
      %add3A_432 = arith.addi %mul3A_290, %add3A_431 : i32
      %add3A_433 = arith.constant 2 : i32
      %add3A_434 = arith.addi %add3A_432, %add3A_433 : i32
      %dma_start3A_435 = arith.constant 0 : i32
      %dma_start3A_436 = tpu.memref_slice %arg5[%add3A_434, %dma_start3A_435] : memref<250x40xi32, #tpu.memory_space<vmem>> -> memref<1x40xi32, #tpu.memory_space<vmem>>
      %dma_start3A_437 = tpu.memref_squeeze %dma_start3A_436 : memref<1x40xi32, #tpu.memory_space<vmem>> -> memref<40xi32, #tpu.memory_space<vmem>>
      %dma_start3A_438 = arith.constant 0 : i32
      %dma_start3A_439 = arith.constant 0 : i32
      %dma_start3A_440 = tpu.memref_slice %arg2[%dma_start3A_438, %dma_start3A_439] : memref<10000x128xf32, #tpu.memory_space<hbm>> -> memref<10000x128xf32, #tpu.memory_space<hbm>>
      tpu.enqueue_indirect_dma source(%dma_start3A_440 : memref<10000x128xf32, #tpu.memory_space<hbm>>) target(%arg9 : memref<40x128xf32, #tpu.memory_space<vmem>>) offsets(%dma_start3A_437 : memref<40xi32, #tpu.memory_space<vmem>>) semaphore(%arg16 : memref<!tpu.dma_semaphore, #tpu.memory_space<semaphore_mem>>)
      %add3A_441 = arith.constant 3 : i32
      %add3A_442 = arith.addi %mul3A_290, %add3A_441 : i32
      %dma_wait3A_443 = arith.constant 0 : i32
      %dma_wait3A_444 = tpu.memref_slice %arg6[%add3A_442, %dma_wait3A_443] : memref<250x40xi32, #tpu.memory_space<vmem>> -> memref<1x40xi32, #tpu.memory_space<vmem>>
      %dma_wait3A_445 = tpu.memref_squeeze %dma_wait3A_444 : memref<1x40xi32, #tpu.memory_space<vmem>> -> memref<40xi32, #tpu.memory_space<vmem>>
      %dma_wait3A_446 = arith.constant 0 : i32
      %dma_wait3A_447 = arith.constant 0 : i32
      %dma_wait3A_448 = tpu.memref_slice %arg13[%dma_wait3A_446, %dma_wait3A_447] : memref<10000x128xf32, #tpu.memory_space<vmem_shared>> -> memref<10000x128xf32, #tpu.memory_space<vmem_shared>>
      tpu.wait_indirect_dma semaphore(%arg23 : memref<!tpu.dma_semaphore, #tpu.memory_space<semaphore_mem>>) src(%arg10 : memref<40x128xf32, #tpu.memory_space<vmem>>) dst(%dma_wait3A_448 : memref<10000x128xf32, #tpu.memory_space<vmem_shared>>)
      %add3A_449 = arith.constant 6 : i32
      %add3A_450 = arith.addi %mul3A_290, %add3A_449 : i32
      %add3A_451 = arith.constant 3 : i32
      %add3A_452 = arith.addi %add3A_450, %add3A_451 : i32
      %dma_start3A_453 = arith.constant 0 : i32
      %dma_start3A_454 = tpu.memref_slice %arg5[%add3A_452, %dma_start3A_453] : memref<250x40xi32, #tpu.memory_space<vmem>> -> memref<1x40xi32, #tpu.memory_space<vmem>>
      %dma_start3A_455 = tpu.memref_squeeze %dma_start3A_454 : memref<1x40xi32, #tpu.memory_space<vmem>> -> memref<40xi32, #tpu.memory_space<vmem>>
      %dma_start3A_456 = arith.constant 0 : i32
      %dma_start3A_457 = arith.constant 0 : i32
      %dma_start3A_458 = tpu.memref_slice %arg2[%dma_start3A_456, %dma_start3A_457] : memref<10000x128xf32, #tpu.memory_space<hbm>> -> memref<10000x128xf32, #tpu.memory_space<hbm>>
      tpu.enqueue_indirect_dma source(%dma_start3A_458 : memref<10000x128xf32, #tpu.memory_space<hbm>>) target(%arg10 : memref<40x128xf32, #tpu.memory_space<vmem>>) offsets(%dma_start3A_455 : memref<40xi32, #tpu.memory_space<vmem>>) semaphore(%arg17 : memref<!tpu.dma_semaphore, #tpu.memory_space<semaphore_mem>>)
      %add3A_459 = arith.constant 4 : i32
      %add3A_460 = arith.addi %mul3A_290, %add3A_459 : i32
      %dma_wait3A_461 = arith.constant 0 : i32
      %dma_wait3A_462 = tpu.memref_slice %arg6[%add3A_460, %dma_wait3A_461] : memref<250x40xi32, #tpu.memory_space<vmem>> -> memref<1x40xi32, #tpu.memory_space<vmem>>
      %dma_wait3A_463 = tpu.memref_squeeze %dma_wait3A_462 : memref<1x40xi32, #tpu.memory_space<vmem>> -> memref<40xi32, #tpu.memory_space<vmem>>
      %dma_wait3A_464 = arith.constant 0 : i32
      %dma_wait3A_465 = arith.constant 0 : i32
      %dma_wait3A_466 = tpu.memref_slice %arg13[%dma_wait3A_464, %dma_wait3A_465] : memref<10000x128xf32, #tpu.memory_space<vmem_shared>> -> memref<10000x128xf32, #tpu.memory_space<vmem_shared>>
      tpu.wait_indirect_dma semaphore(%arg24 : memref<!tpu.dma_semaphore, #tpu.memory_space<semaphore_mem>>) src(%arg11 : memref<40x128xf32, #tpu.memory_space<vmem>>) dst(%dma_wait3A_466 : memref<10000x128xf32, #tpu.memory_space<vmem_shared>>)
      %add3A_467 = arith.constant 6 : i32
      %add3A_468 = arith.addi %mul3A_290, %add3A_467 : i32
      %add3A_469 = arith.constant 4 : i32
      %add3A_470 = arith.addi %add3A_468, %add3A_469 : i32
      %dma_start3A_471 = arith.constant 0 : i32
      %dma_start3A_472 = tpu.memref_slice %arg5[%add3A_470, %dma_start3A_471] : memref<250x40xi32, #tpu.memory_space<vmem>> -> memref<1x40xi32, #tpu.memory_space<vmem>>
      %dma_start3A_473 = tpu.memref_squeeze %dma_start3A_472 : memref<1x40xi32, #tpu.memory_space<vmem>> -> memref<40xi32, #tpu.memory_space<vmem>>
      %dma_start3A_474 = arith.constant 0 : i32
      %dma_start3A_475 = arith.constant 0 : i32
      %dma_start3A_476 = tpu.memref_slice %arg2[%dma_start3A_474, %dma_start3A_475] : memref<10000x128xf32, #tpu.memory_space<hbm>> -> memref<10000x128xf32, #tpu.memory_space<hbm>>
      tpu.enqueue_indirect_dma source(%dma_start3A_476 : memref<10000x128xf32, #tpu.memory_space<hbm>>) target(%arg11 : memref<40x128xf32, #tpu.memory_space<vmem>>) offsets(%dma_start3A_473 : memref<40xi32, #tpu.memory_space<vmem>>) semaphore(%arg18 : memref<!tpu.dma_semaphore, #tpu.memory_space<semaphore_mem>>)
      %add3A_477 = arith.constant 5 : i32
      %add3A_478 = arith.addi %mul3A_290, %add3A_477 : i32
      %dma_wait3A_479 = arith.constant 0 : i32
      %dma_wait3A_480 = tpu.memref_slice %arg6[%add3A_478, %dma_wait3A_479] : memref<250x40xi32, #tpu.memory_space<vmem>> -> memref<1x40xi32, #tpu.memory_space<vmem>>
      %dma_wait3A_481 = tpu.memref_squeeze %dma_wait3A_480 : memref<1x40xi32, #tpu.memory_space<vmem>> -> memref<40xi32, #tpu.memory_space<vmem>>
      %dma_wait3A_482 = arith.constant 0 : i32
      %dma_wait3A_483 = arith.constant 0 : i32
      %dma_wait3A_484 = tpu.memref_slice %arg13[%dma_wait3A_482, %dma_wait3A_483] : memref<10000x128xf32, #tpu.memory_space<vmem_shared>> -> memref<10000x128xf32, #tpu.memory_space<vmem_shared>>
      tpu.wait_indirect_dma semaphore(%arg25 : memref<!tpu.dma_semaphore, #tpu.memory_space<semaphore_mem>>) src(%arg12 : memref<40x128xf32, #tpu.memory_space<vmem>>) dst(%dma_wait3A_484 : memref<10000x128xf32, #tpu.memory_space<vmem_shared>>)
      %add3A_485 = arith.constant 6 : i32
      %add3A_486 = arith.addi %mul3A_290, %add3A_485 : i32
      %add3A_487 = arith.constant 5 : i32
      %add3A_488 = arith.addi %add3A_486, %add3A_487 : i32
      %dma_start3A_489 = arith.constant 0 : i32
      %dma_start3A_490 = tpu.memref_slice %arg5[%add3A_488, %dma_start3A_489] : memref<250x40xi32, #tpu.memory_space<vmem>> -> memref<1x40xi32, #tpu.memory_space<vmem>>
      %dma_start3A_491 = tpu.memref_squeeze %dma_start3A_490 : memref<1x40xi32, #tpu.memory_space<vmem>> -> memref<40xi32, #tpu.memory_space<vmem>>
      %dma_start3A_492 = arith.constant 0 : i32
      %dma_start3A_493 = arith.constant 0 : i32
      %dma_start3A_494 = tpu.memref_slice %arg2[%dma_start3A_492, %dma_start3A_493] : memref<10000x128xf32, #tpu.memory_space<hbm>> -> memref<10000x128xf32, #tpu.memory_space<hbm>>
      tpu.enqueue_indirect_dma source(%dma_start3A_494 : memref<10000x128xf32, #tpu.memory_space<hbm>>) target(%arg12 : memref<40x128xf32, #tpu.memory_space<vmem>>) offsets(%dma_start3A_491 : memref<40xi32, #tpu.memory_space<vmem>>) semaphore(%arg19 : memref<!tpu.dma_semaphore, #tpu.memory_space<semaphore_mem>>)
    }
    %scan3A_49 = arith.constant 40 : i32
    %dma_wait3A = arith.constant 240 : i32
    %dma_wait3A_50 = arith.constant 0 : i32
    %dma_wait3A_51 = tpu.memref_slice %arg5[%dma_wait3A, %dma_wait3A_50] : memref<250x40xi32, #tpu.memory_space<vmem>> -> memref<1x40xi32, #tpu.memory_space<vmem>>
    %dma_wait3A_52 = tpu.memref_squeeze %dma_wait3A_51 : memref<1x40xi32, #tpu.memory_space<vmem>> -> memref<40xi32, #tpu.memory_space<vmem>>
    %dma_wait3A_53 = arith.constant 0 : i32
    %dma_wait3A_54 = arith.constant 0 : i32
    %dma_wait3A_55 = tpu.memref_slice %arg2[%dma_wait3A_53, %dma_wait3A_54] : memref<10000x128xf32, #tpu.memory_space<hbm>> -> memref<10000x128xf32, #tpu.memory_space<hbm>>
    tpu.wait_indirect_dma semaphore(%arg14 : memref<!tpu.dma_semaphore, #tpu.memory_space<semaphore_mem>>) src(%dma_wait3A_55 : memref<10000x128xf32, #tpu.memory_space<hbm>>) dst(%arg7 : memref<40x128xf32, #tpu.memory_space<vmem>>)
    %dma_start3A_56 = arith.constant 240 : i32
    %dma_start3A_57 = arith.constant 0 : i32
    %dma_start3A_58 = tpu.memref_slice %arg6[%dma_start3A_56, %dma_start3A_57] : memref<250x40xi32, #tpu.memory_space<vmem>> -> memref<1x40xi32, #tpu.memory_space<vmem>>
    %dma_start3A_59 = tpu.memref_squeeze %dma_start3A_58 : memref<1x40xi32, #tpu.memory_space<vmem>> -> memref<40xi32, #tpu.memory_space<vmem>>
    %dma_start3A_60 = arith.constant 0 : i32
    %dma_start3A_61 = arith.constant 0 : i32
    %dma_start3A_62 = tpu.memref_slice %arg13[%dma_start3A_60, %dma_start3A_61] : memref<10000x128xf32, #tpu.memory_space<vmem_shared>> -> memref<10000x128xf32, #tpu.memory_space<vmem_shared>>
    tpu.enqueue_indirect_dma source(%arg7 : memref<40x128xf32, #tpu.memory_space<vmem>>) target(%dma_start3A_62 : memref<10000x128xf32, #tpu.memory_space<vmem_shared>>) offsets(%dma_start3A_59 : memref<40xi32, #tpu.memory_space<vmem>>) semaphore(%arg20 : memref<!tpu.dma_semaphore, #tpu.memory_space<semaphore_mem>>) {add = true}
    %dma_wait3A_63 = arith.constant 241 : i32
    %dma_wait3A_64 = arith.constant 0 : i32
    %dma_wait3A_65 = tpu.memref_slice %arg5[%dma_wait3A_63, %dma_wait3A_64] : memref<250x40xi32, #tpu.memory_space<vmem>> -> memref<1x40xi32, #tpu.memory_space<vmem>>
    %dma_wait3A_66 = tpu.memref_squeeze %dma_wait3A_65 : memref<1x40xi32, #tpu.memory_space<vmem>> -> memref<40xi32, #tpu.memory_space<vmem>>
    %dma_wait3A_67 = arith.constant 0 : i32
    %dma_wait3A_68 = arith.constant 0 : i32
    %dma_wait3A_69 = tpu.memref_slice %arg2[%dma_wait3A_67, %dma_wait3A_68] : memref<10000x128xf32, #tpu.memory_space<hbm>> -> memref<10000x128xf32, #tpu.memory_space<hbm>>
    tpu.wait_indirect_dma semaphore(%arg15 : memref<!tpu.dma_semaphore, #tpu.memory_space<semaphore_mem>>) src(%dma_wait3A_69 : memref<10000x128xf32, #tpu.memory_space<hbm>>) dst(%arg8 : memref<40x128xf32, #tpu.memory_space<vmem>>)
    %dma_start3A_70 = arith.constant 241 : i32
    %dma_start3A_71 = arith.constant 0 : i32
    %dma_start3A_72 = tpu.memref_slice %arg6[%dma_start3A_70, %dma_start3A_71] : memref<250x40xi32, #tpu.memory_space<vmem>> -> memref<1x40xi32, #tpu.memory_space<vmem>>
    %dma_start3A_73 = tpu.memref_squeeze %dma_start3A_72 : memref<1x40xi32, #tpu.memory_space<vmem>> -> memref<40xi32, #tpu.memory_space<vmem>>
    %dma_start3A_74 = arith.constant 0 : i32
    %dma_start3A_75 = arith.constant 0 : i32
    %dma_start3A_76 = tpu.memref_slice %arg13[%dma_start3A_74, %dma_start3A_75] : memref<10000x128xf32, #tpu.memory_space<vmem_shared>> -> memref<10000x128xf32, #tpu.memory_space<vmem_shared>>
    tpu.enqueue_indirect_dma source(%arg8 : memref<40x128xf32, #tpu.memory_space<vmem>>) target(%dma_start3A_76 : memref<10000x128xf32, #tpu.memory_space<vmem_shared>>) offsets(%dma_start3A_73 : memref<40xi32, #tpu.memory_space<vmem>>) semaphore(%arg21 : memref<!tpu.dma_semaphore, #tpu.memory_space<semaphore_mem>>) {add = true}
    %dma_wait3A_77 = arith.constant 242 : i32
    %dma_wait3A_78 = arith.constant 0 : i32
    %dma_wait3A_79 = tpu.memref_slice %arg5[%dma_wait3A_77, %dma_wait3A_78] : memref<250x40xi32, #tpu.memory_space<vmem>> -> memref<1x40xi32, #tpu.memory_space<vmem>>
    %dma_wait3A_80 = tpu.memref_squeeze %dma_wait3A_79 : memref<1x40xi32, #tpu.memory_space<vmem>> -> memref<40xi32, #tpu.memory_space<vmem>>
    %dma_wait3A_81 = arith.constant 0 : i32
    %dma_wait3A_82 = arith.constant 0 : i32
    %dma_wait3A_83 = tpu.memref_slice %arg2[%dma_wait3A_81, %dma_wait3A_82] : memref<10000x128xf32, #tpu.memory_space<hbm>> -> memref<10000x128xf32, #tpu.memory_space<hbm>>
    tpu.wait_indirect_dma semaphore(%arg16 : memref<!tpu.dma_semaphore, #tpu.memory_space<semaphore_mem>>) src(%dma_wait3A_83 : memref<10000x128xf32, #tpu.memory_space<hbm>>) dst(%arg9 : memref<40x128xf32, #tpu.memory_space<vmem>>)
    %dma_start3A_84 = arith.constant 242 : i32
    %dma_start3A_85 = arith.constant 0 : i32
    %dma_start3A_86 = tpu.memref_slice %arg6[%dma_start3A_84, %dma_start3A_85] : memref<250x40xi32, #tpu.memory_space<vmem>> -> memref<1x40xi32, #tpu.memory_space<vmem>>
    %dma_start3A_87 = tpu.memref_squeeze %dma_start3A_86 : memref<1x40xi32, #tpu.memory_space<vmem>> -> memref<40xi32, #tpu.memory_space<vmem>>
    %dma_start3A_88 = arith.constant 0 : i32
    %dma_start3A_89 = arith.constant 0 : i32
    %dma_start3A_90 = tpu.memref_slice %arg13[%dma_start3A_88, %dma_start3A_89] : memref<10000x128xf32, #tpu.memory_space<vmem_shared>> -> memref<10000x128xf32, #tpu.memory_space<vmem_shared>>
    tpu.enqueue_indirect_dma source(%arg9 : memref<40x128xf32, #tpu.memory_space<vmem>>) target(%dma_start3A_90 : memref<10000x128xf32, #tpu.memory_space<vmem_shared>>) offsets(%dma_start3A_87 : memref<40xi32, #tpu.memory_space<vmem>>) semaphore(%arg22 : memref<!tpu.dma_semaphore, #tpu.memory_space<semaphore_mem>>) {add = true}
    %dma_wait3A_91 = arith.constant 243 : i32
    %dma_wait3A_92 = arith.constant 0 : i32
    %dma_wait3A_93 = tpu.memref_slice %arg5[%dma_wait3A_91, %dma_wait3A_92] : memref<250x40xi32, #tpu.memory_space<vmem>> -> memref<1x40xi32, #tpu.memory_space<vmem>>
    %dma_wait3A_94 = tpu.memref_squeeze %dma_wait3A_93 : memref<1x40xi32, #tpu.memory_space<vmem>> -> memref<40xi32, #tpu.memory_space<vmem>>
    %dma_wait3A_95 = arith.constant 0 : i32
    %dma_wait3A_96 = arith.constant 0 : i32
    %dma_wait3A_97 = tpu.memref_slice %arg2[%dma_wait3A_95, %dma_wait3A_96] : memref<10000x128xf32, #tpu.memory_space<hbm>> -> memref<10000x128xf32, #tpu.memory_space<hbm>>
    tpu.wait_indirect_dma semaphore(%arg17 : memref<!tpu.dma_semaphore, #tpu.memory_space<semaphore_mem>>) src(%dma_wait3A_97 : memref<10000x128xf32, #tpu.memory_space<hbm>>) dst(%arg10 : memref<40x128xf32, #tpu.memory_space<vmem>>)
    %dma_start3A_98 = arith.constant 243 : i32
    %dma_start3A_99 = arith.constant 0 : i32
    %dma_start3A_100 = tpu.memref_slice %arg6[%dma_start3A_98, %dma_start3A_99] : memref<250x40xi32, #tpu.memory_space<vmem>> -> memref<1x40xi32, #tpu.memory_space<vmem>>
    %dma_start3A_101 = tpu.memref_squeeze %dma_start3A_100 : memref<1x40xi32, #tpu.memory_space<vmem>> -> memref<40xi32, #tpu.memory_space<vmem>>
    %dma_start3A_102 = arith.constant 0 : i32
    %dma_start3A_103 = arith.constant 0 : i32
    %dma_start3A_104 = tpu.memref_slice %arg13[%dma_start3A_102, %dma_start3A_103] : memref<10000x128xf32, #tpu.memory_space<vmem_shared>> -> memref<10000x128xf32, #tpu.memory_space<vmem_shared>>
    tpu.enqueue_indirect_dma source(%arg10 : memref<40x128xf32, #tpu.memory_space<vmem>>) target(%dma_start3A_104 : memref<10000x128xf32, #tpu.memory_space<vmem_shared>>) offsets(%dma_start3A_101 : memref<40xi32, #tpu.memory_space<vmem>>) semaphore(%arg23 : memref<!tpu.dma_semaphore, #tpu.memory_space<semaphore_mem>>) {add = true}
    %dma_wait3A_105 = arith.constant 244 : i32
    %dma_wait3A_106 = arith.constant 0 : i32
    %dma_wait3A_107 = tpu.memref_slice %arg5[%dma_wait3A_105, %dma_wait3A_106] : memref<250x40xi32, #tpu.memory_space<vmem>> -> memref<1x40xi32, #tpu.memory_space<vmem>>
    %dma_wait3A_108 = tpu.memref_squeeze %dma_wait3A_107 : memref<1x40xi32, #tpu.memory_space<vmem>> -> memref<40xi32, #tpu.memory_space<vmem>>
    %dma_wait3A_109 = arith.constant 0 : i32
    %dma_wait3A_110 = arith.constant 0 : i32
    %dma_wait3A_111 = tpu.memref_slice %arg2[%dma_wait3A_109, %dma_wait3A_110] : memref<10000x128xf32, #tpu.memory_space<hbm>> -> memref<10000x128xf32, #tpu.memory_space<hbm>>
    tpu.wait_indirect_dma semaphore(%arg18 : memref<!tpu.dma_semaphore, #tpu.memory_space<semaphore_mem>>) src(%dma_wait3A_111 : memref<10000x128xf32, #tpu.memory_space<hbm>>) dst(%arg11 : memref<40x128xf32, #tpu.memory_space<vmem>>)
    %dma_start3A_112 = arith.constant 244 : i32
    %dma_start3A_113 = arith.constant 0 : i32
    %dma_start3A_114 = tpu.memref_slice %arg6[%dma_start3A_112, %dma_start3A_113] : memref<250x40xi32, #tpu.memory_space<vmem>> -> memref<1x40xi32, #tpu.memory_space<vmem>>
    %dma_start3A_115 = tpu.memref_squeeze %dma_start3A_114 : memref<1x40xi32, #tpu.memory_space<vmem>> -> memref<40xi32, #tpu.memory_space<vmem>>
    %dma_start3A_116 = arith.constant 0 : i32
    %dma_start3A_117 = arith.constant 0 : i32
    %dma_start3A_118 = tpu.memref_slice %arg13[%dma_start3A_116, %dma_start3A_117] : memref<10000x128xf32, #tpu.memory_space<vmem_shared>> -> memref<10000x128xf32, #tpu.memory_space<vmem_shared>>
    tpu.enqueue_indirect_dma source(%arg11 : memref<40x128xf32, #tpu.memory_space<vmem>>) target(%dma_start3A_118 : memref<10000x128xf32, #tpu.memory_space<vmem_shared>>) offsets(%dma_start3A_115 : memref<40xi32, #tpu.memory_space<vmem>>) semaphore(%arg24 : memref<!tpu.dma_semaphore, #tpu.memory_space<semaphore_mem>>) {add = true}
    %dma_wait3A_119 = arith.constant 245 : i32
    %dma_wait3A_120 = arith.constant 0 : i32
    %dma_wait3A_121 = tpu.memref_slice %arg5[%dma_wait3A_119, %dma_wait3A_120] : memref<250x40xi32, #tpu.memory_space<vmem>> -> memref<1x40xi32, #tpu.memory_space<vmem>>
    %dma_wait3A_122 = tpu.memref_squeeze %dma_wait3A_121 : memref<1x40xi32, #tpu.memory_space<vmem>> -> memref<40xi32, #tpu.memory_space<vmem>>
    %dma_wait3A_123 = arith.constant 0 : i32
    %dma_wait3A_124 = arith.constant 0 : i32
    %dma_wait3A_125 = tpu.memref_slice %arg2[%dma_wait3A_123, %dma_wait3A_124] : memref<10000x128xf32, #tpu.memory_space<hbm>> -> memref<10000x128xf32, #tpu.memory_space<hbm>>
    tpu.wait_indirect_dma semaphore(%arg19 : memref<!tpu.dma_semaphore, #tpu.memory_space<semaphore_mem>>) src(%dma_wait3A_125 : memref<10000x128xf32, #tpu.memory_space<hbm>>) dst(%arg12 : memref<40x128xf32, #tpu.memory_space<vmem>>)
    %dma_start3A_126 = arith.constant 245 : i32
    %dma_start3A_127 = arith.constant 0 : i32
    %dma_start3A_128 = tpu.memref_slice %arg6[%dma_start3A_126, %dma_start3A_127] : memref<250x40xi32, #tpu.memory_space<vmem>> -> memref<1x40xi32, #tpu.memory_space<vmem>>
    %dma_start3A_129 = tpu.memref_squeeze %dma_start3A_128 : memref<1x40xi32, #tpu.memory_space<vmem>> -> memref<40xi32, #tpu.memory_space<vmem>>
    %dma_start3A_130 = arith.constant 0 : i32
    %dma_start3A_131 = arith.constant 0 : i32
    %dma_start3A_132 = tpu.memref_slice %arg13[%dma_start3A_130, %dma_start3A_131] : memref<10000x128xf32, #tpu.memory_space<vmem_shared>> -> memref<10000x128xf32, #tpu.memory_space<vmem_shared>>
    tpu.enqueue_indirect_dma source(%arg12 : memref<40x128xf32, #tpu.memory_space<vmem>>) target(%dma_start3A_132 : memref<10000x128xf32, #tpu.memory_space<vmem_shared>>) offsets(%dma_start3A_129 : memref<40xi32, #tpu.memory_space<vmem>>) semaphore(%arg25 : memref<!tpu.dma_semaphore, #tpu.memory_space<semaphore_mem>>) {add = true}
    %dma_wait3A_133 = arith.constant 240 : i32
    %dma_wait3A_134 = arith.constant 0 : i32
    %dma_wait3A_135 = tpu.memref_slice %arg6[%dma_wait3A_133, %dma_wait3A_134] : memref<250x40xi32, #tpu.memory_space<vmem>> -> memref<1x40xi32, #tpu.memory_space<vmem>>
    %dma_wait3A_136 = tpu.memref_squeeze %dma_wait3A_135 : memref<1x40xi32, #tpu.memory_space<vmem>> -> memref<40xi32, #tpu.memory_space<vmem>>
    %dma_wait3A_137 = arith.constant 0 : i32
    %dma_wait3A_138 = arith.constant 0 : i32
    %dma_wait3A_139 = tpu.memref_slice %arg13[%dma_wait3A_137, %dma_wait3A_138] : memref<10000x128xf32, #tpu.memory_space<vmem_shared>> -> memref<10000x128xf32, #tpu.memory_space<vmem_shared>>
    tpu.wait_indirect_dma semaphore(%arg20 : memref<!tpu.dma_semaphore, #tpu.memory_space<semaphore_mem>>) src(%arg7 : memref<40x128xf32, #tpu.memory_space<vmem>>) dst(%dma_wait3A_139 : memref<10000x128xf32, #tpu.memory_space<vmem_shared>>)
    %dma_start3A_140 = arith.constant 246 : i32
    %dma_start3A_141 = arith.constant 0 : i32
    %dma_start3A_142 = tpu.memref_slice %arg5[%dma_start3A_140, %dma_start3A_141] : memref<250x40xi32, #tpu.memory_space<vmem>> -> memref<1x40xi32, #tpu.memory_space<vmem>>
    %dma_start3A_143 = tpu.memref_squeeze %dma_start3A_142 : memref<1x40xi32, #tpu.memory_space<vmem>> -> memref<40xi32, #tpu.memory_space<vmem>>
    %dma_start3A_144 = arith.constant 0 : i32
    %dma_start3A_145 = arith.constant 0 : i32
    %dma_start3A_146 = tpu.memref_slice %arg2[%dma_start3A_144, %dma_start3A_145] : memref<10000x128xf32, #tpu.memory_space<hbm>> -> memref<10000x128xf32, #tpu.memory_space<hbm>>
    tpu.enqueue_indirect_dma source(%dma_start3A_146 : memref<10000x128xf32, #tpu.memory_space<hbm>>) target(%arg7 : memref<40x128xf32, #tpu.memory_space<vmem>>) offsets(%dma_start3A_143 : memref<40xi32, #tpu.memory_space<vmem>>) semaphore(%arg14 : memref<!tpu.dma_semaphore, #tpu.memory_space<semaphore_mem>>)
    %dma_wait3A_147 = arith.constant 246 : i32
    %dma_wait3A_148 = arith.constant 0 : i32
    %dma_wait3A_149 = tpu.memref_slice %arg5[%dma_wait3A_147, %dma_wait3A_148] : memref<250x40xi32, #tpu.memory_space<vmem>> -> memref<1x40xi32, #tpu.memory_space<vmem>>
    %dma_wait3A_150 = tpu.memref_squeeze %dma_wait3A_149 : memref<1x40xi32, #tpu.memory_space<vmem>> -> memref<40xi32, #tpu.memory_space<vmem>>
    %dma_wait3A_151 = arith.constant 0 : i32
    %dma_wait3A_152 = arith.constant 0 : i32
    %dma_wait3A_153 = tpu.memref_slice %arg2[%dma_wait3A_151, %dma_wait3A_152] : memref<10000x128xf32, #tpu.memory_space<hbm>> -> memref<10000x128xf32, #tpu.memory_space<hbm>>
    tpu.wait_indirect_dma semaphore(%arg14 : memref<!tpu.dma_semaphore, #tpu.memory_space<semaphore_mem>>) src(%dma_wait3A_153 : memref<10000x128xf32, #tpu.memory_space<hbm>>) dst(%arg7 : memref<40x128xf32, #tpu.memory_space<vmem>>)
    %dma_start3A_154 = arith.constant 246 : i32
    %dma_start3A_155 = arith.constant 0 : i32
    %dma_start3A_156 = tpu.memref_slice %arg6[%dma_start3A_154, %dma_start3A_155] : memref<250x40xi32, #tpu.memory_space<vmem>> -> memref<1x40xi32, #tpu.memory_space<vmem>>
    %dma_start3A_157 = tpu.memref_squeeze %dma_start3A_156 : memref<1x40xi32, #tpu.memory_space<vmem>> -> memref<40xi32, #tpu.memory_space<vmem>>
    %dma_start3A_158 = arith.constant 0 : i32
    %dma_start3A_159 = arith.constant 0 : i32
    %dma_start3A_160 = tpu.memref_slice %arg13[%dma_start3A_158, %dma_start3A_159] : memref<10000x128xf32, #tpu.memory_space<vmem_shared>> -> memref<10000x128xf32, #tpu.memory_space<vmem_shared>>
    tpu.enqueue_indirect_dma source(%arg7 : memref<40x128xf32, #tpu.memory_space<vmem>>) target(%dma_start3A_160 : memref<10000x128xf32, #tpu.memory_space<vmem_shared>>) offsets(%dma_start3A_157 : memref<40xi32, #tpu.memory_space<vmem>>) semaphore(%arg20 : memref<!tpu.dma_semaphore, #tpu.memory_space<semaphore_mem>>) {add = true}
    %dma_wait3A_161 = arith.constant 241 : i32
    %dma_wait3A_162 = arith.constant 0 : i32
    %dma_wait3A_163 = tpu.memref_slice %arg6[%dma_wait3A_161, %dma_wait3A_162] : memref<250x40xi32, #tpu.memory_space<vmem>> -> memref<1x40xi32, #tpu.memory_space<vmem>>
    %dma_wait3A_164 = tpu.memref_squeeze %dma_wait3A_163 : memref<1x40xi32, #tpu.memory_space<vmem>> -> memref<40xi32, #tpu.memory_space<vmem>>
    %dma_wait3A_165 = arith.constant 0 : i32
    %dma_wait3A_166 = arith.constant 0 : i32
    %dma_wait3A_167 = tpu.memref_slice %arg13[%dma_wait3A_165, %dma_wait3A_166] : memref<10000x128xf32, #tpu.memory_space<vmem_shared>> -> memref<10000x128xf32, #tpu.memory_space<vmem_shared>>
    tpu.wait_indirect_dma semaphore(%arg21 : memref<!tpu.dma_semaphore, #tpu.memory_space<semaphore_mem>>) src(%arg8 : memref<40x128xf32, #tpu.memory_space<vmem>>) dst(%dma_wait3A_167 : memref<10000x128xf32, #tpu.memory_space<vmem_shared>>)
    %dma_start3A_168 = arith.constant 247 : i32
    %dma_start3A_169 = arith.constant 0 : i32
    %dma_start3A_170 = tpu.memref_slice %arg5[%dma_start3A_168, %dma_start3A_169] : memref<250x40xi32, #tpu.memory_space<vmem>> -> memref<1x40xi32, #tpu.memory_space<vmem>>
    %dma_start3A_171 = tpu.memref_squeeze %dma_start3A_170 : memref<1x40xi32, #tpu.memory_space<vmem>> -> memref<40xi32, #tpu.memory_space<vmem>>
    %dma_start3A_172 = arith.constant 0 : i32
    %dma_start3A_173 = arith.constant 0 : i32
    %dma_start3A_174 = tpu.memref_slice %arg2[%dma_start3A_172, %dma_start3A_173] : memref<10000x128xf32, #tpu.memory_space<hbm>> -> memref<10000x128xf32, #tpu.memory_space<hbm>>
    tpu.enqueue_indirect_dma source(%dma_start3A_174 : memref<10000x128xf32, #tpu.memory_space<hbm>>) target(%arg8 : memref<40x128xf32, #tpu.memory_space<vmem>>) offsets(%dma_start3A_171 : memref<40xi32, #tpu.memory_space<vmem>>) semaphore(%arg15 : memref<!tpu.dma_semaphore, #tpu.memory_space<semaphore_mem>>)
    %dma_wait3A_175 = arith.constant 247 : i32
    %dma_wait3A_176 = arith.constant 0 : i32
    %dma_wait3A_177 = tpu.memref_slice %arg5[%dma_wait3A_175, %dma_wait3A_176] : memref<250x40xi32, #tpu.memory_space<vmem>> -> memref<1x40xi32, #tpu.memory_space<vmem>>
    %dma_wait3A_178 = tpu.memref_squeeze %dma_wait3A_177 : memref<1x40xi32, #tpu.memory_space<vmem>> -> memref<40xi32, #tpu.memory_space<vmem>>
    %dma_wait3A_179 = arith.constant 0 : i32
    %dma_wait3A_180 = arith.constant 0 : i32
    %dma_wait3A_181 = tpu.memref_slice %arg2[%dma_wait3A_179, %dma_wait3A_180] : memref<10000x128xf32, #tpu.memory_space<hbm>> -> memref<10000x128xf32, #tpu.memory_space<hbm>>
    tpu.wait_indirect_dma semaphore(%arg15 : memref<!tpu.dma_semaphore, #tpu.memory_space<semaphore_mem>>) src(%dma_wait3A_181 : memref<10000x128xf32, #tpu.memory_space<hbm>>) dst(%arg8 : memref<40x128xf32, #tpu.memory_space<vmem>>)
    %dma_start3A_182 = arith.constant 247 : i32
    %dma_start3A_183 = arith.constant 0 : i32
    %dma_start3A_184 = tpu.memref_slice %arg6[%dma_start3A_182, %dma_start3A_183] : memref<250x40xi32, #tpu.memory_space<vmem>> -> memref<1x40xi32, #tpu.memory_space<vmem>>
    %dma_start3A_185 = tpu.memref_squeeze %dma_start3A_184 : memref<1x40xi32, #tpu.memory_space<vmem>> -> memref<40xi32, #tpu.memory_space<vmem>>
    %dma_start3A_186 = arith.constant 0 : i32
    %dma_start3A_187 = arith.constant 0 : i32
    %dma_start3A_188 = tpu.memref_slice %arg13[%dma_start3A_186, %dma_start3A_187] : memref<10000x128xf32, #tpu.memory_space<vmem_shared>> -> memref<10000x128xf32, #tpu.memory_space<vmem_shared>>
    tpu.enqueue_indirect_dma source(%arg8 : memref<40x128xf32, #tpu.memory_space<vmem>>) target(%dma_start3A_188 : memref<10000x128xf32, #tpu.memory_space<vmem_shared>>) offsets(%dma_start3A_185 : memref<40xi32, #tpu.memory_space<vmem>>) semaphore(%arg21 : memref<!tpu.dma_semaphore, #tpu.memory_space<semaphore_mem>>) {add = true}
    %dma_wait3A_189 = arith.constant 242 : i32
    %dma_wait3A_190 = arith.constant 0 : i32
    %dma_wait3A_191 = tpu.memref_slice %arg6[%dma_wait3A_189, %dma_wait3A_190] : memref<250x40xi32, #tpu.memory_space<vmem>> -> memref<1x40xi32, #tpu.memory_space<vmem>>
    %dma_wait3A_192 = tpu.memref_squeeze %dma_wait3A_191 : memref<1x40xi32, #tpu.memory_space<vmem>> -> memref<40xi32, #tpu.memory_space<vmem>>
    %dma_wait3A_193 = arith.constant 0 : i32
    %dma_wait3A_194 = arith.constant 0 : i32
    %dma_wait3A_195 = tpu.memref_slice %arg13[%dma_wait3A_193, %dma_wait3A_194] : memref<10000x128xf32, #tpu.memory_space<vmem_shared>> -> memref<10000x128xf32, #tpu.memory_space<vmem_shared>>
    tpu.wait_indirect_dma semaphore(%arg22 : memref<!tpu.dma_semaphore, #tpu.memory_space<semaphore_mem>>) src(%arg9 : memref<40x128xf32, #tpu.memory_space<vmem>>) dst(%dma_wait3A_195 : memref<10000x128xf32, #tpu.memory_space<vmem_shared>>)
    %dma_start3A_196 = arith.constant 248 : i32
    %dma_start3A_197 = arith.constant 0 : i32
    %dma_start3A_198 = tpu.memref_slice %arg5[%dma_start3A_196, %dma_start3A_197] : memref<250x40xi32, #tpu.memory_space<vmem>> -> memref<1x40xi32, #tpu.memory_space<vmem>>
    %dma_start3A_199 = tpu.memref_squeeze %dma_start3A_198 : memref<1x40xi32, #tpu.memory_space<vmem>> -> memref<40xi32, #tpu.memory_space<vmem>>
    %dma_start3A_200 = arith.constant 0 : i32
    %dma_start3A_201 = arith.constant 0 : i32
    %dma_start3A_202 = tpu.memref_slice %arg2[%dma_start3A_200, %dma_start3A_201] : memref<10000x128xf32, #tpu.memory_space<hbm>> -> memref<10000x128xf32, #tpu.memory_space<hbm>>
    tpu.enqueue_indirect_dma source(%dma_start3A_202 : memref<10000x128xf32, #tpu.memory_space<hbm>>) target(%arg9 : memref<40x128xf32, #tpu.memory_space<vmem>>) offsets(%dma_start3A_199 : memref<40xi32, #tpu.memory_space<vmem>>) semaphore(%arg16 : memref<!tpu.dma_semaphore, #tpu.memory_space<semaphore_mem>>)
    %dma_wait3A_203 = arith.constant 248 : i32
    %dma_wait3A_204 = arith.constant 0 : i32
    %dma_wait3A_205 = tpu.memref_slice %arg5[%dma_wait3A_203, %dma_wait3A_204] : memref<250x40xi32, #tpu.memory_space<vmem>> -> memref<1x40xi32, #tpu.memory_space<vmem>>
    %dma_wait3A_206 = tpu.memref_squeeze %dma_wait3A_205 : memref<1x40xi32, #tpu.memory_space<vmem>> -> memref<40xi32, #tpu.memory_space<vmem>>
    %dma_wait3A_207 = arith.constant 0 : i32
    %dma_wait3A_208 = arith.constant 0 : i32
    %dma_wait3A_209 = tpu.memref_slice %arg2[%dma_wait3A_207, %dma_wait3A_208] : memref<10000x128xf32, #tpu.memory_space<hbm>> -> memref<10000x128xf32, #tpu.memory_space<hbm>>
    tpu.wait_indirect_dma semaphore(%arg16 : memref<!tpu.dma_semaphore, #tpu.memory_space<semaphore_mem>>) src(%dma_wait3A_209 : memref<10000x128xf32, #tpu.memory_space<hbm>>) dst(%arg9 : memref<40x128xf32, #tpu.memory_space<vmem>>)
    %dma_start3A_210 = arith.constant 248 : i32
    %dma_start3A_211 = arith.constant 0 : i32
    %dma_start3A_212 = tpu.memref_slice %arg6[%dma_start3A_210, %dma_start3A_211] : memref<250x40xi32, #tpu.memory_space<vmem>> -> memref<1x40xi32, #tpu.memory_space<vmem>>
    %dma_start3A_213 = tpu.memref_squeeze %dma_start3A_212 : memref<1x40xi32, #tpu.memory_space<vmem>> -> memref<40xi32, #tpu.memory_space<vmem>>
    %dma_start3A_214 = arith.constant 0 : i32
    %dma_start3A_215 = arith.constant 0 : i32
    %dma_start3A_216 = tpu.memref_slice %arg13[%dma_start3A_214, %dma_start3A_215] : memref<10000x128xf32, #tpu.memory_space<vmem_shared>> -> memref<10000x128xf32, #tpu.memory_space<vmem_shared>>
    tpu.enqueue_indirect_dma source(%arg9 : memref<40x128xf32, #tpu.memory_space<vmem>>) target(%dma_start3A_216 : memref<10000x128xf32, #tpu.memory_space<vmem_shared>>) offsets(%dma_start3A_213 : memref<40xi32, #tpu.memory_space<vmem>>) semaphore(%arg22 : memref<!tpu.dma_semaphore, #tpu.memory_space<semaphore_mem>>) {add = true}
    %dma_wait3A_217 = arith.constant 243 : i32
    %dma_wait3A_218 = arith.constant 0 : i32
    %dma_wait3A_219 = tpu.memref_slice %arg6[%dma_wait3A_217, %dma_wait3A_218] : memref<250x40xi32, #tpu.memory_space<vmem>> -> memref<1x40xi32, #tpu.memory_space<vmem>>
    %dma_wait3A_220 = tpu.memref_squeeze %dma_wait3A_219 : memref<1x40xi32, #tpu.memory_space<vmem>> -> memref<40xi32, #tpu.memory_space<vmem>>
    %dma_wait3A_221 = arith.constant 0 : i32
    %dma_wait3A_222 = arith.constant 0 : i32
    %dma_wait3A_223 = tpu.memref_slice %arg13[%dma_wait3A_221, %dma_wait3A_222] : memref<10000x128xf32, #tpu.memory_space<vmem_shared>> -> memref<10000x128xf32, #tpu.memory_space<vmem_shared>>
    tpu.wait_indirect_dma semaphore(%arg23 : memref<!tpu.dma_semaphore, #tpu.memory_space<semaphore_mem>>) src(%arg10 : memref<40x128xf32, #tpu.memory_space<vmem>>) dst(%dma_wait3A_223 : memref<10000x128xf32, #tpu.memory_space<vmem_shared>>)
    %dma_start3A_224 = arith.constant 249 : i32
    %dma_start3A_225 = arith.constant 0 : i32
    %dma_start3A_226 = tpu.memref_slice %arg5[%dma_start3A_224, %dma_start3A_225] : memref<250x40xi32, #tpu.memory_space<vmem>> -> memref<1x40xi32, #tpu.memory_space<vmem>>
    %dma_start3A_227 = tpu.memref_squeeze %dma_start3A_226 : memref<1x40xi32, #tpu.memory_space<vmem>> -> memref<40xi32, #tpu.memory_space<vmem>>
    %dma_start3A_228 = arith.constant 0 : i32
    %dma_start3A_229 = arith.constant 0 : i32
    %dma_start3A_230 = tpu.memref_slice %arg2[%dma_start3A_228, %dma_start3A_229] : memref<10000x128xf32, #tpu.memory_space<hbm>> -> memref<10000x128xf32, #tpu.memory_space<hbm>>
    tpu.enqueue_indirect_dma source(%dma_start3A_230 : memref<10000x128xf32, #tpu.memory_space<hbm>>) target(%arg10 : memref<40x128xf32, #tpu.memory_space<vmem>>) offsets(%dma_start3A_227 : memref<40xi32, #tpu.memory_space<vmem>>) semaphore(%arg17 : memref<!tpu.dma_semaphore, #tpu.memory_space<semaphore_mem>>)
    %dma_wait3A_231 = arith.constant 249 : i32
    %dma_wait3A_232 = arith.constant 0 : i32
    %dma_wait3A_233 = tpu.memref_slice %arg5[%dma_wait3A_231, %dma_wait3A_232] : memref<250x40xi32, #tpu.memory_space<vmem>> -> memref<1x40xi32, #tpu.memory_space<vmem>>
    %dma_wait3A_234 = tpu.memref_squeeze %dma_wait3A_233 : memref<1x40xi32, #tpu.memory_space<vmem>> -> memref<40xi32, #tpu.memory_space<vmem>>
    %dma_wait3A_235 = arith.constant 0 : i32
    %dma_wait3A_236 = arith.constant 0 : i32
    %dma_wait3A_237 = tpu.memref_slice %arg2[%dma_wait3A_235, %dma_wait3A_236] : memref<10000x128xf32, #tpu.memory_space<hbm>> -> memref<10000x128xf32, #tpu.memory_space<hbm>>
    tpu.wait_indirect_dma semaphore(%arg17 : memref<!tpu.dma_semaphore, #tpu.memory_space<semaphore_mem>>) src(%dma_wait3A_237 : memref<10000x128xf32, #tpu.memory_space<hbm>>) dst(%arg10 : memref<40x128xf32, #tpu.memory_space<vmem>>)
    %dma_start3A_238 = arith.constant 249 : i32
    %dma_start3A_239 = arith.constant 0 : i32
    %dma_start3A_240 = tpu.memref_slice %arg6[%dma_start3A_238, %dma_start3A_239] : memref<250x40xi32, #tpu.memory_space<vmem>> -> memref<1x40xi32, #tpu.memory_space<vmem>>
    %dma_start3A_241 = tpu.memref_squeeze %dma_start3A_240 : memref<1x40xi32, #tpu.memory_space<vmem>> -> memref<40xi32, #tpu.memory_space<vmem>>
    %dma_start3A_242 = arith.constant 0 : i32
    %dma_start3A_243 = arith.constant 0 : i32
    %dma_start3A_244 = tpu.memref_slice %arg13[%dma_start3A_242, %dma_start3A_243] : memref<10000x128xf32, #tpu.memory_space<vmem_shared>> -> memref<10000x128xf32, #tpu.memory_space<vmem_shared>>
    tpu.enqueue_indirect_dma source(%arg10 : memref<40x128xf32, #tpu.memory_space<vmem>>) target(%dma_start3A_244 : memref<10000x128xf32, #tpu.memory_space<vmem_shared>>) offsets(%dma_start3A_241 : memref<40xi32, #tpu.memory_space<vmem>>) semaphore(%arg23 : memref<!tpu.dma_semaphore, #tpu.memory_space<semaphore_mem>>) {add = true}
    %dma_wait3A_245 = arith.constant 244 : i32
    %dma_wait3A_246 = arith.constant 0 : i32
    %dma_wait3A_247 = tpu.memref_slice %arg6[%dma_wait3A_245, %dma_wait3A_246] : memref<250x40xi32, #tpu.memory_space<vmem>> -> memref<1x40xi32, #tpu.memory_space<vmem>>
    %dma_wait3A_248 = tpu.memref_squeeze %dma_wait3A_247 : memref<1x40xi32, #tpu.memory_space<vmem>> -> memref<40xi32, #tpu.memory_space<vmem>>
    %dma_wait3A_249 = arith.constant 0 : i32
    %dma_wait3A_250 = arith.constant 0 : i32
    %dma_wait3A_251 = tpu.memref_slice %arg13[%dma_wait3A_249, %dma_wait3A_250] : memref<10000x128xf32, #tpu.memory_space<vmem_shared>> -> memref<10000x128xf32, #tpu.memory_space<vmem_shared>>
    tpu.wait_indirect_dma semaphore(%arg24 : memref<!tpu.dma_semaphore, #tpu.memory_space<semaphore_mem>>) src(%arg11 : memref<40x128xf32, #tpu.memory_space<vmem>>) dst(%dma_wait3A_251 : memref<10000x128xf32, #tpu.memory_space<vmem_shared>>)
    %dma_wait3A_252 = arith.constant 245 : i32
    %dma_wait3A_253 = arith.constant 0 : i32
    %dma_wait3A_254 = tpu.memref_slice %arg6[%dma_wait3A_252, %dma_wait3A_253] : memref<250x40xi32, #tpu.memory_space<vmem>> -> memref<1x40xi32, #tpu.memory_space<vmem>>
    %dma_wait3A_255 = tpu.memref_squeeze %dma_wait3A_254 : memref<1x40xi32, #tpu.memory_space<vmem>> -> memref<40xi32, #tpu.memory_space<vmem>>
    %dma_wait3A_256 = arith.constant 0 : i32
    %dma_wait3A_257 = arith.constant 0 : i32
    %dma_wait3A_258 = tpu.memref_slice %arg13[%dma_wait3A_256, %dma_wait3A_257] : memref<10000x128xf32, #tpu.memory_space<vmem_shared>> -> memref<10000x128xf32, #tpu.memory_space<vmem_shared>>
    tpu.wait_indirect_dma semaphore(%arg25 : memref<!tpu.dma_semaphore, #tpu.memory_space<semaphore_mem>>) src(%arg12 : memref<40x128xf32, #tpu.memory_space<vmem>>) dst(%dma_wait3A_258 : memref<10000x128xf32, #tpu.memory_space<vmem_shared>>)
    %dma_wait3A_259 = arith.constant 246 : i32
    %dma_wait3A_260 = arith.constant 0 : i32
    %dma_wait3A_261 = tpu.memref_slice %arg6[%dma_wait3A_259, %dma_wait3A_260] : memref<250x40xi32, #tpu.memory_space<vmem>> -> memref<1x40xi32, #tpu.memory_space<vmem>>
    %dma_wait3A_262 = tpu.memref_squeeze %dma_wait3A_261 : memref<1x40xi32, #tpu.memory_space<vmem>> -> memref<40xi32, #tpu.memory_space<vmem>>
    %dma_wait3A_263 = arith.constant 0 : i32
    %dma_wait3A_264 = arith.constant 0 : i32
    %dma_wait3A_265 = tpu.memref_slice %arg13[%dma_wait3A_263, %dma_wait3A_264] : memref<10000x128xf32, #tpu.memory_space<vmem_shared>> -> memref<10000x128xf32, #tpu.memory_space<vmem_shared>>
    tpu.wait_indirect_dma semaphore(%arg20 : memref<!tpu.dma_semaphore, #tpu.memory_space<semaphore_mem>>) src(%arg7 : memref<40x128xf32, #tpu.memory_space<vmem>>) dst(%dma_wait3A_265 : memref<10000x128xf32, #tpu.memory_space<vmem_shared>>)
    %dma_wait3A_266 = arith.constant 247 : i32
    %dma_wait3A_267 = arith.constant 0 : i32
    %dma_wait3A_268 = tpu.memref_slice %arg6[%dma_wait3A_266, %dma_wait3A_267] : memref<250x40xi32, #tpu.memory_space<vmem>> -> memref<1x40xi32, #tpu.memory_space<vmem>>
    %dma_wait3A_269 = tpu.memref_squeeze %dma_wait3A_268 : memref<1x40xi32, #tpu.memory_space<vmem>> -> memref<40xi32, #tpu.memory_space<vmem>>
    %dma_wait3A_270 = arith.constant 0 : i32
    %dma_wait3A_271 = arith.constant 0 : i32
    %dma_wait3A_272 = tpu.memref_slice %arg13[%dma_wait3A_270, %dma_wait3A_271] : memref<10000x128xf32, #tpu.memory_space<vmem_shared>> -> memref<10000x128xf32, #tpu.memory_space<vmem_shared>>
    tpu.wait_indirect_dma semaphore(%arg21 : memref<!tpu.dma_semaphore, #tpu.memory_space<semaphore_mem>>) src(%arg8 : memref<40x128xf32, #tpu.memory_space<vmem>>) dst(%dma_wait3A_272 : memref<10000x128xf32, #tpu.memory_space<vmem_shared>>)
    %dma_wait3A_273 = arith.constant 248 : i32
    %dma_wait3A_274 = arith.constant 0 : i32
    %dma_wait3A_275 = tpu.memref_slice %arg6[%dma_wait3A_273, %dma_wait3A_274] : memref<250x40xi32, #tpu.memory_space<vmem>> -> memref<1x40xi32, #tpu.memory_space<vmem>>
    %dma_wait3A_276 = tpu.memref_squeeze %dma_wait3A_275 : memref<1x40xi32, #tpu.memory_space<vmem>> -> memref<40xi32, #tpu.memory_space<vmem>>
    %dma_wait3A_277 = arith.constant 0 : i32
    %dma_wait3A_278 = arith.constant 0 : i32
    %dma_wait3A_279 = tpu.memref_slice %arg13[%dma_wait3A_277, %dma_wait3A_278] : memref<10000x128xf32, #tpu.memory_space<vmem_shared>> -> memref<10000x128xf32, #tpu.memory_space<vmem_shared>>
    tpu.wait_indirect_dma semaphore(%arg22 : memref<!tpu.dma_semaphore, #tpu.memory_space<semaphore_mem>>) src(%arg9 : memref<40x128xf32, #tpu.memory_space<vmem>>) dst(%dma_wait3A_279 : memref<10000x128xf32, #tpu.memory_space<vmem_shared>>)
    %dma_wait3A_280 = arith.constant 249 : i32
    %dma_wait3A_281 = arith.constant 0 : i32
    %dma_wait3A_282 = tpu.memref_slice %arg6[%dma_wait3A_280, %dma_wait3A_281] : memref<250x40xi32, #tpu.memory_space<vmem>> -> memref<1x40xi32, #tpu.memory_space<vmem>>
    %dma_wait3A_283 = tpu.memref_squeeze %dma_wait3A_282 : memref<1x40xi32, #tpu.memory_space<vmem>> -> memref<40xi32, #tpu.memory_space<vmem>>
    %dma_wait3A_284 = arith.constant 0 : i32
    %dma_wait3A_285 = arith.constant 0 : i32
    %dma_wait3A_286 = tpu.memref_slice %arg13[%dma_wait3A_284, %dma_wait3A_285] : memref<10000x128xf32, #tpu.memory_space<vmem_shared>> -> memref<10000x128xf32, #tpu.memory_space<vmem_shared>>
    tpu.wait_indirect_dma semaphore(%arg23 : memref<!tpu.dma_semaphore, #tpu.memory_space<semaphore_mem>>) src(%arg10 : memref<40x128xf32, #tpu.memory_space<vmem>>) dst(%dma_wait3A_286 : memref<10000x128xf32, #tpu.memory_space<vmem_shared>>)
    %barrier3A_287 = arith.constant 0 : index
    tpu.barrier barrier_id(%barrier3A_287)
    "tpu.region"() ({
      %run_scoped3A_288 = tpu.sem_alloc : memref<!tpu.dma_semaphore, #tpu.memory_space<semaphore_mem>>
      %dma_start3A_289 = arith.constant 0 : i32
      %dma_start3A_290 = tpu.memref_slice %arg4[%arg0, %mul3A_2, %dma_start3A_289] : memref<2x10000x128xf32, #tpu.memory_space<hbm>> -> memref<1x625x128xf32, #tpu.memory_space<hbm>>
      %dma_start3A_291 = tpu.memref_squeeze %dma_start3A_290 : memref<1x625x128xf32, #tpu.memory_space<hbm>> -> memref<625x128xf32, #tpu.memory_space<hbm>>
      %dma_start3A_292 = arith.constant 0 : i32
      %dma_start3A_293 = tpu.memref_slice %arg13[%mul3A_2, %dma_start3A_292] : memref<10000x128xf32, #tpu.memory_space<vmem_shared>> -> memref<625x128xf32, #tpu.memory_space<vmem_shared>>
      tpu.enqueue_dma source(%dma_start3A_293 : memref<625x128xf32, #tpu.memory_space<vmem_shared>>) target(%dma_start3A_291 : memref<625x128xf32, #tpu.memory_space<hbm>>) target_semaphore(%run_scoped3A_288 : memref<!tpu.dma_semaphore, #tpu.memory_space<semaphore_mem>>)
      %dma_wait3A_294 = arith.constant 0 : i32
      %dma_wait3A_295 = tpu.memref_slice %arg4[%arg0, %mul3A_2, %dma_wait3A_294] : memref<2x10000x128xf32, #tpu.memory_space<hbm>> -> memref<1x625x128xf32, #tpu.memory_space<hbm>>
      %dma_wait3A_296 = tpu.memref_squeeze %dma_wait3A_295 : memref<1x625x128xf32, #tpu.memory_space<hbm>> -> memref<625x128xf32, #tpu.memory_space<hbm>>
      %dma_wait3A_297 = arith.constant 0 : i32
      %dma_wait3A_298 = tpu.memref_slice %arg13[%mul3A_2, %dma_wait3A_297] : memref<10000x128xf32, #tpu.memory_space<vmem_shared>> -> memref<625x128xf32, #tpu.memory_space<vmem_shared>>
      tpu.wait_dma2 semaphore(%run_scoped3A_288 : memref<!tpu.dma_semaphore, #tpu.memory_space<semaphore_mem>>) src(%dma_wait3A_298 : memref<625x128xf32, #tpu.memory_space<vmem_shared>>) dst(%dma_wait3A_296 : memref<625x128xf32, #tpu.memory_space<hbm>>)
      tpu.yield
    }) : () -> ()
    return
  }
}

#map = affine_map<(d0, d1) -> (0, 0)>
#map1 = affine_map<(d0, d1) -> (0, 0, 0, 0)>
#map2 = affine_map<(d0, d1) -> (0, 0, 0)>
module attributes {stable_mosaic.version = 14 : i64} {
  func.func @agg(%arg0: i32, %arg1: i32, %arg2: memref<10000x128xf32, #tpu.memory_space<hbm>>, %arg3: memref<2x32x250x40xi32, #tpu.memory_space<hbm>>, %arg4: memref<2x10000x128xf32, #tpu.memory_space<hbm>>, %arg5: memref<250x40xi32, #tpu.memory_space<vmem>>, %arg6: memref<250x40xi32, #tpu.memory_space<vmem>>, %arg7: memref<40x128xf32, #tpu.memory_space<vmem>>, %arg8: memref<40x128xf32, #tpu.memory_space<vmem>>, %arg9: memref<40x128xf32, #tpu.memory_space<vmem>>, %arg10: memref<40x128xf32, #tpu.memory_space<vmem>>, %arg11: memref<40x128xf32, #tpu.memory_space<vmem>>, %arg12: memref<40x128xf32, #tpu.memory_space<vmem>>, %arg13: memref<10000x128xf32, #tpu.memory_space<vmem_shared>>, %arg14: memref<!tpu.dma_semaphore, #tpu.memory_space<semaphore_mem>>, %arg15: memref<!tpu.dma_semaphore, #tpu.memory_space<semaphore_mem>>, %arg16: memref<!tpu.dma_semaphore, #tpu.memory_space<semaphore_mem>>, %arg17: memref<!tpu.dma_semaphore, #tpu.memory_space<semaphore_mem>>, %arg18: memref<!tpu.dma_semaphore, #tpu.memory_space<semaphore_mem>>, %arg19: memref<!tpu.dma_semaphore, #tpu.memory_space<semaphore_mem>>, %arg20: memref<!tpu.dma_semaphore, #tpu.memory_space<semaphore_mem>>, %arg21: memref<!tpu.dma_semaphore, #tpu.memory_space<semaphore_mem>>, %arg22: memref<!tpu.dma_semaphore, #tpu.memory_space<semaphore_mem>>, %arg23: memref<!tpu.dma_semaphore, #tpu.memory_space<semaphore_mem>>, %arg24: memref<!tpu.dma_semaphore, #tpu.memory_space<semaphore_mem>>, %arg25: memref<!tpu.dma_semaphore, #tpu.memory_space<semaphore_mem>>) attributes {dimension_semantics = [#tpu.dimension_semantics<core_parallel>, #tpu.dimension_semantics<subcore_parallel>], iteration_bounds = array<i64: 2, 16>, scalar_prefetch = 0 : i64, scratch_operands = 21 : i64, tpu.core_type = #tpu.core_type<sc_vector_subcore>, window_params = [{transform_indices = #map}, {transform_indices = #map1}, {transform_indices = #map2}]} {
    %mul3A = arith.constant 2 : i32
    %mul3A_0 = arith.muli %arg1, %mul3A : i32
    %add3A = arith.addi %mul3A_0, %arg0 : i32
    %mul3A_1 = arith.constant 625 : i32
    %mul3A_2 = arith.muli %arg1, %mul3A_1 : i32
    "tpu.region"() ({
      %run_scoped3A_288 = tpu.sem_alloc : memref<!tpu.dma_semaphore, #tpu.memory_space<semaphore_mem>>
      %dma_start3A_289 = arith.constant 0 : i32
      %dma_start3A_290 = tpu.memref_slice %arg13[%mul3A_2, %dma_start3A_289] : memref<10000x128xf32, #tpu.memory_space<vmem_shared>> -> memref<625x128xf32, #tpu.memory_space<vmem_shared>>
      %dma_start3A_291 = arith.constant 0 : i32
      %dma_start3A_292 = tpu.memref_slice %arg2[%mul3A_2, %dma_start3A_291] : memref<10000x128xf32, #tpu.memory_space<hbm>> -> memref<625x128xf32, #tpu.memory_space<hbm>>
      tpu.enqueue_dma source(%dma_start3A_292 : memref<625x128xf32, #tpu.memory_space<hbm>>) target(%dma_start3A_290 : memref<625x128xf32, #tpu.memory_space<vmem_shared>>) target_semaphore(%run_scoped3A_288 : memref<!tpu.dma_semaphore, #tpu.memory_space<semaphore_mem>>)
      %dma_wait3A_293 = arith.constant 0 : i32
      %dma_wait3A_294 = tpu.memref_slice %arg13[%mul3A_2, %dma_wait3A_293] : memref<10000x128xf32, #tpu.memory_space<vmem_shared>> -> memref<625x128xf32, #tpu.memory_space<vmem_shared>>
      %dma_wait3A_295 = arith.constant 0 : i32
      %dma_wait3A_296 = tpu.memref_slice %arg2[%mul3A_2, %dma_wait3A_295] : memref<10000x128xf32, #tpu.memory_space<hbm>> -> memref<625x128xf32, #tpu.memory_space<hbm>>
      tpu.wait_dma2 semaphore(%run_scoped3A_288 : memref<!tpu.dma_semaphore, #tpu.memory_space<semaphore_mem>>) src(%dma_wait3A_296 : memref<625x128xf32, #tpu.memory_space<hbm>>) dst(%dma_wait3A_294 : memref<625x128xf32, #tpu.memory_space<vmem_shared>>)
      tpu.yield
    }) : () -> ()
    %run_scoped3A = arith.constant 0 : i32
    "tpu.region"() ({
      %run_scoped3A_288 = tpu.sem_alloc : memref<!tpu.dma_semaphore, #tpu.memory_space<semaphore_mem>>
      %dma_start3A_289 = arith.constant 0 : i32
      %dma_start3A_290 = arith.constant 0 : i32
      %dma_start3A_291 = tpu.memref_slice %arg3[%run_scoped3A, %add3A, %dma_start3A_289, %dma_start3A_290] : memref<2x32x250x40xi32, #tpu.memory_space<hbm>> -> memref<1x1x250x40xi32, #tpu.memory_space<hbm>>
      %dma_start3A_292 = tpu.memref_squeeze %dma_start3A_291 : memref<1x1x250x40xi32, #tpu.memory_space<hbm>> -> memref<250x40xi32, #tpu.memory_space<hbm>>
      %dma_start3A_293 = arith.constant 0 : i32
      %dma_start3A_294 = arith.constant 0 : i32
      %dma_start3A_295 = tpu.memref_slice %arg3[%run_scoped3A, %add3A, %dma_start3A_293, %dma_start3A_294] : memref<2x32x250x40xi32, #tpu.memory_space<hbm>> -> memref<1x1x250x40xi32, #tpu.memory_space<hbm>>
      %dma_start3A_296 = tpu.memref_squeeze %dma_start3A_295 : memref<1x1x250x40xi32, #tpu.memory_space<hbm>> -> memref<250x40xi32, #tpu.memory_space<hbm>>
      tpu.enqueue_dma source(%dma_start3A_296 : memref<250x40xi32, #tpu.memory_space<hbm>>) target(%arg5 : memref<250x40xi32, #tpu.memory_space<vmem>>) target_semaphore(%run_scoped3A_288 : memref<!tpu.dma_semaphore, #tpu.memory_space<semaphore_mem>>)
      %dma_wait3A_297 = arith.constant 0 : i32
      %dma_wait3A_298 = arith.constant 0 : i32
      %dma_wait3A_299 = tpu.memref_slice %arg3[%run_scoped3A, %add3A, %dma_wait3A_297, %dma_wait3A_298] : memref<2x32x250x40xi32, #tpu.memory_space<hbm>> -> memref<1x1x250x40xi32, #tpu.memory_space<hbm>>
      %dma_wait3A_300 = tpu.memref_squeeze %dma_wait3A_299 : memref<1x1x250x40xi32, #tpu.memory_space<hbm>> -> memref<250x40xi32, #tpu.memory_space<hbm>>
      %dma_wait3A_301 = arith.constant 0 : i32
      %dma_wait3A_302 = arith.constant 0 : i32
      %dma_wait3A_303 = tpu.memref_slice %arg3[%run_scoped3A, %add3A, %dma_wait3A_301, %dma_wait3A_302] : memref<2x32x250x40xi32, #tpu.memory_space<hbm>> -> memref<1x1x250x40xi32, #tpu.memory_space<hbm>>
      %dma_wait3A_304 = tpu.memref_squeeze %dma_wait3A_303 : memref<1x1x250x40xi32, #tpu.memory_space<hbm>> -> memref<250x40xi32, #tpu.memory_space<hbm>>
      tpu.wait_dma2 semaphore(%run_scoped3A_288 : memref<!tpu.dma_semaphore, #tpu.memory_space<semaphore_mem>>) src(%dma_wait3A_304 : memref<250x40xi32, #tpu.memory_space<hbm>>) dst(%arg5 : memref<250x40xi32, #tpu.memory_space<vmem>>)
      tpu.yield
    }) : () -> ()
    %run_scoped3A_3 = arith.constant 1 : i32
    "tpu.region"() ({
      %run_scoped3A_288 = tpu.sem_alloc : memref<!tpu.dma_semaphore, #tpu.memory_space<semaphore_mem>>
      %dma_start3A_289 = arith.constant 0 : i32
      %dma_start3A_290 = arith.constant 0 : i32
      %dma_start3A_291 = tpu.memref_slice %arg3[%run_scoped3A_3, %add3A, %dma_start3A_289, %dma_start3A_290] : memref<2x32x250x40xi32, #tpu.memory_space<hbm>> -> memref<1x1x250x40xi32, #tpu.memory_space<hbm>>
      %dma_start3A_292 = tpu.memref_squeeze %dma_start3A_291 : memref<1x1x250x40xi32, #tpu.memory_space<hbm>> -> memref<250x40xi32, #tpu.memory_space<hbm>>
      %dma_start3A_293 = arith.constant 0 : i32
      %dma_start3A_294 = arith.constant 0 : i32
      %dma_start3A_295 = tpu.memref_slice %arg3[%run_scoped3A_3, %add3A, %dma_start3A_293, %dma_start3A_294] : memref<2x32x250x40xi32, #tpu.memory_space<hbm>> -> memref<1x1x250x40xi32, #tpu.memory_space<hbm>>
      %dma_start3A_296 = tpu.memref_squeeze %dma_start3A_295 : memref<1x1x250x40xi32, #tpu.memory_space<hbm>> -> memref<250x40xi32, #tpu.memory_space<hbm>>
      tpu.enqueue_dma source(%dma_start3A_296 : memref<250x40xi32, #tpu.memory_space<hbm>>) target(%arg6 : memref<250x40xi32, #tpu.memory_space<vmem>>) target_semaphore(%run_scoped3A_288 : memref<!tpu.dma_semaphore, #tpu.memory_space<semaphore_mem>>)
      %dma_wait3A_297 = arith.constant 0 : i32
      %dma_wait3A_298 = arith.constant 0 : i32
      %dma_wait3A_299 = tpu.memref_slice %arg3[%run_scoped3A_3, %add3A, %dma_wait3A_297, %dma_wait3A_298] : memref<2x32x250x40xi32, #tpu.memory_space<hbm>> -> memref<1x1x250x40xi32, #tpu.memory_space<hbm>>
      %dma_wait3A_300 = tpu.memref_squeeze %dma_wait3A_299 : memref<1x1x250x40xi32, #tpu.memory_space<hbm>> -> memref<250x40xi32, #tpu.memory_space<hbm>>
      %dma_wait3A_301 = arith.constant 0 : i32
      %dma_wait3A_302 = arith.constant 0 : i32
      %dma_wait3A_303 = tpu.memref_slice %arg3[%run_scoped3A_3, %add3A, %dma_wait3A_301, %dma_wait3A_302] : memref<2x32x250x40xi32, #tpu.memory_space<hbm>> -> memref<1x1x250x40xi32, #tpu.memory_space<hbm>>
      %dma_wait3A_304 = tpu.memref_squeeze %dma_wait3A_303 : memref<1x1x250x40xi32, #tpu.memory_space<hbm>> -> memref<250x40xi32, #tpu.memory_space<hbm>>
      tpu.wait_dma2 semaphore(%run_scoped3A_288 : memref<!tpu.dma_semaphore, #tpu.memory_space<semaphore_mem>>) src(%dma_wait3A_304 : memref<250x40xi32, #tpu.memory_space<hbm>>) dst(%arg6 : memref<250x40xi32, #tpu.memory_space<vmem>>)
      tpu.yield
    }) : () -> ()
    %barrier3A = arith.constant 0 : index
    tpu.barrier barrier_id(%barrier3A)
    %dma_start3A = arith.constant 0 : i32
    %dma_start3A_4 = arith.constant 0 : i32
    %dma_start3A_5 = tpu.memref_slice %arg5[%dma_start3A, %dma_start3A_4] : memref<250x40xi32, #tpu.memory_space<vmem>> -> memref<1x40xi32, #tpu.memory_space<vmem>>
    %dma_start3A_6 = tpu.memref_squeeze %dma_start3A_5 : memref<1x40xi32, #tpu.memory_space<vmem>> -> memref<40xi32, #tpu.memory_space<vmem>>
    %dma_start3A_7 = arith.constant 0 : i32
    %dma_start3A_8 = arith.constant 0 : i32
    %dma_start3A_9 = tpu.memref_slice %arg2[%dma_start3A_7, %dma_start3A_8] : memref<10000x128xf32, #tpu.memory_space<hbm>> -> memref<10000x128xf32, #tpu.memory_space<hbm>>
    tpu.enqueue_indirect_dma source(%dma_start3A_9 : memref<10000x128xf32, #tpu.memory_space<hbm>>) target(%arg7 : memref<40x128xf32, #tpu.memory_space<vmem>>) offsets(%dma_start3A_6 : memref<40xi32, #tpu.memory_space<vmem>>) semaphore(%arg14 : memref<!tpu.dma_semaphore, #tpu.memory_space<semaphore_mem>>)
    %dma_start3A_10 = arith.constant 1 : i32
    %dma_start3A_11 = arith.constant 0 : i32
    %dma_start3A_12 = tpu.memref_slice %arg5[%dma_start3A_10, %dma_start3A_11] : memref<250x40xi32, #tpu.memory_space<vmem>> -> memref<1x40xi32, #tpu.memory_space<vmem>>
    %dma_start3A_13 = tpu.memref_squeeze %dma_start3A_12 : memref<1x40xi32, #tpu.memory_space<vmem>> -> memref<40xi32, #tpu.memory_space<vmem>>
    %dma_start3A_14 = arith.constant 0 : i32
    %dma_start3A_15 = arith.constant 0 : i32
    %dma_start3A_16 = tpu.memref_slice %arg2[%dma_start3A_14, %dma_start3A_15] : memref<10000x128xf32, #tpu.memory_space<hbm>> -> memref<10000x128xf32, #tpu.memory_space<hbm>>
    tpu.enqueue_indirect_dma source(%dma_start3A_16 : memref<10000x128xf32, #tpu.memory_space<hbm>>) target(%arg8 : memref<40x128xf32, #tpu.memory_space<vmem>>) offsets(%dma_start3A_13 : memref<40xi32, #tpu.memory_space<vmem>>) semaphore(%arg15 : memref<!tpu.dma_semaphore, #tpu.memory_space<semaphore_mem>>)
    %dma_start3A_17 = arith.constant 2 : i32
    %dma_start3A_18 = arith.constant 0 : i32
    %dma_start3A_19 = tpu.memref_slice %arg5[%dma_start3A_17, %dma_start3A_18] : memref<250x40xi32, #tpu.memory_space<vmem>> -> memref<1x40xi32, #tpu.memory_space<vmem>>
    %dma_start3A_20 = tpu.memref_squeeze %dma_start3A_19 : memref<1x40xi32, #tpu.memory_space<vmem>> -> memref<40xi32, #tpu.memory_space<vmem>>
    %dma_start3A_21 = arith.constant 0 : i32
    %dma_start3A_22 = arith.constant 0 : i32
    %dma_start3A_23 = tpu.memref_slice %arg2[%dma_start3A_21, %dma_start3A_22] : memref<10000x128xf32, #tpu.memory_space<hbm>> -> memref<10000x128xf32, #tpu.memory_space<hbm>>
    tpu.enqueue_indirect_dma source(%dma_start3A_23 : memref<10000x128xf32, #tpu.memory_space<hbm>>) target(%arg9 : memref<40x128xf32, #tpu.memory_space<vmem>>) offsets(%dma_start3A_20 : memref<40xi32, #tpu.memory_space<vmem>>) semaphore(%arg16 : memref<!tpu.dma_semaphore, #tpu.memory_space<semaphore_mem>>)
    %dma_start3A_24 = arith.constant 3 : i32
    %dma_start3A_25 = arith.constant 0 : i32
    %dma_start3A_26 = tpu.memref_slice %arg5[%dma_start3A_24, %dma_start3A_25] : memref<250x40xi32, #tpu.memory_space<vmem>> -> memref<1x40xi32, #tpu.memory_space<vmem>>
    %dma_start3A_27 = tpu.memref_squeeze %dma_start3A_26 : memref<1x40xi32, #tpu.memory_space<vmem>> -> memref<40xi32, #tpu.memory_space<vmem>>
    %dma_start3A_28 = arith.constant 0 : i32
    %dma_start3A_29 = arith.constant 0 : i32
    %dma_start3A_30 = tpu.memref_slice %arg2[%dma_start3A_28, %dma_start3A_29] : memref<10000x128xf32, #tpu.memory_space<hbm>> -> memref<10000x128xf32, #tpu.memory_space<hbm>>
    tpu.enqueue_indirect_dma source(%dma_start3A_30 : memref<10000x128xf32, #tpu.memory_space<hbm>>) target(%arg10 : memref<40x128xf32, #tpu.memory_space<vmem>>) offsets(%dma_start3A_27 : memref<40xi32, #tpu.memory_space<vmem>>) semaphore(%arg17 : memref<!tpu.dma_semaphore, #tpu.memory_space<semaphore_mem>>)
    %dma_start3A_31 = arith.constant 4 : i32
    %dma_start3A_32 = arith.constant 0 : i32
    %dma_start3A_33 = tpu.memref_slice %arg5[%dma_start3A_31, %dma_start3A_32] : memref<250x40xi32, #tpu.memory_space<vmem>> -> memref<1x40xi32, #tpu.memory_space<vmem>>
    %dma_start3A_34 = tpu.memref_squeeze %dma_start3A_33 : memref<1x40xi32, #tpu.memory_space<vmem>> -> memref<40xi32, #tpu.memory_space<vmem>>
    %dma_start3A_35 = arith.constant 0 : i32
    %dma_start3A_36 = arith.constant 0 : i32
    %dma_start3A_37 = tpu.memref_slice %arg2[%dma_start3A_35, %dma_start3A_36] : memref<10000x128xf32, #tpu.memory_space<hbm>> -> memref<10000x128xf32, #tpu.memory_space<hbm>>
    tpu.enqueue_indirect_dma source(%dma_start3A_37 : memref<10000x128xf32, #tpu.memory_space<hbm>>) target(%arg11 : memref<40x128xf32, #tpu.memory_space<vmem>>) offsets(%dma_start3A_34 : memref<40xi32, #tpu.memory_space<vmem>>) semaphore(%arg18 : memref<!tpu.dma_semaphore, #tpu.memory_space<semaphore_mem>>)
    %dma_start3A_38 = arith.constant 5 : i32
    %dma_start3A_39 = arith.constant 0 : i32
    %dma_start3A_40 = tpu.memref_slice %arg5[%dma_start3A_38, %dma_start3A_39] : memref<250x40xi32, #tpu.memory_space<vmem>> -> memref<1x40xi32, #tpu.memory_space<vmem>>
    %dma_start3A_41 = tpu.memref_squeeze %dma_start3A_40 : memref<1x40xi32, #tpu.memory_space<vmem>> -> memref<40xi32, #tpu.memory_space<vmem>>
    %dma_start3A_42 = arith.constant 0 : i32
    %dma_start3A_43 = arith.constant 0 : i32
    %dma_start3A_44 = tpu.memref_slice %arg2[%dma_start3A_42, %dma_start3A_43] : memref<10000x128xf32, #tpu.memory_space<hbm>> -> memref<10000x128xf32, #tpu.memory_space<hbm>>
    tpu.enqueue_indirect_dma source(%dma_start3A_44 : memref<10000x128xf32, #tpu.memory_space<hbm>>) target(%arg12 : memref<40x128xf32, #tpu.memory_space<vmem>>) offsets(%dma_start3A_41 : memref<40xi32, #tpu.memory_space<vmem>>) semaphore(%arg19 : memref<!tpu.dma_semaphore, #tpu.memory_space<semaphore_mem>>)
    %scan3A = arith.constant 0 : i32
    %scan3A_45 = arith.constant 0 : i32
    %scan3A_46 = arith.constant 40 : i32
    %scan3A_47 = arith.addi %scan3A_45, %scan3A_46 : i32
    %scan3A_48 = arith.constant 1 : i32
    scf.for %scan3A_288 = %scan3A_45 to %scan3A_47 step %scan3A_48  : i32 {
      %mul3A_289 = arith.constant 6 : i32
      %mul3A_290 = arith.muli %scan3A_288, %mul3A_289 : i32
      %add3A_291 = arith.constant 0 : i32
      %add3A_292 = arith.addi %mul3A_290, %add3A_291 : i32
      %dma_wait3A_293 = arith.constant 0 : i32
      %dma_wait3A_294 = tpu.memref_slice %arg5[%add3A_292, %dma_wait3A_293] : memref<250x40xi32, #tpu.memory_space<vmem>> -> memref<1x40xi32, #tpu.memory_space<vmem>>
      %dma_wait3A_295 = tpu.memref_squeeze %dma_wait3A_294 : memref<1x40xi32, #tpu.memory_space<vmem>> -> memref<40xi32, #tpu.memory_space<vmem>>
      %dma_wait3A_296 = arith.constant 0 : i32
      %dma_wait3A_297 = arith.constant 0 : i32
      %dma_wait3A_298 = tpu.memref_slice %arg2[%dma_wait3A_296, %dma_wait3A_297] : memref<10000x128xf32, #tpu.memory_space<hbm>> -> memref<10000x128xf32, #tpu.memory_space<hbm>>
      tpu.wait_indirect_dma semaphore(%arg14 : memref<!tpu.dma_semaphore, #tpu.memory_space<semaphore_mem>>) src(%dma_wait3A_298 : memref<10000x128xf32, #tpu.memory_space<hbm>>) dst(%arg7 : memref<40x128xf32, #tpu.memory_space<vmem>>)
      %add3A_299 = arith.constant 0 : i32
      %add3A_300 = arith.addi %mul3A_290, %add3A_299 : i32
      %dma_start3A_301 = arith.constant 0 : i32
      %dma_start3A_302 = tpu.memref_slice %arg6[%add3A_300, %dma_start3A_301] : memref<250x40xi32, #tpu.memory_space<vmem>> -> memref<1x40xi32, #tpu.memory_space<vmem>>
      %dma_start3A_303 = tpu.memref_squeeze %dma_start3A_302 : memref<1x40xi32, #tpu.memory_space<vmem>> -> memref<40xi32, #tpu.memory_space<vmem>>
      %dma_start3A_304 = arith.constant 0 : i32
      %dma_start3A_305 = arith.constant 0 : i32
      %dma_start3A_306 = tpu.memref_slice %arg13[%dma_start3A_304, %dma_start3A_305] : memref<10000x128xf32, #tpu.memory_space<vmem_shared>> -> memref<10000x128xf32, #tpu.memory_space<vmem_shared>>
      tpu.enqueue_indirect_dma source(%arg7 : memref<40x128xf32, #tpu.memory_space<vmem>>) target(%dma_start3A_306 : memref<10000x128xf32, #tpu.memory_space<vmem_shared>>) offsets(%dma_start3A_303 : memref<40xi32, #tpu.memory_space<vmem>>) semaphore(%arg20 : memref<!tpu.dma_semaphore, #tpu.memory_space<semaphore_mem>>) {add = true}
      %add3A_307 = arith.constant 1 : i32
      %add3A_308 = arith.addi %mul3A_290, %add3A_307 : i32
      %dma_wait3A_309 = arith.constant 0 : i32
      %dma_wait3A_310 = tpu.memref_slice %arg5[%add3A_308, %dma_wait3A_309] : memref<250x40xi32, #tpu.memory_space<vmem>> -> memref<1x40xi32, #tpu.memory_space<vmem>>
      %dma_wait3A_311 = tpu.memref_squeeze %dma_wait3A_310 : memref<1x40xi32, #tpu.memory_space<vmem>> -> memref<40xi32, #tpu.memory_space<vmem>>
      %dma_wait3A_312 = arith.constant 0 : i32
      %dma_wait3A_313 = arith.constant 0 : i32
      %dma_wait3A_314 = tpu.memref_slice %arg2[%dma_wait3A_312, %dma_wait3A_313] : memref<10000x128xf32, #tpu.memory_space<hbm>> -> memref<10000x128xf32, #tpu.memory_space<hbm>>
      tpu.wait_indirect_dma semaphore(%arg15 : memref<!tpu.dma_semaphore, #tpu.memory_space<semaphore_mem>>) src(%dma_wait3A_314 : memref<10000x128xf32, #tpu.memory_space<hbm>>) dst(%arg8 : memref<40x128xf32, #tpu.memory_space<vmem>>)
      %add3A_315 = arith.constant 1 : i32
      %add3A_316 = arith.addi %mul3A_290, %add3A_315 : i32
      %dma_start3A_317 = arith.constant 0 : i32
      %dma_start3A_318 = tpu.memref_slice %arg6[%add3A_316, %dma_start3A_317] : memref<250x40xi32, #tpu.memory_space<vmem>> -> memref<1x40xi32, #tpu.memory_space<vmem>>
      %dma_start3A_319 = tpu.memref_squeeze %dma_start3A_318 : memref<1x40xi32, #tpu.memory_space<vmem>> -> memref<40xi32, #tpu.memory_space<vmem>>
      %dma_start3A_320 = arith.constant 0 : i32
      %dma_start3A_321 = arith.constant 0 : i32
      %dma_start3A_322 = tpu.memref_slice %arg13[%dma_start3A_320, %dma_start3A_321] : memref<10000x128xf32, #tpu.memory_space<vmem_shared>> -> memref<10000x128xf32, #tpu.memory_space<vmem_shared>>
      tpu.enqueue_indirect_dma source(%arg8 : memref<40x128xf32, #tpu.memory_space<vmem>>) target(%dma_start3A_322 : memref<10000x128xf32, #tpu.memory_space<vmem_shared>>) offsets(%dma_start3A_319 : memref<40xi32, #tpu.memory_space<vmem>>) semaphore(%arg21 : memref<!tpu.dma_semaphore, #tpu.memory_space<semaphore_mem>>) {add = true}
      %add3A_323 = arith.constant 2 : i32
      %add3A_324 = arith.addi %mul3A_290, %add3A_323 : i32
      %dma_wait3A_325 = arith.constant 0 : i32
      %dma_wait3A_326 = tpu.memref_slice %arg5[%add3A_324, %dma_wait3A_325] : memref<250x40xi32, #tpu.memory_space<vmem>> -> memref<1x40xi32, #tpu.memory_space<vmem>>
      %dma_wait3A_327 = tpu.memref_squeeze %dma_wait3A_326 : memref<1x40xi32, #tpu.memory_space<vmem>> -> memref<40xi32, #tpu.memory_space<vmem>>
      %dma_wait3A_328 = arith.constant 0 : i32
      %dma_wait3A_329 = arith.constant 0 : i32
      %dma_wait3A_330 = tpu.memref_slice %arg2[%dma_wait3A_328, %dma_wait3A_329] : memref<10000x128xf32, #tpu.memory_space<hbm>> -> memref<10000x128xf32, #tpu.memory_space<hbm>>
      tpu.wait_indirect_dma semaphore(%arg16 : memref<!tpu.dma_semaphore, #tpu.memory_space<semaphore_mem>>) src(%dma_wait3A_330 : memref<10000x128xf32, #tpu.memory_space<hbm>>) dst(%arg9 : memref<40x128xf32, #tpu.memory_space<vmem>>)
      %add3A_331 = arith.constant 2 : i32
      %add3A_332 = arith.addi %mul3A_290, %add3A_331 : i32
      %dma_start3A_333 = arith.constant 0 : i32
      %dma_start3A_334 = tpu.memref_slice %arg6[%add3A_332, %dma_start3A_333] : memref<250x40xi32, #tpu.memory_space<vmem>> -> memref<1x40xi32, #tpu.memory_space<vmem>>
      %dma_start3A_335 = tpu.memref_squeeze %dma_start3A_334 : memref<1x40xi32, #tpu.memory_space<vmem>> -> memref<40xi32, #tpu.memory_space<vmem>>
      %dma_start3A_336 = arith.constant 0 : i32
      %dma_start3A_337 = arith.constant 0 : i32
      %dma_start3A_338 = tpu.memref_slice %arg13[%dma_start3A_336, %dma_start3A_337] : memref<10000x128xf32, #tpu.memory_space<vmem_shared>> -> memref<10000x128xf32, #tpu.memory_space<vmem_shared>>
      tpu.enqueue_indirect_dma source(%arg9 : memref<40x128xf32, #tpu.memory_space<vmem>>) target(%dma_start3A_338 : memref<10000x128xf32, #tpu.memory_space<vmem_shared>>) offsets(%dma_start3A_335 : memref<40xi32, #tpu.memory_space<vmem>>) semaphore(%arg22 : memref<!tpu.dma_semaphore, #tpu.memory_space<semaphore_mem>>) {add = true}
      %add3A_339 = arith.constant 3 : i32
      %add3A_340 = arith.addi %mul3A_290, %add3A_339 : i32
      %dma_wait3A_341 = arith.constant 0 : i32
      %dma_wait3A_342 = tpu.memref_slice %arg5[%add3A_340, %dma_wait3A_341] : memref<250x40xi32, #tpu.memory_space<vmem>> -> memref<1x40xi32, #tpu.memory_space<vmem>>
      %dma_wait3A_343 = tpu.memref_squeeze %dma_wait3A_342 : memref<1x40xi32, #tpu.memory_space<vmem>> -> memref<40xi32, #tpu.memory_space<vmem>>
      %dma_wait3A_344 = arith.constant 0 : i32
      %dma_wait3A_345 = arith.constant 0 : i32
      %dma_wait3A_346 = tpu.memref_slice %arg2[%dma_wait3A_344, %dma_wait3A_345] : memref<10000x128xf32, #tpu.memory_space<hbm>> -> memref<10000x128xf32, #tpu.memory_space<hbm>>
      tpu.wait_indirect_dma semaphore(%arg17 : memref<!tpu.dma_semaphore, #tpu.memory_space<semaphore_mem>>) src(%dma_wait3A_346 : memref<10000x128xf32, #tpu.memory_space<hbm>>) dst(%arg10 : memref<40x128xf32, #tpu.memory_space<vmem>>)
      %add3A_347 = arith.constant 3 : i32
      %add3A_348 = arith.addi %mul3A_290, %add3A_347 : i32
      %dma_start3A_349 = arith.constant 0 : i32
      %dma_start3A_350 = tpu.memref_slice %arg6[%add3A_348, %dma_start3A_349] : memref<250x40xi32, #tpu.memory_space<vmem>> -> memref<1x40xi32, #tpu.memory_space<vmem>>
      %dma_start3A_351 = tpu.memref_squeeze %dma_start3A_350 : memref<1x40xi32, #tpu.memory_space<vmem>> -> memref<40xi32, #tpu.memory_space<vmem>>
      %dma_start3A_352 = arith.constant 0 : i32
      %dma_start3A_353 = arith.constant 0 : i32
      %dma_start3A_354 = tpu.memref_slice %arg13[%dma_start3A_352, %dma_start3A_353] : memref<10000x128xf32, #tpu.memory_space<vmem_shared>> -> memref<10000x128xf32, #tpu.memory_space<vmem_shared>>
      tpu.enqueue_indirect_dma source(%arg10 : memref<40x128xf32, #tpu.memory_space<vmem>>) target(%dma_start3A_354 : memref<10000x128xf32, #tpu.memory_space<vmem_shared>>) offsets(%dma_start3A_351 : memref<40xi32, #tpu.memory_space<vmem>>) semaphore(%arg23 : memref<!tpu.dma_semaphore, #tpu.memory_space<semaphore_mem>>) {add = true}
      %add3A_355 = arith.constant 4 : i32
      %add3A_356 = arith.addi %mul3A_290, %add3A_355 : i32
      %dma_wait3A_357 = arith.constant 0 : i32
      %dma_wait3A_358 = tpu.memref_slice %arg5[%add3A_356, %dma_wait3A_357] : memref<250x40xi32, #tpu.memory_space<vmem>> -> memref<1x40xi32, #tpu.memory_space<vmem>>
      %dma_wait3A_359 = tpu.memref_squeeze %dma_wait3A_358 : memref<1x40xi32, #tpu.memory_space<vmem>> -> memref<40xi32, #tpu.memory_space<vmem>>
      %dma_wait3A_360 = arith.constant 0 : i32
      %dma_wait3A_361 = arith.constant 0 : i32
      %dma_wait3A_362 = tpu.memref_slice %arg2[%dma_wait3A_360, %dma_wait3A_361] : memref<10000x128xf32, #tpu.memory_space<hbm>> -> memref<10000x128xf32, #tpu.memory_space<hbm>>
      tpu.wait_indirect_dma semaphore(%arg18 : memref<!tpu.dma_semaphore, #tpu.memory_space<semaphore_mem>>) src(%dma_wait3A_362 : memref<10000x128xf32, #tpu.memory_space<hbm>>) dst(%arg11 : memref<40x128xf32, #tpu.memory_space<vmem>>)
      %add3A_363 = arith.constant 4 : i32
      %add3A_364 = arith.addi %mul3A_290, %add3A_363 : i32
      %dma_start3A_365 = arith.constant 0 : i32
      %dma_start3A_366 = tpu.memref_slice %arg6[%add3A_364, %dma_start3A_365] : memref<250x40xi32, #tpu.memory_space<vmem>> -> memref<1x40xi32, #tpu.memory_space<vmem>>
      %dma_start3A_367 = tpu.memref_squeeze %dma_start3A_366 : memref<1x40xi32, #tpu.memory_space<vmem>> -> memref<40xi32, #tpu.memory_space<vmem>>
      %dma_start3A_368 = arith.constant 0 : i32
      %dma_start3A_369 = arith.constant 0 : i32
      %dma_start3A_370 = tpu.memref_slice %arg13[%dma_start3A_368, %dma_start3A_369] : memref<10000x128xf32, #tpu.memory_space<vmem_shared>> -> memref<10000x128xf32, #tpu.memory_space<vmem_shared>>
      tpu.enqueue_indirect_dma source(%arg11 : memref<40x128xf32, #tpu.memory_space<vmem>>) target(%dma_start3A_370 : memref<10000x128xf32, #tpu.memory_space<vmem_shared>>) offsets(%dma_start3A_367 : memref<40xi32, #tpu.memory_space<vmem>>) semaphore(%arg24 : memref<!tpu.dma_semaphore, #tpu.memory_space<semaphore_mem>>) {add = true}
      %add3A_371 = arith.constant 5 : i32
      %add3A_372 = arith.addi %mul3A_290, %add3A_371 : i32
      %dma_wait3A_373 = arith.constant 0 : i32
      %dma_wait3A_374 = tpu.memref_slice %arg5[%add3A_372, %dma_wait3A_373] : memref<250x40xi32, #tpu.memory_space<vmem>> -> memref<1x40xi32, #tpu.memory_space<vmem>>
      %dma_wait3A_375 = tpu.memref_squeeze %dma_wait3A_374 : memref<1x40xi32, #tpu.memory_space<vmem>> -> memref<40xi32, #tpu.memory_space<vmem>>
      %dma_wait3A_376 = arith.constant 0 : i32
      %dma_wait3A_377 = arith.constant 0 : i32
      %dma_wait3A_378 = tpu.memref_slice %arg2[%dma_wait3A_376, %dma_wait3A_377] : memref<10000x128xf32, #tpu.memory_space<hbm>> -> memref<10000x128xf32, #tpu.memory_space<hbm>>
      tpu.wait_indirect_dma semaphore(%arg19 : memref<!tpu.dma_semaphore, #tpu.memory_space<semaphore_mem>>) src(%dma_wait3A_378 : memref<10000x128xf32, #tpu.memory_space<hbm>>) dst(%arg12 : memref<40x128xf32, #tpu.memory_space<vmem>>)
      %add3A_379 = arith.constant 5 : i32
      %add3A_380 = arith.addi %mul3A_290, %add3A_379 : i32
      %dma_start3A_381 = arith.constant 0 : i32
      %dma_start3A_382 = tpu.memref_slice %arg6[%add3A_380, %dma_start3A_381] : memref<250x40xi32, #tpu.memory_space<vmem>> -> memref<1x40xi32, #tpu.memory_space<vmem>>
      %dma_start3A_383 = tpu.memref_squeeze %dma_start3A_382 : memref<1x40xi32, #tpu.memory_space<vmem>> -> memref<40xi32, #tpu.memory_space<vmem>>
      %dma_start3A_384 = arith.constant 0 : i32
      %dma_start3A_385 = arith.constant 0 : i32
      %dma_start3A_386 = tpu.memref_slice %arg13[%dma_start3A_384, %dma_start3A_385] : memref<10000x128xf32, #tpu.memory_space<vmem_shared>> -> memref<10000x128xf32, #tpu.memory_space<vmem_shared>>
      tpu.enqueue_indirect_dma source(%arg12 : memref<40x128xf32, #tpu.memory_space<vmem>>) target(%dma_start3A_386 : memref<10000x128xf32, #tpu.memory_space<vmem_shared>>) offsets(%dma_start3A_383 : memref<40xi32, #tpu.memory_space<vmem>>) semaphore(%arg25 : memref<!tpu.dma_semaphore, #tpu.memory_space<semaphore_mem>>) {add = true}
      %add3A_387 = arith.constant 0 : i32
      %add3A_388 = arith.addi %mul3A_290, %add3A_387 : i32
      %dma_wait3A_389 = arith.constant 0 : i32
      %dma_wait3A_390 = tpu.memref_slice %arg6[%add3A_388, %dma_wait3A_389] : memref<250x40xi32, #tpu.memory_space<vmem>> -> memref<1x40xi32, #tpu.memory_space<vmem>>
      %dma_wait3A_391 = tpu.memref_squeeze %dma_wait3A_390 : memref<1x40xi32, #tpu.memory_space<vmem>> -> memref<40xi32, #tpu.memory_space<vmem>>
      %dma_wait3A_392 = arith.constant 0 : i32
      %dma_wait3A_393 = arith.constant 0 : i32
      %dma_wait3A_394 = tpu.memref_slice %arg13[%dma_wait3A_392, %dma_wait3A_393] : memref<10000x128xf32, #tpu.memory_space<vmem_shared>> -> memref<10000x128xf32, #tpu.memory_space<vmem_shared>>
      tpu.wait_indirect_dma semaphore(%arg20 : memref<!tpu.dma_semaphore, #tpu.memory_space<semaphore_mem>>) src(%arg7 : memref<40x128xf32, #tpu.memory_space<vmem>>) dst(%dma_wait3A_394 : memref<10000x128xf32, #tpu.memory_space<vmem_shared>>)
      %add3A_395 = arith.constant 6 : i32
      %add3A_396 = arith.addi %mul3A_290, %add3A_395 : i32
      %add3A_397 = arith.constant 0 : i32
      %add3A_398 = arith.addi %add3A_396, %add3A_397 : i32
      %dma_start3A_399 = arith.constant 0 : i32
      %dma_start3A_400 = tpu.memref_slice %arg5[%add3A_398, %dma_start3A_399] : memref<250x40xi32, #tpu.memory_space<vmem>> -> memref<1x40xi32, #tpu.memory_space<vmem>>
      %dma_start3A_401 = tpu.memref_squeeze %dma_start3A_400 : memref<1x40xi32, #tpu.memory_space<vmem>> -> memref<40xi32, #tpu.memory_space<vmem>>
      %dma_start3A_402 = arith.constant 0 : i32
      %dma_start3A_403 = arith.constant 0 : i32
      %dma_start3A_404 = tpu.memref_slice %arg2[%dma_start3A_402, %dma_start3A_403] : memref<10000x128xf32, #tpu.memory_space<hbm>> -> memref<10000x128xf32, #tpu.memory_space<hbm>>
      tpu.enqueue_indirect_dma source(%dma_start3A_404 : memref<10000x128xf32, #tpu.memory_space<hbm>>) target(%arg7 : memref<40x128xf32, #tpu.memory_space<vmem>>) offsets(%dma_start3A_401 : memref<40xi32, #tpu.memory_space<vmem>>) semaphore(%arg14 : memref<!tpu.dma_semaphore, #tpu.memory_space<semaphore_mem>>)
      %add3A_405 = arith.constant 1 : i32
      %add3A_406 = arith.addi %mul3A_290, %add3A_405 : i32
      %dma_wait3A_407 = arith.constant 0 : i32
      %dma_wait3A_408 = tpu.memref_slice %arg6[%add3A_406, %dma_wait3A_407] : memref<250x40xi32, #tpu.memory_space<vmem>> -> memref<1x40xi32, #tpu.memory_space<vmem>>
      %dma_wait3A_409 = tpu.memref_squeeze %dma_wait3A_408 : memref<1x40xi32, #tpu.memory_space<vmem>> -> memref<40xi32, #tpu.memory_space<vmem>>
      %dma_wait3A_410 = arith.constant 0 : i32
      %dma_wait3A_411 = arith.constant 0 : i32
      %dma_wait3A_412 = tpu.memref_slice %arg13[%dma_wait3A_410, %dma_wait3A_411] : memref<10000x128xf32, #tpu.memory_space<vmem_shared>> -> memref<10000x128xf32, #tpu.memory_space<vmem_shared>>
      tpu.wait_indirect_dma semaphore(%arg21 : memref<!tpu.dma_semaphore, #tpu.memory_space<semaphore_mem>>) src(%arg8 : memref<40x128xf32, #tpu.memory_space<vmem>>) dst(%dma_wait3A_412 : memref<10000x128xf32, #tpu.memory_space<vmem_shared>>)
      %add3A_413 = arith.constant 6 : i32
      %add3A_414 = arith.addi %mul3A_290, %add3A_413 : i32
      %add3A_415 = arith.constant 1 : i32
      %add3A_416 = arith.addi %add3A_414, %add3A_415 : i32
      %dma_start3A_417 = arith.constant 0 : i32
      %dma_start3A_418 = tpu.memref_slice %arg5[%add3A_416, %dma_start3A_417] : memref<250x40xi32, #tpu.memory_space<vmem>> -> memref<1x40xi32, #tpu.memory_space<vmem>>
      %dma_start3A_419 = tpu.memref_squeeze %dma_start3A_418 : memref<1x40xi32, #tpu.memory_space<vmem>> -> memref<40xi32, #tpu.memory_space<vmem>>
      %dma_start3A_420 = arith.constant 0 : i32
      %dma_start3A_421 = arith.constant 0 : i32
      %dma_start3A_422 = tpu.memref_slice %arg2[%dma_start3A_420, %dma_start3A_421] : memref<10000x128xf32, #tpu.memory_space<hbm>> -> memref<10000x128xf32, #tpu.memory_space<hbm>>
      tpu.enqueue_indirect_dma source(%dma_start3A_422 : memref<10000x128xf32, #tpu.memory_space<hbm>>) target(%arg8 : memref<40x128xf32, #tpu.memory_space<vmem>>) offsets(%dma_start3A_419 : memref<40xi32, #tpu.memory_space<vmem>>) semaphore(%arg15 : memref<!tpu.dma_semaphore, #tpu.memory_space<semaphore_mem>>)
      %add3A_423 = arith.constant 2 : i32
      %add3A_424 = arith.addi %mul3A_290, %add3A_423 : i32
      %dma_wait3A_425 = arith.constant 0 : i32
      %dma_wait3A_426 = tpu.memref_slice %arg6[%add3A_424, %dma_wait3A_425] : memref<250x40xi32, #tpu.memory_space<vmem>> -> memref<1x40xi32, #tpu.memory_space<vmem>>
      %dma_wait3A_427 = tpu.memref_squeeze %dma_wait3A_426 : memref<1x40xi32, #tpu.memory_space<vmem>> -> memref<40xi32, #tpu.memory_space<vmem>>
      %dma_wait3A_428 = arith.constant 0 : i32
      %dma_wait3A_429 = arith.constant 0 : i32
      %dma_wait3A_430 = tpu.memref_slice %arg13[%dma_wait3A_428, %dma_wait3A_429] : memref<10000x128xf32, #tpu.memory_space<vmem_shared>> -> memref<10000x128xf32, #tpu.memory_space<vmem_shared>>
      tpu.wait_indirect_dma semaphore(%arg22 : memref<!tpu.dma_semaphore, #tpu.memory_space<semaphore_mem>>) src(%arg9 : memref<40x128xf32, #tpu.memory_space<vmem>>) dst(%dma_wait3A_430 : memref<10000x128xf32, #tpu.memory_space<vmem_shared>>)
      %add3A_431 = arith.constant 6 : i32
      %add3A_432 = arith.addi %mul3A_290, %add3A_431 : i32
      %add3A_433 = arith.constant 2 : i32
      %add3A_434 = arith.addi %add3A_432, %add3A_433 : i32
      %dma_start3A_435 = arith.constant 0 : i32
      %dma_start3A_436 = tpu.memref_slice %arg5[%add3A_434, %dma_start3A_435] : memref<250x40xi32, #tpu.memory_space<vmem>> -> memref<1x40xi32, #tpu.memory_space<vmem>>
      %dma_start3A_437 = tpu.memref_squeeze %dma_start3A_436 : memref<1x40xi32, #tpu.memory_space<vmem>> -> memref<40xi32, #tpu.memory_space<vmem>>
      %dma_start3A_438 = arith.constant 0 : i32
      %dma_start3A_439 = arith.constant 0 : i32
      %dma_start3A_440 = tpu.memref_slice %arg2[%dma_start3A_438, %dma_start3A_439] : memref<10000x128xf32, #tpu.memory_space<hbm>> -> memref<10000x128xf32, #tpu.memory_space<hbm>>
      tpu.enqueue_indirect_dma source(%dma_start3A_440 : memref<10000x128xf32, #tpu.memory_space<hbm>>) target(%arg9 : memref<40x128xf32, #tpu.memory_space<vmem>>) offsets(%dma_start3A_437 : memref<40xi32, #tpu.memory_space<vmem>>) semaphore(%arg16 : memref<!tpu.dma_semaphore, #tpu.memory_space<semaphore_mem>>)
      %add3A_441 = arith.constant 3 : i32
      %add3A_442 = arith.addi %mul3A_290, %add3A_441 : i32
      %dma_wait3A_443 = arith.constant 0 : i32
      %dma_wait3A_444 = tpu.memref_slice %arg6[%add3A_442, %dma_wait3A_443] : memref<250x40xi32, #tpu.memory_space<vmem>> -> memref<1x40xi32, #tpu.memory_space<vmem>>
      %dma_wait3A_445 = tpu.memref_squeeze %dma_wait3A_444 : memref<1x40xi32, #tpu.memory_space<vmem>> -> memref<40xi32, #tpu.memory_space<vmem>>
      %dma_wait3A_446 = arith.constant 0 : i32
      %dma_wait3A_447 = arith.constant 0 : i32
      %dma_wait3A_448 = tpu.memref_slice %arg13[%dma_wait3A_446, %dma_wait3A_447] : memref<10000x128xf32, #tpu.memory_space<vmem_shared>> -> memref<10000x128xf32, #tpu.memory_space<vmem_shared>>
      tpu.wait_indirect_dma semaphore(%arg23 : memref<!tpu.dma_semaphore, #tpu.memory_space<semaphore_mem>>) src(%arg10 : memref<40x128xf32, #tpu.memory_space<vmem>>) dst(%dma_wait3A_448 : memref<10000x128xf32, #tpu.memory_space<vmem_shared>>)
      %add3A_449 = arith.constant 6 : i32
      %add3A_450 = arith.addi %mul3A_290, %add3A_449 : i32
      %add3A_451 = arith.constant 3 : i32
      %add3A_452 = arith.addi %add3A_450, %add3A_451 : i32
      %dma_start3A_453 = arith.constant 0 : i32
      %dma_start3A_454 = tpu.memref_slice %arg5[%add3A_452, %dma_start3A_453] : memref<250x40xi32, #tpu.memory_space<vmem>> -> memref<1x40xi32, #tpu.memory_space<vmem>>
      %dma_start3A_455 = tpu.memref_squeeze %dma_start3A_454 : memref<1x40xi32, #tpu.memory_space<vmem>> -> memref<40xi32, #tpu.memory_space<vmem>>
      %dma_start3A_456 = arith.constant 0 : i32
      %dma_start3A_457 = arith.constant 0 : i32
      %dma_start3A_458 = tpu.memref_slice %arg2[%dma_start3A_456, %dma_start3A_457] : memref<10000x128xf32, #tpu.memory_space<hbm>> -> memref<10000x128xf32, #tpu.memory_space<hbm>>
      tpu.enqueue_indirect_dma source(%dma_start3A_458 : memref<10000x128xf32, #tpu.memory_space<hbm>>) target(%arg10 : memref<40x128xf32, #tpu.memory_space<vmem>>) offsets(%dma_start3A_455 : memref<40xi32, #tpu.memory_space<vmem>>) semaphore(%arg17 : memref<!tpu.dma_semaphore, #tpu.memory_space<semaphore_mem>>)
      %add3A_459 = arith.constant 4 : i32
      %add3A_460 = arith.addi %mul3A_290, %add3A_459 : i32
      %dma_wait3A_461 = arith.constant 0 : i32
      %dma_wait3A_462 = tpu.memref_slice %arg6[%add3A_460, %dma_wait3A_461] : memref<250x40xi32, #tpu.memory_space<vmem>> -> memref<1x40xi32, #tpu.memory_space<vmem>>
      %dma_wait3A_463 = tpu.memref_squeeze %dma_wait3A_462 : memref<1x40xi32, #tpu.memory_space<vmem>> -> memref<40xi32, #tpu.memory_space<vmem>>
      %dma_wait3A_464 = arith.constant 0 : i32
      %dma_wait3A_465 = arith.constant 0 : i32
      %dma_wait3A_466 = tpu.memref_slice %arg13[%dma_wait3A_464, %dma_wait3A_465] : memref<10000x128xf32, #tpu.memory_space<vmem_shared>> -> memref<10000x128xf32, #tpu.memory_space<vmem_shared>>
      tpu.wait_indirect_dma semaphore(%arg24 : memref<!tpu.dma_semaphore, #tpu.memory_space<semaphore_mem>>) src(%arg11 : memref<40x128xf32, #tpu.memory_space<vmem>>) dst(%dma_wait3A_466 : memref<10000x128xf32, #tpu.memory_space<vmem_shared>>)
      %add3A_467 = arith.constant 6 : i32
      %add3A_468 = arith.addi %mul3A_290, %add3A_467 : i32
      %add3A_469 = arith.constant 4 : i32
      %add3A_470 = arith.addi %add3A_468, %add3A_469 : i32
      %dma_start3A_471 = arith.constant 0 : i32
      %dma_start3A_472 = tpu.memref_slice %arg5[%add3A_470, %dma_start3A_471] : memref<250x40xi32, #tpu.memory_space<vmem>> -> memref<1x40xi32, #tpu.memory_space<vmem>>
      %dma_start3A_473 = tpu.memref_squeeze %dma_start3A_472 : memref<1x40xi32, #tpu.memory_space<vmem>> -> memref<40xi32, #tpu.memory_space<vmem>>
      %dma_start3A_474 = arith.constant 0 : i32
      %dma_start3A_475 = arith.constant 0 : i32
      %dma_start3A_476 = tpu.memref_slice %arg2[%dma_start3A_474, %dma_start3A_475] : memref<10000x128xf32, #tpu.memory_space<hbm>> -> memref<10000x128xf32, #tpu.memory_space<hbm>>
      tpu.enqueue_indirect_dma source(%dma_start3A_476 : memref<10000x128xf32, #tpu.memory_space<hbm>>) target(%arg11 : memref<40x128xf32, #tpu.memory_space<vmem>>) offsets(%dma_start3A_473 : memref<40xi32, #tpu.memory_space<vmem>>) semaphore(%arg18 : memref<!tpu.dma_semaphore, #tpu.memory_space<semaphore_mem>>)
      %add3A_477 = arith.constant 5 : i32
      %add3A_478 = arith.addi %mul3A_290, %add3A_477 : i32
      %dma_wait3A_479 = arith.constant 0 : i32
      %dma_wait3A_480 = tpu.memref_slice %arg6[%add3A_478, %dma_wait3A_479] : memref<250x40xi32, #tpu.memory_space<vmem>> -> memref<1x40xi32, #tpu.memory_space<vmem>>
      %dma_wait3A_481 = tpu.memref_squeeze %dma_wait3A_480 : memref<1x40xi32, #tpu.memory_space<vmem>> -> memref<40xi32, #tpu.memory_space<vmem>>
      %dma_wait3A_482 = arith.constant 0 : i32
      %dma_wait3A_483 = arith.constant 0 : i32
      %dma_wait3A_484 = tpu.memref_slice %arg13[%dma_wait3A_482, %dma_wait3A_483] : memref<10000x128xf32, #tpu.memory_space<vmem_shared>> -> memref<10000x128xf32, #tpu.memory_space<vmem_shared>>
      tpu.wait_indirect_dma semaphore(%arg25 : memref<!tpu.dma_semaphore, #tpu.memory_space<semaphore_mem>>) src(%arg12 : memref<40x128xf32, #tpu.memory_space<vmem>>) dst(%dma_wait3A_484 : memref<10000x128xf32, #tpu.memory_space<vmem_shared>>)
      %add3A_485 = arith.constant 6 : i32
      %add3A_486 = arith.addi %mul3A_290, %add3A_485 : i32
      %add3A_487 = arith.constant 5 : i32
      %add3A_488 = arith.addi %add3A_486, %add3A_487 : i32
      %dma_start3A_489 = arith.constant 0 : i32
      %dma_start3A_490 = tpu.memref_slice %arg5[%add3A_488, %dma_start3A_489] : memref<250x40xi32, #tpu.memory_space<vmem>> -> memref<1x40xi32, #tpu.memory_space<vmem>>
      %dma_start3A_491 = tpu.memref_squeeze %dma_start3A_490 : memref<1x40xi32, #tpu.memory_space<vmem>> -> memref<40xi32, #tpu.memory_space<vmem>>
      %dma_start3A_492 = arith.constant 0 : i32
      %dma_start3A_493 = arith.constant 0 : i32
      %dma_start3A_494 = tpu.memref_slice %arg2[%dma_start3A_492, %dma_start3A_493] : memref<10000x128xf32, #tpu.memory_space<hbm>> -> memref<10000x128xf32, #tpu.memory_space<hbm>>
      tpu.enqueue_indirect_dma source(%dma_start3A_494 : memref<10000x128xf32, #tpu.memory_space<hbm>>) target(%arg12 : memref<40x128xf32, #tpu.memory_space<vmem>>) offsets(%dma_start3A_491 : memref<40xi32, #tpu.memory_space<vmem>>) semaphore(%arg19 : memref<!tpu.dma_semaphore, #tpu.memory_space<semaphore_mem>>)
    }
    %scan3A_49 = arith.constant 40 : i32
    %dma_wait3A = arith.constant 240 : i32
    %dma_wait3A_50 = arith.constant 0 : i32
    %dma_wait3A_51 = tpu.memref_slice %arg5[%dma_wait3A, %dma_wait3A_50] : memref<250x40xi32, #tpu.memory_space<vmem>> -> memref<1x40xi32, #tpu.memory_space<vmem>>
    %dma_wait3A_52 = tpu.memref_squeeze %dma_wait3A_51 : memref<1x40xi32, #tpu.memory_space<vmem>> -> memref<40xi32, #tpu.memory_space<vmem>>
    %dma_wait3A_53 = arith.constant 0 : i32
    %dma_wait3A_54 = arith.constant 0 : i32
    %dma_wait3A_55 = tpu.memref_slice %arg2[%dma_wait3A_53, %dma_wait3A_54] : memref<10000x128xf32, #tpu.memory_space<hbm>> -> memref<10000x128xf32, #tpu.memory_space<hbm>>
    tpu.wait_indirect_dma semaphore(%arg14 : memref<!tpu.dma_semaphore, #tpu.memory_space<semaphore_mem>>) src(%dma_wait3A_55 : memref<10000x128xf32, #tpu.memory_space<hbm>>) dst(%arg7 : memref<40x128xf32, #tpu.memory_space<vmem>>)
    %dma_start3A_56 = arith.constant 240 : i32
    %dma_start3A_57 = arith.constant 0 : i32
    %dma_start3A_58 = tpu.memref_slice %arg6[%dma_start3A_56, %dma_start3A_57] : memref<250x40xi32, #tpu.memory_space<vmem>> -> memref<1x40xi32, #tpu.memory_space<vmem>>
    %dma_start3A_59 = tpu.memref_squeeze %dma_start3A_58 : memref<1x40xi32, #tpu.memory_space<vmem>> -> memref<40xi32, #tpu.memory_space<vmem>>
    %dma_start3A_60 = arith.constant 0 : i32
    %dma_start3A_61 = arith.constant 0 : i32
    %dma_start3A_62 = tpu.memref_slice %arg13[%dma_start3A_60, %dma_start3A_61] : memref<10000x128xf32, #tpu.memory_space<vmem_shared>> -> memref<10000x128xf32, #tpu.memory_space<vmem_shared>>
    tpu.enqueue_indirect_dma source(%arg7 : memref<40x128xf32, #tpu.memory_space<vmem>>) target(%dma_start3A_62 : memref<10000x128xf32, #tpu.memory_space<vmem_shared>>) offsets(%dma_start3A_59 : memref<40xi32, #tpu.memory_space<vmem>>) semaphore(%arg20 : memref<!tpu.dma_semaphore, #tpu.memory_space<semaphore_mem>>) {add = true}
    %dma_wait3A_63 = arith.constant 241 : i32
    %dma_wait3A_64 = arith.constant 0 : i32
    %dma_wait3A_65 = tpu.memref_slice %arg5[%dma_wait3A_63, %dma_wait3A_64] : memref<250x40xi32, #tpu.memory_space<vmem>> -> memref<1x40xi32, #tpu.memory_space<vmem>>
    %dma_wait3A_66 = tpu.memref_squeeze %dma_wait3A_65 : memref<1x40xi32, #tpu.memory_space<vmem>> -> memref<40xi32, #tpu.memory_space<vmem>>
    %dma_wait3A_67 = arith.constant 0 : i32
    %dma_wait3A_68 = arith.constant 0 : i32
    %dma_wait3A_69 = tpu.memref_slice %arg2[%dma_wait3A_67, %dma_wait3A_68] : memref<10000x128xf32, #tpu.memory_space<hbm>> -> memref<10000x128xf32, #tpu.memory_space<hbm>>
    tpu.wait_indirect_dma semaphore(%arg15 : memref<!tpu.dma_semaphore, #tpu.memory_space<semaphore_mem>>) src(%dma_wait3A_69 : memref<10000x128xf32, #tpu.memory_space<hbm>>) dst(%arg8 : memref<40x128xf32, #tpu.memory_space<vmem>>)
    %dma_start3A_70 = arith.constant 241 : i32
    %dma_start3A_71 = arith.constant 0 : i32
    %dma_start3A_72 = tpu.memref_slice %arg6[%dma_start3A_70, %dma_start3A_71] : memref<250x40xi32, #tpu.memory_space<vmem>> -> memref<1x40xi32, #tpu.memory_space<vmem>>
    %dma_start3A_73 = tpu.memref_squeeze %dma_start3A_72 : memref<1x40xi32, #tpu.memory_space<vmem>> -> memref<40xi32, #tpu.memory_space<vmem>>
    %dma_start3A_74 = arith.constant 0 : i32
    %dma_start3A_75 = arith.constant 0 : i32
    %dma_start3A_76 = tpu.memref_slice %arg13[%dma_start3A_74, %dma_start3A_75] : memref<10000x128xf32, #tpu.memory_space<vmem_shared>> -> memref<10000x128xf32, #tpu.memory_space<vmem_shared>>
    tpu.enqueue_indirect_dma source(%arg8 : memref<40x128xf32, #tpu.memory_space<vmem>>) target(%dma_start3A_76 : memref<10000x128xf32, #tpu.memory_space<vmem_shared>>) offsets(%dma_start3A_73 : memref<40xi32, #tpu.memory_space<vmem>>) semaphore(%arg21 : memref<!tpu.dma_semaphore, #tpu.memory_space<semaphore_mem>>) {add = true}
    %dma_wait3A_77 = arith.constant 242 : i32
    %dma_wait3A_78 = arith.constant 0 : i32
    %dma_wait3A_79 = tpu.memref_slice %arg5[%dma_wait3A_77, %dma_wait3A_78] : memref<250x40xi32, #tpu.memory_space<vmem>> -> memref<1x40xi32, #tpu.memory_space<vmem>>
    %dma_wait3A_80 = tpu.memref_squeeze %dma_wait3A_79 : memref<1x40xi32, #tpu.memory_space<vmem>> -> memref<40xi32, #tpu.memory_space<vmem>>
    %dma_wait3A_81 = arith.constant 0 : i32
    %dma_wait3A_82 = arith.constant 0 : i32
    %dma_wait3A_83 = tpu.memref_slice %arg2[%dma_wait3A_81, %dma_wait3A_82] : memref<10000x128xf32, #tpu.memory_space<hbm>> -> memref<10000x128xf32, #tpu.memory_space<hbm>>
    tpu.wait_indirect_dma semaphore(%arg16 : memref<!tpu.dma_semaphore, #tpu.memory_space<semaphore_mem>>) src(%dma_wait3A_83 : memref<10000x128xf32, #tpu.memory_space<hbm>>) dst(%arg9 : memref<40x128xf32, #tpu.memory_space<vmem>>)
    %dma_start3A_84 = arith.constant 242 : i32
    %dma_start3A_85 = arith.constant 0 : i32
    %dma_start3A_86 = tpu.memref_slice %arg6[%dma_start3A_84, %dma_start3A_85] : memref<250x40xi32, #tpu.memory_space<vmem>> -> memref<1x40xi32, #tpu.memory_space<vmem>>
    %dma_start3A_87 = tpu.memref_squeeze %dma_start3A_86 : memref<1x40xi32, #tpu.memory_space<vmem>> -> memref<40xi32, #tpu.memory_space<vmem>>
    %dma_start3A_88 = arith.constant 0 : i32
    %dma_start3A_89 = arith.constant 0 : i32
    %dma_start3A_90 = tpu.memref_slice %arg13[%dma_start3A_88, %dma_start3A_89] : memref<10000x128xf32, #tpu.memory_space<vmem_shared>> -> memref<10000x128xf32, #tpu.memory_space<vmem_shared>>
    tpu.enqueue_indirect_dma source(%arg9 : memref<40x128xf32, #tpu.memory_space<vmem>>) target(%dma_start3A_90 : memref<10000x128xf32, #tpu.memory_space<vmem_shared>>) offsets(%dma_start3A_87 : memref<40xi32, #tpu.memory_space<vmem>>) semaphore(%arg22 : memref<!tpu.dma_semaphore, #tpu.memory_space<semaphore_mem>>) {add = true}
    %dma_wait3A_91 = arith.constant 243 : i32
    %dma_wait3A_92 = arith.constant 0 : i32
    %dma_wait3A_93 = tpu.memref_slice %arg5[%dma_wait3A_91, %dma_wait3A_92] : memref<250x40xi32, #tpu.memory_space<vmem>> -> memref<1x40xi32, #tpu.memory_space<vmem>>
    %dma_wait3A_94 = tpu.memref_squeeze %dma_wait3A_93 : memref<1x40xi32, #tpu.memory_space<vmem>> -> memref<40xi32, #tpu.memory_space<vmem>>
    %dma_wait3A_95 = arith.constant 0 : i32
    %dma_wait3A_96 = arith.constant 0 : i32
    %dma_wait3A_97 = tpu.memref_slice %arg2[%dma_wait3A_95, %dma_wait3A_96] : memref<10000x128xf32, #tpu.memory_space<hbm>> -> memref<10000x128xf32, #tpu.memory_space<hbm>>
    tpu.wait_indirect_dma semaphore(%arg17 : memref<!tpu.dma_semaphore, #tpu.memory_space<semaphore_mem>>) src(%dma_wait3A_97 : memref<10000x128xf32, #tpu.memory_space<hbm>>) dst(%arg10 : memref<40x128xf32, #tpu.memory_space<vmem>>)
    %dma_start3A_98 = arith.constant 243 : i32
    %dma_start3A_99 = arith.constant 0 : i32
    %dma_start3A_100 = tpu.memref_slice %arg6[%dma_start3A_98, %dma_start3A_99] : memref<250x40xi32, #tpu.memory_space<vmem>> -> memref<1x40xi32, #tpu.memory_space<vmem>>
    %dma_start3A_101 = tpu.memref_squeeze %dma_start3A_100 : memref<1x40xi32, #tpu.memory_space<vmem>> -> memref<40xi32, #tpu.memory_space<vmem>>
    %dma_start3A_102 = arith.constant 0 : i32
    %dma_start3A_103 = arith.constant 0 : i32
    %dma_start3A_104 = tpu.memref_slice %arg13[%dma_start3A_102, %dma_start3A_103] : memref<10000x128xf32, #tpu.memory_space<vmem_shared>> -> memref<10000x128xf32, #tpu.memory_space<vmem_shared>>
    tpu.enqueue_indirect_dma source(%arg10 : memref<40x128xf32, #tpu.memory_space<vmem>>) target(%dma_start3A_104 : memref<10000x128xf32, #tpu.memory_space<vmem_shared>>) offsets(%dma_start3A_101 : memref<40xi32, #tpu.memory_space<vmem>>) semaphore(%arg23 : memref<!tpu.dma_semaphore, #tpu.memory_space<semaphore_mem>>) {add = true}
    %dma_wait3A_105 = arith.constant 244 : i32
    %dma_wait3A_106 = arith.constant 0 : i32
    %dma_wait3A_107 = tpu.memref_slice %arg5[%dma_wait3A_105, %dma_wait3A_106] : memref<250x40xi32, #tpu.memory_space<vmem>> -> memref<1x40xi32, #tpu.memory_space<vmem>>
    %dma_wait3A_108 = tpu.memref_squeeze %dma_wait3A_107 : memref<1x40xi32, #tpu.memory_space<vmem>> -> memref<40xi32, #tpu.memory_space<vmem>>
    %dma_wait3A_109 = arith.constant 0 : i32
    %dma_wait3A_110 = arith.constant 0 : i32
    %dma_wait3A_111 = tpu.memref_slice %arg2[%dma_wait3A_109, %dma_wait3A_110] : memref<10000x128xf32, #tpu.memory_space<hbm>> -> memref<10000x128xf32, #tpu.memory_space<hbm>>
    tpu.wait_indirect_dma semaphore(%arg18 : memref<!tpu.dma_semaphore, #tpu.memory_space<semaphore_mem>>) src(%dma_wait3A_111 : memref<10000x128xf32, #tpu.memory_space<hbm>>) dst(%arg11 : memref<40x128xf32, #tpu.memory_space<vmem>>)
    %dma_start3A_112 = arith.constant 244 : i32
    %dma_start3A_113 = arith.constant 0 : i32
    %dma_start3A_114 = tpu.memref_slice %arg6[%dma_start3A_112, %dma_start3A_113] : memref<250x40xi32, #tpu.memory_space<vmem>> -> memref<1x40xi32, #tpu.memory_space<vmem>>
    %dma_start3A_115 = tpu.memref_squeeze %dma_start3A_114 : memref<1x40xi32, #tpu.memory_space<vmem>> -> memref<40xi32, #tpu.memory_space<vmem>>
    %dma_start3A_116 = arith.constant 0 : i32
    %dma_start3A_117 = arith.constant 0 : i32
    %dma_start3A_118 = tpu.memref_slice %arg13[%dma_start3A_116, %dma_start3A_117] : memref<10000x128xf32, #tpu.memory_space<vmem_shared>> -> memref<10000x128xf32, #tpu.memory_space<vmem_shared>>
    tpu.enqueue_indirect_dma source(%arg11 : memref<40x128xf32, #tpu.memory_space<vmem>>) target(%dma_start3A_118 : memref<10000x128xf32, #tpu.memory_space<vmem_shared>>) offsets(%dma_start3A_115 : memref<40xi32, #tpu.memory_space<vmem>>) semaphore(%arg24 : memref<!tpu.dma_semaphore, #tpu.memory_space<semaphore_mem>>) {add = true}
    %dma_wait3A_119 = arith.constant 245 : i32
    %dma_wait3A_120 = arith.constant 0 : i32
    %dma_wait3A_121 = tpu.memref_slice %arg5[%dma_wait3A_119, %dma_wait3A_120] : memref<250x40xi32, #tpu.memory_space<vmem>> -> memref<1x40xi32, #tpu.memory_space<vmem>>
    %dma_wait3A_122 = tpu.memref_squeeze %dma_wait3A_121 : memref<1x40xi32, #tpu.memory_space<vmem>> -> memref<40xi32, #tpu.memory_space<vmem>>
    %dma_wait3A_123 = arith.constant 0 : i32
    %dma_wait3A_124 = arith.constant 0 : i32
    %dma_wait3A_125 = tpu.memref_slice %arg2[%dma_wait3A_123, %dma_wait3A_124] : memref<10000x128xf32, #tpu.memory_space<hbm>> -> memref<10000x128xf32, #tpu.memory_space<hbm>>
    tpu.wait_indirect_dma semaphore(%arg19 : memref<!tpu.dma_semaphore, #tpu.memory_space<semaphore_mem>>) src(%dma_wait3A_125 : memref<10000x128xf32, #tpu.memory_space<hbm>>) dst(%arg12 : memref<40x128xf32, #tpu.memory_space<vmem>>)
    %dma_start3A_126 = arith.constant 245 : i32
    %dma_start3A_127 = arith.constant 0 : i32
    %dma_start3A_128 = tpu.memref_slice %arg6[%dma_start3A_126, %dma_start3A_127] : memref<250x40xi32, #tpu.memory_space<vmem>> -> memref<1x40xi32, #tpu.memory_space<vmem>>
    %dma_start3A_129 = tpu.memref_squeeze %dma_start3A_128 : memref<1x40xi32, #tpu.memory_space<vmem>> -> memref<40xi32, #tpu.memory_space<vmem>>
    %dma_start3A_130 = arith.constant 0 : i32
    %dma_start3A_131 = arith.constant 0 : i32
    %dma_start3A_132 = tpu.memref_slice %arg13[%dma_start3A_130, %dma_start3A_131] : memref<10000x128xf32, #tpu.memory_space<vmem_shared>> -> memref<10000x128xf32, #tpu.memory_space<vmem_shared>>
    tpu.enqueue_indirect_dma source(%arg12 : memref<40x128xf32, #tpu.memory_space<vmem>>) target(%dma_start3A_132 : memref<10000x128xf32, #tpu.memory_space<vmem_shared>>) offsets(%dma_start3A_129 : memref<40xi32, #tpu.memory_space<vmem>>) semaphore(%arg25 : memref<!tpu.dma_semaphore, #tpu.memory_space<semaphore_mem>>) {add = true}
    %dma_wait3A_133 = arith.constant 240 : i32
    %dma_wait3A_134 = arith.constant 0 : i32
    %dma_wait3A_135 = tpu.memref_slice %arg6[%dma_wait3A_133, %dma_wait3A_134] : memref<250x40xi32, #tpu.memory_space<vmem>> -> memref<1x40xi32, #tpu.memory_space<vmem>>
    %dma_wait3A_136 = tpu.memref_squeeze %dma_wait3A_135 : memref<1x40xi32, #tpu.memory_space<vmem>> -> memref<40xi32, #tpu.memory_space<vmem>>
    %dma_wait3A_137 = arith.constant 0 : i32
    %dma_wait3A_138 = arith.constant 0 : i32
    %dma_wait3A_139 = tpu.memref_slice %arg13[%dma_wait3A_137, %dma_wait3A_138] : memref<10000x128xf32, #tpu.memory_space<vmem_shared>> -> memref<10000x128xf32, #tpu.memory_space<vmem_shared>>
    tpu.wait_indirect_dma semaphore(%arg20 : memref<!tpu.dma_semaphore, #tpu.memory_space<semaphore_mem>>) src(%arg7 : memref<40x128xf32, #tpu.memory_space<vmem>>) dst(%dma_wait3A_139 : memref<10000x128xf32, #tpu.memory_space<vmem_shared>>)
    %dma_start3A_140 = arith.constant 246 : i32
    %dma_start3A_141 = arith.constant 0 : i32
    %dma_start3A_142 = tpu.memref_slice %arg5[%dma_start3A_140, %dma_start3A_141] : memref<250x40xi32, #tpu.memory_space<vmem>> -> memref<1x40xi32, #tpu.memory_space<vmem>>
    %dma_start3A_143 = tpu.memref_squeeze %dma_start3A_142 : memref<1x40xi32, #tpu.memory_space<vmem>> -> memref<40xi32, #tpu.memory_space<vmem>>
    %dma_start3A_144 = arith.constant 0 : i32
    %dma_start3A_145 = arith.constant 0 : i32
    %dma_start3A_146 = tpu.memref_slice %arg2[%dma_start3A_144, %dma_start3A_145] : memref<10000x128xf32, #tpu.memory_space<hbm>> -> memref<10000x128xf32, #tpu.memory_space<hbm>>
    tpu.enqueue_indirect_dma source(%dma_start3A_146 : memref<10000x128xf32, #tpu.memory_space<hbm>>) target(%arg7 : memref<40x128xf32, #tpu.memory_space<vmem>>) offsets(%dma_start3A_143 : memref<40xi32, #tpu.memory_space<vmem>>) semaphore(%arg14 : memref<!tpu.dma_semaphore, #tpu.memory_space<semaphore_mem>>)
    %dma_wait3A_147 = arith.constant 246 : i32
    %dma_wait3A_148 = arith.constant 0 : i32
    %dma_wait3A_149 = tpu.memref_slice %arg5[%dma_wait3A_147, %dma_wait3A_148] : memref<250x40xi32, #tpu.memory_space<vmem>> -> memref<1x40xi32, #tpu.memory_space<vmem>>
    %dma_wait3A_150 = tpu.memref_squeeze %dma_wait3A_149 : memref<1x40xi32, #tpu.memory_space<vmem>> -> memref<40xi32, #tpu.memory_space<vmem>>
    %dma_wait3A_151 = arith.constant 0 : i32
    %dma_wait3A_152 = arith.constant 0 : i32
    %dma_wait3A_153 = tpu.memref_slice %arg2[%dma_wait3A_151, %dma_wait3A_152] : memref<10000x128xf32, #tpu.memory_space<hbm>> -> memref<10000x128xf32, #tpu.memory_space<hbm>>
    tpu.wait_indirect_dma semaphore(%arg14 : memref<!tpu.dma_semaphore, #tpu.memory_space<semaphore_mem>>) src(%dma_wait3A_153 : memref<10000x128xf32, #tpu.memory_space<hbm>>) dst(%arg7 : memref<40x128xf32, #tpu.memory_space<vmem>>)
    %dma_start3A_154 = arith.constant 246 : i32
    %dma_start3A_155 = arith.constant 0 : i32
    %dma_start3A_156 = tpu.memref_slice %arg6[%dma_start3A_154, %dma_start3A_155] : memref<250x40xi32, #tpu.memory_space<vmem>> -> memref<1x40xi32, #tpu.memory_space<vmem>>
    %dma_start3A_157 = tpu.memref_squeeze %dma_start3A_156 : memref<1x40xi32, #tpu.memory_space<vmem>> -> memref<40xi32, #tpu.memory_space<vmem>>
    %dma_start3A_158 = arith.constant 0 : i32
    %dma_start3A_159 = arith.constant 0 : i32
    %dma_start3A_160 = tpu.memref_slice %arg13[%dma_start3A_158, %dma_start3A_159] : memref<10000x128xf32, #tpu.memory_space<vmem_shared>> -> memref<10000x128xf32, #tpu.memory_space<vmem_shared>>
    tpu.enqueue_indirect_dma source(%arg7 : memref<40x128xf32, #tpu.memory_space<vmem>>) target(%dma_start3A_160 : memref<10000x128xf32, #tpu.memory_space<vmem_shared>>) offsets(%dma_start3A_157 : memref<40xi32, #tpu.memory_space<vmem>>) semaphore(%arg20 : memref<!tpu.dma_semaphore, #tpu.memory_space<semaphore_mem>>) {add = true}
    %dma_wait3A_161 = arith.constant 241 : i32
    %dma_wait3A_162 = arith.constant 0 : i32
    %dma_wait3A_163 = tpu.memref_slice %arg6[%dma_wait3A_161, %dma_wait3A_162] : memref<250x40xi32, #tpu.memory_space<vmem>> -> memref<1x40xi32, #tpu.memory_space<vmem>>
    %dma_wait3A_164 = tpu.memref_squeeze %dma_wait3A_163 : memref<1x40xi32, #tpu.memory_space<vmem>> -> memref<40xi32, #tpu.memory_space<vmem>>
    %dma_wait3A_165 = arith.constant 0 : i32
    %dma_wait3A_166 = arith.constant 0 : i32
    %dma_wait3A_167 = tpu.memref_slice %arg13[%dma_wait3A_165, %dma_wait3A_166] : memref<10000x128xf32, #tpu.memory_space<vmem_shared>> -> memref<10000x128xf32, #tpu.memory_space<vmem_shared>>
    tpu.wait_indirect_dma semaphore(%arg21 : memref<!tpu.dma_semaphore, #tpu.memory_space<semaphore_mem>>) src(%arg8 : memref<40x128xf32, #tpu.memory_space<vmem>>) dst(%dma_wait3A_167 : memref<10000x128xf32, #tpu.memory_space<vmem_shared>>)
    %dma_start3A_168 = arith.constant 247 : i32
    %dma_start3A_169 = arith.constant 0 : i32
    %dma_start3A_170 = tpu.memref_slice %arg5[%dma_start3A_168, %dma_start3A_169] : memref<250x40xi32, #tpu.memory_space<vmem>> -> memref<1x40xi32, #tpu.memory_space<vmem>>
    %dma_start3A_171 = tpu.memref_squeeze %dma_start3A_170 : memref<1x40xi32, #tpu.memory_space<vmem>> -> memref<40xi32, #tpu.memory_space<vmem>>
    %dma_start3A_172 = arith.constant 0 : i32
    %dma_start3A_173 = arith.constant 0 : i32
    %dma_start3A_174 = tpu.memref_slice %arg2[%dma_start3A_172, %dma_start3A_173] : memref<10000x128xf32, #tpu.memory_space<hbm>> -> memref<10000x128xf32, #tpu.memory_space<hbm>>
    tpu.enqueue_indirect_dma source(%dma_start3A_174 : memref<10000x128xf32, #tpu.memory_space<hbm>>) target(%arg8 : memref<40x128xf32, #tpu.memory_space<vmem>>) offsets(%dma_start3A_171 : memref<40xi32, #tpu.memory_space<vmem>>) semaphore(%arg15 : memref<!tpu.dma_semaphore, #tpu.memory_space<semaphore_mem>>)
    %dma_wait3A_175 = arith.constant 247 : i32
    %dma_wait3A_176 = arith.constant 0 : i32
    %dma_wait3A_177 = tpu.memref_slice %arg5[%dma_wait3A_175, %dma_wait3A_176] : memref<250x40xi32, #tpu.memory_space<vmem>> -> memref<1x40xi32, #tpu.memory_space<vmem>>
    %dma_wait3A_178 = tpu.memref_squeeze %dma_wait3A_177 : memref<1x40xi32, #tpu.memory_space<vmem>> -> memref<40xi32, #tpu.memory_space<vmem>>
    %dma_wait3A_179 = arith.constant 0 : i32
    %dma_wait3A_180 = arith.constant 0 : i32
    %dma_wait3A_181 = tpu.memref_slice %arg2[%dma_wait3A_179, %dma_wait3A_180] : memref<10000x128xf32, #tpu.memory_space<hbm>> -> memref<10000x128xf32, #tpu.memory_space<hbm>>
    tpu.wait_indirect_dma semaphore(%arg15 : memref<!tpu.dma_semaphore, #tpu.memory_space<semaphore_mem>>) src(%dma_wait3A_181 : memref<10000x128xf32, #tpu.memory_space<hbm>>) dst(%arg8 : memref<40x128xf32, #tpu.memory_space<vmem>>)
    %dma_start3A_182 = arith.constant 247 : i32
    %dma_start3A_183 = arith.constant 0 : i32
    %dma_start3A_184 = tpu.memref_slice %arg6[%dma_start3A_182, %dma_start3A_183] : memref<250x40xi32, #tpu.memory_space<vmem>> -> memref<1x40xi32, #tpu.memory_space<vmem>>
    %dma_start3A_185 = tpu.memref_squeeze %dma_start3A_184 : memref<1x40xi32, #tpu.memory_space<vmem>> -> memref<40xi32, #tpu.memory_space<vmem>>
    %dma_start3A_186 = arith.constant 0 : i32
    %dma_start3A_187 = arith.constant 0 : i32
    %dma_start3A_188 = tpu.memref_slice %arg13[%dma_start3A_186, %dma_start3A_187] : memref<10000x128xf32, #tpu.memory_space<vmem_shared>> -> memref<10000x128xf32, #tpu.memory_space<vmem_shared>>
    tpu.enqueue_indirect_dma source(%arg8 : memref<40x128xf32, #tpu.memory_space<vmem>>) target(%dma_start3A_188 : memref<10000x128xf32, #tpu.memory_space<vmem_shared>>) offsets(%dma_start3A_185 : memref<40xi32, #tpu.memory_space<vmem>>) semaphore(%arg21 : memref<!tpu.dma_semaphore, #tpu.memory_space<semaphore_mem>>) {add = true}
    %dma_wait3A_189 = arith.constant 242 : i32
    %dma_wait3A_190 = arith.constant 0 : i32
    %dma_wait3A_191 = tpu.memref_slice %arg6[%dma_wait3A_189, %dma_wait3A_190] : memref<250x40xi32, #tpu.memory_space<vmem>> -> memref<1x40xi32, #tpu.memory_space<vmem>>
    %dma_wait3A_192 = tpu.memref_squeeze %dma_wait3A_191 : memref<1x40xi32, #tpu.memory_space<vmem>> -> memref<40xi32, #tpu.memory_space<vmem>>
    %dma_wait3A_193 = arith.constant 0 : i32
    %dma_wait3A_194 = arith.constant 0 : i32
    %dma_wait3A_195 = tpu.memref_slice %arg13[%dma_wait3A_193, %dma_wait3A_194] : memref<10000x128xf32, #tpu.memory_space<vmem_shared>> -> memref<10000x128xf32, #tpu.memory_space<vmem_shared>>
    tpu.wait_indirect_dma semaphore(%arg22 : memref<!tpu.dma_semaphore, #tpu.memory_space<semaphore_mem>>) src(%arg9 : memref<40x128xf32, #tpu.memory_space<vmem>>) dst(%dma_wait3A_195 : memref<10000x128xf32, #tpu.memory_space<vmem_shared>>)
    %dma_start3A_196 = arith.constant 248 : i32
    %dma_start3A_197 = arith.constant 0 : i32
    %dma_start3A_198 = tpu.memref_slice %arg5[%dma_start3A_196, %dma_start3A_197] : memref<250x40xi32, #tpu.memory_space<vmem>> -> memref<1x40xi32, #tpu.memory_space<vmem>>
    %dma_start3A_199 = tpu.memref_squeeze %dma_start3A_198 : memref<1x40xi32, #tpu.memory_space<vmem>> -> memref<40xi32, #tpu.memory_space<vmem>>
    %dma_start3A_200 = arith.constant 0 : i32
    %dma_start3A_201 = arith.constant 0 : i32
    %dma_start3A_202 = tpu.memref_slice %arg2[%dma_start3A_200, %dma_start3A_201] : memref<10000x128xf32, #tpu.memory_space<hbm>> -> memref<10000x128xf32, #tpu.memory_space<hbm>>
    tpu.enqueue_indirect_dma source(%dma_start3A_202 : memref<10000x128xf32, #tpu.memory_space<hbm>>) target(%arg9 : memref<40x128xf32, #tpu.memory_space<vmem>>) offsets(%dma_start3A_199 : memref<40xi32, #tpu.memory_space<vmem>>) semaphore(%arg16 : memref<!tpu.dma_semaphore, #tpu.memory_space<semaphore_mem>>)
    %dma_wait3A_203 = arith.constant 248 : i32
    %dma_wait3A_204 = arith.constant 0 : i32
    %dma_wait3A_205 = tpu.memref_slice %arg5[%dma_wait3A_203, %dma_wait3A_204] : memref<250x40xi32, #tpu.memory_space<vmem>> -> memref<1x40xi32, #tpu.memory_space<vmem>>
    %dma_wait3A_206 = tpu.memref_squeeze %dma_wait3A_205 : memref<1x40xi32, #tpu.memory_space<vmem>> -> memref<40xi32, #tpu.memory_space<vmem>>
    %dma_wait3A_207 = arith.constant 0 : i32
    %dma_wait3A_208 = arith.constant 0 : i32
    %dma_wait3A_209 = tpu.memref_slice %arg2[%dma_wait3A_207, %dma_wait3A_208] : memref<10000x128xf32, #tpu.memory_space<hbm>> -> memref<10000x128xf32, #tpu.memory_space<hbm>>
    tpu.wait_indirect_dma semaphore(%arg16 : memref<!tpu.dma_semaphore, #tpu.memory_space<semaphore_mem>>) src(%dma_wait3A_209 : memref<10000x128xf32, #tpu.memory_space<hbm>>) dst(%arg9 : memref<40x128xf32, #tpu.memory_space<vmem>>)
    %dma_start3A_210 = arith.constant 248 : i32
    %dma_start3A_211 = arith.constant 0 : i32
    %dma_start3A_212 = tpu.memref_slice %arg6[%dma_start3A_210, %dma_start3A_211] : memref<250x40xi32, #tpu.memory_space<vmem>> -> memref<1x40xi32, #tpu.memory_space<vmem>>
    %dma_start3A_213 = tpu.memref_squeeze %dma_start3A_212 : memref<1x40xi32, #tpu.memory_space<vmem>> -> memref<40xi32, #tpu.memory_space<vmem>>
    %dma_start3A_214 = arith.constant 0 : i32
    %dma_start3A_215 = arith.constant 0 : i32
    %dma_start3A_216 = tpu.memref_slice %arg13[%dma_start3A_214, %dma_start3A_215] : memref<10000x128xf32, #tpu.memory_space<vmem_shared>> -> memref<10000x128xf32, #tpu.memory_space<vmem_shared>>
    tpu.enqueue_indirect_dma source(%arg9 : memref<40x128xf32, #tpu.memory_space<vmem>>) target(%dma_start3A_216 : memref<10000x128xf32, #tpu.memory_space<vmem_shared>>) offsets(%dma_start3A_213 : memref<40xi32, #tpu.memory_space<vmem>>) semaphore(%arg22 : memref<!tpu.dma_semaphore, #tpu.memory_space<semaphore_mem>>) {add = true}
    %dma_wait3A_217 = arith.constant 243 : i32
    %dma_wait3A_218 = arith.constant 0 : i32
    %dma_wait3A_219 = tpu.memref_slice %arg6[%dma_wait3A_217, %dma_wait3A_218] : memref<250x40xi32, #tpu.memory_space<vmem>> -> memref<1x40xi32, #tpu.memory_space<vmem>>
    %dma_wait3A_220 = tpu.memref_squeeze %dma_wait3A_219 : memref<1x40xi32, #tpu.memory_space<vmem>> -> memref<40xi32, #tpu.memory_space<vmem>>
    %dma_wait3A_221 = arith.constant 0 : i32
    %dma_wait3A_222 = arith.constant 0 : i32
    %dma_wait3A_223 = tpu.memref_slice %arg13[%dma_wait3A_221, %dma_wait3A_222] : memref<10000x128xf32, #tpu.memory_space<vmem_shared>> -> memref<10000x128xf32, #tpu.memory_space<vmem_shared>>
    tpu.wait_indirect_dma semaphore(%arg23 : memref<!tpu.dma_semaphore, #tpu.memory_space<semaphore_mem>>) src(%arg10 : memref<40x128xf32, #tpu.memory_space<vmem>>) dst(%dma_wait3A_223 : memref<10000x128xf32, #tpu.memory_space<vmem_shared>>)
    %dma_start3A_224 = arith.constant 249 : i32
    %dma_start3A_225 = arith.constant 0 : i32
    %dma_start3A_226 = tpu.memref_slice %arg5[%dma_start3A_224, %dma_start3A_225] : memref<250x40xi32, #tpu.memory_space<vmem>> -> memref<1x40xi32, #tpu.memory_space<vmem>>
    %dma_start3A_227 = tpu.memref_squeeze %dma_start3A_226 : memref<1x40xi32, #tpu.memory_space<vmem>> -> memref<40xi32, #tpu.memory_space<vmem>>
    %dma_start3A_228 = arith.constant 0 : i32
    %dma_start3A_229 = arith.constant 0 : i32
    %dma_start3A_230 = tpu.memref_slice %arg2[%dma_start3A_228, %dma_start3A_229] : memref<10000x128xf32, #tpu.memory_space<hbm>> -> memref<10000x128xf32, #tpu.memory_space<hbm>>
    tpu.enqueue_indirect_dma source(%dma_start3A_230 : memref<10000x128xf32, #tpu.memory_space<hbm>>) target(%arg10 : memref<40x128xf32, #tpu.memory_space<vmem>>) offsets(%dma_start3A_227 : memref<40xi32, #tpu.memory_space<vmem>>) semaphore(%arg17 : memref<!tpu.dma_semaphore, #tpu.memory_space<semaphore_mem>>)
    %dma_wait3A_231 = arith.constant 249 : i32
    %dma_wait3A_232 = arith.constant 0 : i32
    %dma_wait3A_233 = tpu.memref_slice %arg5[%dma_wait3A_231, %dma_wait3A_232] : memref<250x40xi32, #tpu.memory_space<vmem>> -> memref<1x40xi32, #tpu.memory_space<vmem>>
    %dma_wait3A_234 = tpu.memref_squeeze %dma_wait3A_233 : memref<1x40xi32, #tpu.memory_space<vmem>> -> memref<40xi32, #tpu.memory_space<vmem>>
    %dma_wait3A_235 = arith.constant 0 : i32
    %dma_wait3A_236 = arith.constant 0 : i32
    %dma_wait3A_237 = tpu.memref_slice %arg2[%dma_wait3A_235, %dma_wait3A_236] : memref<10000x128xf32, #tpu.memory_space<hbm>> -> memref<10000x128xf32, #tpu.memory_space<hbm>>
    tpu.wait_indirect_dma semaphore(%arg17 : memref<!tpu.dma_semaphore, #tpu.memory_space<semaphore_mem>>) src(%dma_wait3A_237 : memref<10000x128xf32, #tpu.memory_space<hbm>>) dst(%arg10 : memref<40x128xf32, #tpu.memory_space<vmem>>)
    %dma_start3A_238 = arith.constant 249 : i32
    %dma_start3A_239 = arith.constant 0 : i32
    %dma_start3A_240 = tpu.memref_slice %arg6[%dma_start3A_238, %dma_start3A_239] : memref<250x40xi32, #tpu.memory_space<vmem>> -> memref<1x40xi32, #tpu.memory_space<vmem>>
    %dma_start3A_241 = tpu.memref_squeeze %dma_start3A_240 : memref<1x40xi32, #tpu.memory_space<vmem>> -> memref<40xi32, #tpu.memory_space<vmem>>
    %dma_start3A_242 = arith.constant 0 : i32
    %dma_start3A_243 = arith.constant 0 : i32
    %dma_start3A_244 = tpu.memref_slice %arg13[%dma_start3A_242, %dma_start3A_243] : memref<10000x128xf32, #tpu.memory_space<vmem_shared>> -> memref<10000x128xf32, #tpu.memory_space<vmem_shared>>
    tpu.enqueue_indirect_dma source(%arg10 : memref<40x128xf32, #tpu.memory_space<vmem>>) target(%dma_start3A_244 : memref<10000x128xf32, #tpu.memory_space<vmem_shared>>) offsets(%dma_start3A_241 : memref<40xi32, #tpu.memory_space<vmem>>) semaphore(%arg23 : memref<!tpu.dma_semaphore, #tpu.memory_space<semaphore_mem>>) {add = true}
    %dma_wait3A_245 = arith.constant 244 : i32
    %dma_wait3A_246 = arith.constant 0 : i32
    %dma_wait3A_247 = tpu.memref_slice %arg6[%dma_wait3A_245, %dma_wait3A_246] : memref<250x40xi32, #tpu.memory_space<vmem>> -> memref<1x40xi32, #tpu.memory_space<vmem>>
    %dma_wait3A_248 = tpu.memref_squeeze %dma_wait3A_247 : memref<1x40xi32, #tpu.memory_space<vmem>> -> memref<40xi32, #tpu.memory_space<vmem>>
    %dma_wait3A_249 = arith.constant 0 : i32
    %dma_wait3A_250 = arith.constant 0 : i32
    %dma_wait3A_251 = tpu.memref_slice %arg13[%dma_wait3A_249, %dma_wait3A_250] : memref<10000x128xf32, #tpu.memory_space<vmem_shared>> -> memref<10000x128xf32, #tpu.memory_space<vmem_shared>>
    tpu.wait_indirect_dma semaphore(%arg24 : memref<!tpu.dma_semaphore, #tpu.memory_space<semaphore_mem>>) src(%arg11 : memref<40x128xf32, #tpu.memory_space<vmem>>) dst(%dma_wait3A_251 : memref<10000x128xf32, #tpu.memory_space<vmem_shared>>)
    %dma_wait3A_252 = arith.constant 245 : i32
    %dma_wait3A_253 = arith.constant 0 : i32
    %dma_wait3A_254 = tpu.memref_slice %arg6[%dma_wait3A_252, %dma_wait3A_253] : memref<250x40xi32, #tpu.memory_space<vmem>> -> memref<1x40xi32, #tpu.memory_space<vmem>>
    %dma_wait3A_255 = tpu.memref_squeeze %dma_wait3A_254 : memref<1x40xi32, #tpu.memory_space<vmem>> -> memref<40xi32, #tpu.memory_space<vmem>>
    %dma_wait3A_256 = arith.constant 0 : i32
    %dma_wait3A_257 = arith.constant 0 : i32
    %dma_wait3A_258 = tpu.memref_slice %arg13[%dma_wait3A_256, %dma_wait3A_257] : memref<10000x128xf32, #tpu.memory_space<vmem_shared>> -> memref<10000x128xf32, #tpu.memory_space<vmem_shared>>
    tpu.wait_indirect_dma semaphore(%arg25 : memref<!tpu.dma_semaphore, #tpu.memory_space<semaphore_mem>>) src(%arg12 : memref<40x128xf32, #tpu.memory_space<vmem>>) dst(%dma_wait3A_258 : memref<10000x128xf32, #tpu.memory_space<vmem_shared>>)
    %dma_wait3A_259 = arith.constant 246 : i32
    %dma_wait3A_260 = arith.constant 0 : i32
    %dma_wait3A_261 = tpu.memref_slice %arg6[%dma_wait3A_259, %dma_wait3A_260] : memref<250x40xi32, #tpu.memory_space<vmem>> -> memref<1x40xi32, #tpu.memory_space<vmem>>
    %dma_wait3A_262 = tpu.memref_squeeze %dma_wait3A_261 : memref<1x40xi32, #tpu.memory_space<vmem>> -> memref<40xi32, #tpu.memory_space<vmem>>
    %dma_wait3A_263 = arith.constant 0 : i32
    %dma_wait3A_264 = arith.constant 0 : i32
    %dma_wait3A_265 = tpu.memref_slice %arg13[%dma_wait3A_263, %dma_wait3A_264] : memref<10000x128xf32, #tpu.memory_space<vmem_shared>> -> memref<10000x128xf32, #tpu.memory_space<vmem_shared>>
    tpu.wait_indirect_dma semaphore(%arg20 : memref<!tpu.dma_semaphore, #tpu.memory_space<semaphore_mem>>) src(%arg7 : memref<40x128xf32, #tpu.memory_space<vmem>>) dst(%dma_wait3A_265 : memref<10000x128xf32, #tpu.memory_space<vmem_shared>>)
    %dma_wait3A_266 = arith.constant 247 : i32
    %dma_wait3A_267 = arith.constant 0 : i32
    %dma_wait3A_268 = tpu.memref_slice %arg6[%dma_wait3A_266, %dma_wait3A_267] : memref<250x40xi32, #tpu.memory_space<vmem>> -> memref<1x40xi32, #tpu.memory_space<vmem>>
    %dma_wait3A_269 = tpu.memref_squeeze %dma_wait3A_268 : memref<1x40xi32, #tpu.memory_space<vmem>> -> memref<40xi32, #tpu.memory_space<vmem>>
    %dma_wait3A_270 = arith.constant 0 : i32
    %dma_wait3A_271 = arith.constant 0 : i32
    %dma_wait3A_272 = tpu.memref_slice %arg13[%dma_wait3A_270, %dma_wait3A_271] : memref<10000x128xf32, #tpu.memory_space<vmem_shared>> -> memref<10000x128xf32, #tpu.memory_space<vmem_shared>>
    tpu.wait_indirect_dma semaphore(%arg21 : memref<!tpu.dma_semaphore, #tpu.memory_space<semaphore_mem>>) src(%arg8 : memref<40x128xf32, #tpu.memory_space<vmem>>) dst(%dma_wait3A_272 : memref<10000x128xf32, #tpu.memory_space<vmem_shared>>)
    %dma_wait3A_273 = arith.constant 248 : i32
    %dma_wait3A_274 = arith.constant 0 : i32
    %dma_wait3A_275 = tpu.memref_slice %arg6[%dma_wait3A_273, %dma_wait3A_274] : memref<250x40xi32, #tpu.memory_space<vmem>> -> memref<1x40xi32, #tpu.memory_space<vmem>>
    %dma_wait3A_276 = tpu.memref_squeeze %dma_wait3A_275 : memref<1x40xi32, #tpu.memory_space<vmem>> -> memref<40xi32, #tpu.memory_space<vmem>>
    %dma_wait3A_277 = arith.constant 0 : i32
    %dma_wait3A_278 = arith.constant 0 : i32
    %dma_wait3A_279 = tpu.memref_slice %arg13[%dma_wait3A_277, %dma_wait3A_278] : memref<10000x128xf32, #tpu.memory_space<vmem_shared>> -> memref<10000x128xf32, #tpu.memory_space<vmem_shared>>
    tpu.wait_indirect_dma semaphore(%arg22 : memref<!tpu.dma_semaphore, #tpu.memory_space<semaphore_mem>>) src(%arg9 : memref<40x128xf32, #tpu.memory_space<vmem>>) dst(%dma_wait3A_279 : memref<10000x128xf32, #tpu.memory_space<vmem_shared>>)
    %dma_wait3A_280 = arith.constant 249 : i32
    %dma_wait3A_281 = arith.constant 0 : i32
    %dma_wait3A_282 = tpu.memref_slice %arg6[%dma_wait3A_280, %dma_wait3A_281] : memref<250x40xi32, #tpu.memory_space<vmem>> -> memref<1x40xi32, #tpu.memory_space<vmem>>
    %dma_wait3A_283 = tpu.memref_squeeze %dma_wait3A_282 : memref<1x40xi32, #tpu.memory_space<vmem>> -> memref<40xi32, #tpu.memory_space<vmem>>
    %dma_wait3A_284 = arith.constant 0 : i32
    %dma_wait3A_285 = arith.constant 0 : i32
    %dma_wait3A_286 = tpu.memref_slice %arg13[%dma_wait3A_284, %dma_wait3A_285] : memref<10000x128xf32, #tpu.memory_space<vmem_shared>> -> memref<10000x128xf32, #tpu.memory_space<vmem_shared>>
    tpu.wait_indirect_dma semaphore(%arg23 : memref<!tpu.dma_semaphore, #tpu.memory_space<semaphore_mem>>) src(%arg10 : memref<40x128xf32, #tpu.memory_space<vmem>>) dst(%dma_wait3A_286 : memref<10000x128xf32, #tpu.memory_space<vmem_shared>>)
    %barrier3A_287 = arith.constant 0 : index
    tpu.barrier barrier_id(%barrier3A_287)
    "tpu.region"() ({
      %run_scoped3A_288 = tpu.sem_alloc : memref<!tpu.dma_semaphore, #tpu.memory_space<semaphore_mem>>
      %dma_start3A_289 = arith.constant 0 : i32
      %dma_start3A_290 = tpu.memref_slice %arg4[%arg0, %mul3A_2, %dma_start3A_289] : memref<2x10000x128xf32, #tpu.memory_space<hbm>> -> memref<1x625x128xf32, #tpu.memory_space<hbm>>
      %dma_start3A_291 = tpu.memref_squeeze %dma_start3A_290 : memref<1x625x128xf32, #tpu.memory_space<hbm>> -> memref<625x128xf32, #tpu.memory_space<hbm>>
      %dma_start3A_292 = arith.constant 0 : i32
      %dma_start3A_293 = tpu.memref_slice %arg13[%mul3A_2, %dma_start3A_292] : memref<10000x128xf32, #tpu.memory_space<vmem_shared>> -> memref<625x128xf32, #tpu.memory_space<vmem_shared>>
      tpu.enqueue_dma source(%dma_start3A_293 : memref<625x128xf32, #tpu.memory_space<vmem_shared>>) target(%dma_start3A_291 : memref<625x128xf32, #tpu.memory_space<hbm>>) target_semaphore(%run_scoped3A_288 : memref<!tpu.dma_semaphore, #tpu.memory_space<semaphore_mem>>)
      %dma_wait3A_294 = arith.constant 0 : i32
      %dma_wait3A_295 = tpu.memref_slice %arg4[%arg0, %mul3A_2, %dma_wait3A_294] : memref<2x10000x128xf32, #tpu.memory_space<hbm>> -> memref<1x625x128xf32, #tpu.memory_space<hbm>>
      %dma_wait3A_296 = tpu.memref_squeeze %dma_wait3A_295 : memref<1x625x128xf32, #tpu.memory_space<hbm>> -> memref<625x128xf32, #tpu.memory_space<hbm>>
      %dma_wait3A_297 = arith.constant 0 : i32
      %dma_wait3A_298 = tpu.memref_slice %arg13[%mul3A_2, %dma_wait3A_297] : memref<10000x128xf32, #tpu.memory_space<vmem_shared>> -> memref<625x128xf32, #tpu.memory_space<vmem_shared>>
      tpu.wait_dma2 semaphore(%run_scoped3A_288 : memref<!tpu.dma_semaphore, #tpu.memory_space<semaphore_mem>>) src(%dma_wait3A_298 : memref<625x128xf32, #tpu.memory_space<vmem_shared>>) dst(%dma_wait3A_296 : memref<625x128xf32, #tpu.memory_space<hbm>>)
      tpu.yield
    }) : () -> ()
    return
  }
}

module attributes {stable_mosaic.version = 14 : i64} {
  func.func @body(%arg0: memref<10000x128xf32, #tpu.memory_space<vmem>>, %arg1: memref<2x10000x128xf32, #tpu.memory_space<vmem>>, %arg2: memref<128x128xf32, #tpu.memory_space<vmem>>, %arg3: memref<1x128xf32, #tpu.memory_space<vmem>>, %arg4: memref<128x128xf32, #tpu.memory_space<vmem>>, %arg5: memref<1x128xf32, #tpu.memory_space<vmem>>, %arg6: memref<1x128xf32, #tpu.memory_space<vmem>>, %arg7: memref<1x128xf32, #tpu.memory_space<vmem>>, %arg8: memref<10000x128xf32, #tpu.memory_space<vmem>>) attributes {dimension_semantics = [], scalar_prefetch = 0 : i64, scratch_operands = 0 : i64, tpu.core_type = #tpu.core_type<tc>} {
    %get3A = arith.constant 0 : index
    %get3A_0 = arith.constant 0 : index
    %get3A_1 = arith.constant 0 : index
    %get3A_2 = vector.load %arg1[%get3A, %get3A_0, %get3A_1] : memref<2x10000x128xf32, #tpu.memory_space<vmem>>, vector<1x10000x128xf32>
    %get3A_3 = vector.shape_cast %get3A_2 : vector<1x10000x128xf32> to vector<10000x128xf32>
    %get3A_4 = arith.constant 1 : index
    %get3A_5 = arith.constant 0 : index
    %get3A_6 = arith.constant 0 : index
    %get3A_7 = vector.load %arg1[%get3A_4, %get3A_5, %get3A_6] : memref<2x10000x128xf32, #tpu.memory_space<vmem>>, vector<1x10000x128xf32>
    %get3A_8 = vector.shape_cast %get3A_7 : vector<1x10000x128xf32> to vector<10000x128xf32>
    %add3A = arith.addf %get3A_3, %get3A_8 : vector<10000x128xf32>
    %get3A_9 = arith.constant 0 : index
    %get3A_10 = arith.constant 0 : index
    %get3A_11 = vector.load %arg0[%get3A_9, %get3A_10] : memref<10000x128xf32, #tpu.memory_space<vmem>>, vector<10000x128xf32>
    %sub3A = arith.subf %add3A, %get3A_11 : vector<10000x128xf32>
    %get3A_12 = arith.constant 0 : index
    %get3A_13 = arith.constant 0 : index
    %get3A_14 = vector.load %arg2[%get3A_12, %get3A_13] : memref<128x128xf32, #tpu.memory_space<vmem>>, vector<128x128xf32>
    %dot_general3A = arith.constant dense<0.000000e+00> : vector<10000x128xf32>
    %dot_general3A_15 = tpu.matmul %sub3A, %get3A_14, %dot_general3A {dimension_numbers = #tpu.dot_dimension_numbers<[1], [0], [0], [1], [0, 0, 1, 1], [], []>, transpose_lhs_hint = false} : vector<10000x128xf32>, vector<128x128xf32>, vector<10000x128xf32> -> vector<10000x128xf32>
    %get3A_16 = arith.constant 0 : index
    %get3A_17 = arith.constant 0 : index
    %get3A_18 = vector.load %arg3[%get3A_16, %get3A_17] : memref<1x128xf32, #tpu.memory_space<vmem>>, vector<1x128xf32>
    %add3A_19 = vector.broadcast %get3A_18 : vector<1x128xf32> to vector<10000x128xf32>
    %add3A_20 = arith.addf %dot_general3A_15, %add3A_19 : vector<10000x128xf32>
    %max3A = arith.constant 0.000000e+00 : f32
    %max3A_21 = vector.broadcast %max3A : f32 to vector<10000x128xf32>
    %max3A_22 = arith.maximumf %add3A_20, %max3A_21 : vector<10000x128xf32>
    %get3A_23 = arith.constant 0 : index
    %get3A_24 = arith.constant 0 : index
    %get3A_25 = vector.load %arg4[%get3A_23, %get3A_24] : memref<128x128xf32, #tpu.memory_space<vmem>>, vector<128x128xf32>
    %dot_general3A_26 = arith.constant dense<0.000000e+00> : vector<10000x128xf32>
    %dot_general3A_27 = tpu.matmul %max3A_22, %get3A_25, %dot_general3A_26 {dimension_numbers = #tpu.dot_dimension_numbers<[1], [0], [0], [1], [0, 0, 1, 1], [], []>, transpose_lhs_hint = false} : vector<10000x128xf32>, vector<128x128xf32>, vector<10000x128xf32> -> vector<10000x128xf32>
    %get3A_28 = arith.constant 0 : index
    %get3A_29 = arith.constant 0 : index
    %get3A_30 = vector.load %arg5[%get3A_28, %get3A_29] : memref<1x128xf32, #tpu.memory_space<vmem>>, vector<1x128xf32>
    %add3A_31 = vector.broadcast %get3A_30 : vector<1x128xf32> to vector<10000x128xf32>
    %add3A_32 = arith.addf %dot_general3A_27, %add3A_31 : vector<10000x128xf32>
    %get3A_33 = arith.constant 0 : index
    %get3A_34 = arith.constant 0 : index
    %get3A_35 = vector.load %arg6[%get3A_33, %get3A_34] : memref<1x128xf32, #tpu.memory_space<vmem>>, vector<1x128xf32>
    %get3A_36 = arith.constant 0 : index
    %get3A_37 = arith.constant 0 : index
    %get3A_38 = vector.load %arg7[%get3A_36, %get3A_37] : memref<1x128xf32, #tpu.memory_space<vmem>>, vector<1x128xf32>
    %reduce_sum3A = arith.constant dense<0.000000e+00> : vector<128xf32>
    %reduce_sum3A_39 = vector.multi_reduction <add>, %add3A_32, %reduce_sum3A [0] : vector<10000x128xf32> to vector<128xf32>
    %broadcast_in_dim3A = vector.shape_cast %reduce_sum3A_39 : vector<128xf32> to vector<1x128xf32>
    %div3A = arith.constant 1.000000e+04 : f32
    %div3A_40 = vector.broadcast %div3A : f32 to vector<1x128xf32>
    %div3A_41 = arith.divf %broadcast_in_dim3A, %div3A_40 : vector<1x128xf32>
    %sub3A_42 = vector.broadcast %div3A_41 : vector<1x128xf32> to vector<10000x128xf32>
    %sub3A_43 = arith.subf %add3A_32, %sub3A_42 : vector<10000x128xf32>
    %mul3A = arith.mulf %sub3A_43, %sub3A_43 : vector<10000x128xf32>
    %reduce_sum3A_44 = arith.constant dense<0.000000e+00> : vector<128xf32>
    %reduce_sum3A_45 = vector.multi_reduction <add>, %mul3A, %reduce_sum3A_44 [0] : vector<10000x128xf32> to vector<128xf32>
    %broadcast_in_dim3A_46 = vector.shape_cast %reduce_sum3A_45 : vector<128xf32> to vector<1x128xf32>
    %div3A_47 = arith.constant 1.000000e+04 : f32
    %div3A_48 = vector.broadcast %div3A_47 : f32 to vector<1x128xf32>
    %div3A_49 = arith.divf %broadcast_in_dim3A_46, %div3A_48 : vector<1x128xf32>
    %add3A_50 = arith.constant 9.99999974E-6 : f32
    %add3A_51 = vector.broadcast %add3A_50 : f32 to vector<1x128xf32>
    %add3A_52 = arith.addf %div3A_49, %add3A_51 : vector<1x128xf32>
    %rsqrt3A = math.rsqrt %add3A_52 : vector<1x128xf32>
    %mul3A_53 = vector.broadcast %rsqrt3A : vector<1x128xf32> to vector<10000x128xf32>
    %mul3A_54 = arith.mulf %sub3A_43, %mul3A_53 : vector<10000x128xf32>
    %mul3A_55 = vector.broadcast %get3A_35 : vector<1x128xf32> to vector<10000x128xf32>
    %mul3A_56 = arith.mulf %mul3A_54, %mul3A_55 : vector<10000x128xf32>
    %add3A_57 = vector.broadcast %get3A_38 : vector<1x128xf32> to vector<10000x128xf32>
    %add3A_58 = arith.addf %mul3A_56, %add3A_57 : vector<10000x128xf32>
    %max3A_59 = arith.constant 0.000000e+00 : f32
    %max3A_60 = vector.broadcast %max3A_59 : f32 to vector<10000x128xf32>
    %max3A_61 = arith.maximumf %add3A_58, %max3A_60 : vector<10000x128xf32>
    %swap3A = arith.constant 0 : index
    %swap3A_62 = arith.constant 0 : index
    %swap3A_63 = vector.load %arg8[%swap3A, %swap3A_62] : memref<10000x128xf32, #tpu.memory_space<vmem>>, vector<10000x128xf32>
    tpu.vector_store %arg8[%swap3A, %swap3A_62], %max3A_61 {strides = array<i32>} : memref<10000x128xf32, #tpu.memory_space<vmem>>, vector<10000x128xf32>,
    return
  }
}

module attributes {stable_mosaic.version = 14 : i64} {
  func.func @body(%arg0: memref<10000x128xf32, #tpu.memory_space<vmem>>, %arg1: memref<2x10000x128xf32, #tpu.memory_space<vmem>>, %arg2: memref<128x32xf32, #tpu.memory_space<vmem>>, %arg3: memref<1x32xf32, #tpu.memory_space<vmem>>, %arg4: memref<32x32xf32, #tpu.memory_space<vmem>>, %arg5: memref<1x32xf32, #tpu.memory_space<vmem>>, %arg6: memref<1x32xf32, #tpu.memory_space<vmem>>, %arg7: memref<1x32xf32, #tpu.memory_space<vmem>>, %arg8: memref<10000x32xf32, #tpu.memory_space<vmem>>) attributes {dimension_semantics = [], scalar_prefetch = 0 : i64, scratch_operands = 0 : i64, tpu.core_type = #tpu.core_type<tc>} {
    %get3A = arith.constant 0 : index
    %get3A_0 = arith.constant 0 : index
    %get3A_1 = arith.constant 0 : index
    %get3A_2 = vector.load %arg1[%get3A, %get3A_0, %get3A_1] : memref<2x10000x128xf32, #tpu.memory_space<vmem>>, vector<1x10000x128xf32>
    %get3A_3 = vector.shape_cast %get3A_2 : vector<1x10000x128xf32> to vector<10000x128xf32>
    %get3A_4 = arith.constant 1 : index
    %get3A_5 = arith.constant 0 : index
    %get3A_6 = arith.constant 0 : index
    %get3A_7 = vector.load %arg1[%get3A_4, %get3A_5, %get3A_6] : memref<2x10000x128xf32, #tpu.memory_space<vmem>>, vector<1x10000x128xf32>
    %get3A_8 = vector.shape_cast %get3A_7 : vector<1x10000x128xf32> to vector<10000x128xf32>
    %add3A = arith.addf %get3A_3, %get3A_8 : vector<10000x128xf32>
    %get3A_9 = arith.constant 0 : index
    %get3A_10 = arith.constant 0 : index
    %get3A_11 = vector.load %arg0[%get3A_9, %get3A_10] : memref<10000x128xf32, #tpu.memory_space<vmem>>, vector<10000x128xf32>
    %sub3A = arith.subf %add3A, %get3A_11 : vector<10000x128xf32>
    %get3A_12 = arith.constant 0 : index
    %get3A_13 = arith.constant 0 : index
    %get3A_14 = vector.load %arg2[%get3A_12, %get3A_13] : memref<128x32xf32, #tpu.memory_space<vmem>>, vector<128x32xf32>
    %dot_general3A = arith.constant dense<0.000000e+00> : vector<10000x32xf32>
    %dot_general3A_15 = tpu.matmul %sub3A, %get3A_14, %dot_general3A {dimension_numbers = #tpu.dot_dimension_numbers<[1], [0], [0], [1], [0, 0, 1, 1], [], []>, transpose_lhs_hint = false} : vector<10000x128xf32>, vector<128x32xf32>, vector<10000x32xf32> -> vector<10000x32xf32>
    %get3A_16 = arith.constant 0 : index
    %get3A_17 = arith.constant 0 : index
    %get3A_18 = vector.load %arg3[%get3A_16, %get3A_17] : memref<1x32xf32, #tpu.memory_space<vmem>>, vector<1x32xf32>
    %add3A_19 = vector.broadcast %get3A_18 : vector<1x32xf32> to vector<10000x32xf32>
    %add3A_20 = arith.addf %dot_general3A_15, %add3A_19 : vector<10000x32xf32>
    %max3A = arith.constant 0.000000e+00 : f32
    %max3A_21 = vector.broadcast %max3A : f32 to vector<10000x32xf32>
    %max3A_22 = arith.maximumf %add3A_20, %max3A_21 : vector<10000x32xf32>
    %get3A_23 = arith.constant 0 : index
    %get3A_24 = arith.constant 0 : index
    %get3A_25 = vector.load %arg4[%get3A_23, %get3A_24] : memref<32x32xf32, #tpu.memory_space<vmem>>, vector<32x32xf32>
    %dot_general3A_26 = arith.constant dense<0.000000e+00> : vector<10000x32xf32>
    %dot_general3A_27 = tpu.matmul %max3A_22, %get3A_25, %dot_general3A_26 {dimension_numbers = #tpu.dot_dimension_numbers<[1], [0], [0], [1], [0, 0, 1, 1], [], []>, transpose_lhs_hint = false} : vector<10000x32xf32>, vector<32x32xf32>, vector<10000x32xf32> -> vector<10000x32xf32>
    %get3A_28 = arith.constant 0 : index
    %get3A_29 = arith.constant 0 : index
    %get3A_30 = vector.load %arg5[%get3A_28, %get3A_29] : memref<1x32xf32, #tpu.memory_space<vmem>>, vector<1x32xf32>
    %add3A_31 = vector.broadcast %get3A_30 : vector<1x32xf32> to vector<10000x32xf32>
    %add3A_32 = arith.addf %dot_general3A_27, %add3A_31 : vector<10000x32xf32>
    %get3A_33 = arith.constant 0 : index
    %get3A_34 = arith.constant 0 : index
    %get3A_35 = vector.load %arg6[%get3A_33, %get3A_34] : memref<1x32xf32, #tpu.memory_space<vmem>>, vector<1x32xf32>
    %get3A_36 = arith.constant 0 : index
    %get3A_37 = arith.constant 0 : index
    %get3A_38 = vector.load %arg7[%get3A_36, %get3A_37] : memref<1x32xf32, #tpu.memory_space<vmem>>, vector<1x32xf32>
    %reduce_sum3A = arith.constant dense<0.000000e+00> : vector<32xf32>
    %reduce_sum3A_39 = vector.multi_reduction <add>, %add3A_32, %reduce_sum3A [0] : vector<10000x32xf32> to vector<32xf32>
    %broadcast_in_dim3A = vector.shape_cast %reduce_sum3A_39 : vector<32xf32> to vector<1x32xf32>
    %div3A = arith.constant 1.000000e+04 : f32
    %div3A_40 = vector.broadcast %div3A : f32 to vector<1x32xf32>
    %div3A_41 = arith.divf %broadcast_in_dim3A, %div3A_40 : vector<1x32xf32>
    %sub3A_42 = vector.broadcast %div3A_41 : vector<1x32xf32> to vector<10000x32xf32>
    %sub3A_43 = arith.subf %add3A_32, %sub3A_42 : vector<10000x32xf32>
    %mul3A = arith.mulf %sub3A_43, %sub3A_43 : vector<10000x32xf32>
    %reduce_sum3A_44 = arith.constant dense<0.000000e+00> : vector<32xf32>
    %reduce_sum3A_45 = vector.multi_reduction <add>, %mul3A, %reduce_sum3A_44 [0] : vector<10000x32xf32> to vector<32xf32>
    %broadcast_in_dim3A_46 = vector.shape_cast %reduce_sum3A_45 : vector<32xf32> to vector<1x32xf32>
    %div3A_47 = arith.constant 1.000000e+04 : f32
    %div3A_48 = vector.broadcast %div3A_47 : f32 to vector<1x32xf32>
    %div3A_49 = arith.divf %broadcast_in_dim3A_46, %div3A_48 : vector<1x32xf32>
    %add3A_50 = arith.constant 9.99999974E-6 : f32
    %add3A_51 = vector.broadcast %add3A_50 : f32 to vector<1x32xf32>
    %add3A_52 = arith.addf %div3A_49, %add3A_51 : vector<1x32xf32>
    %rsqrt3A = math.rsqrt %add3A_52 : vector<1x32xf32>
    %mul3A_53 = vector.broadcast %rsqrt3A : vector<1x32xf32> to vector<10000x32xf32>
    %mul3A_54 = arith.mulf %sub3A_43, %mul3A_53 : vector<10000x32xf32>
    %mul3A_55 = vector.broadcast %get3A_35 : vector<1x32xf32> to vector<10000x32xf32>
    %mul3A_56 = arith.mulf %mul3A_54, %mul3A_55 : vector<10000x32xf32>
    %add3A_57 = vector.broadcast %get3A_38 : vector<1x32xf32> to vector<10000x32xf32>
    %add3A_58 = arith.addf %mul3A_56, %add3A_57 : vector<10000x32xf32>
    %max3A_59 = arith.constant 0.000000e+00 : f32
    %max3A_60 = vector.broadcast %max3A_59 : f32 to vector<10000x32xf32>
    %max3A_61 = arith.maximumf %add3A_58, %max3A_60 : vector<10000x32xf32>
    %swap3A = arith.constant 0 : index
    %swap3A_62 = arith.constant 0 : index
    %swap3A_63 = vector.load %arg8[%swap3A, %swap3A_62] : memref<10000x32xf32, #tpu.memory_space<vmem>>, vector<10000x32xf32>
    tpu.vector_store %arg8[%swap3A, %swap3A_62], %max3A_61 {strides = array<i32>} : memref<10000x32xf32, #tpu.memory_space<vmem>>, vector<10000x32xf32>,
    return
  }
}

</mosaic_0001>

<sc_bundles>
// kernel: kernel.6.cloned.1.call-start
scs
__scs_entry_jumppad:
0x0: {  	(pc) =	sbr.rel $0x88, $3  }
0x1: {  	(tag) =	ssettag $0x0;
	lr =	simm.s32 $0x1  }
0x2: {  	[smem:$0x3F93] =	sst lr;
	_ =	strace $0xD0000000  }
0x3: {  	_ = 	snop  }
0x4: {  	_ = 	snop  }
0x5: {  	_ = 	snop  }
0x6: {  	_ = 	snop  }
0x7: {  	_ = 	snop  }
__scs_overlays_trampoline_lowered:
0x8: {  	[smem:$0x3FA2] =	sst s0  }
0x9: {  	[smem:$0x3FA3] =	sst s1  }
0xa: {  	[smem:$0x3FA4] =	sst s2  }
0xb: {  	[smem:$0x3FA5] =	sst s3  }
0xc: {  	[smem:$0x3FA6] =	sst s4  }
0xd: {  	[smem:$0x3FA7] =	sst s5  }
0xe: {  	[smem:$0x3FA8] =	sst s6  }
0xf: {  	[smem:$0x3FA9] =	sst s7  }
0x10: {  	[smem:$0x3FAA] =	sst s8  }
0x11: {  	[smem:$0x3FAB] =	sst s9;
	s0 =	simm.s32 @!p0 $0x0  }
0x12: {  	s1 =	sld [smem:$0x3F91];
	s0 =	simm.s32 @p0 $0x1  }
0x13: {  	[smem:$0x3FAC] =	sst s0;
	s0 =	simm.s32 @!p1 $0x0  }
0x14: {  	s2 =	sld [smem:$0x3F90];
	s0 =	simm.s32 @p1 $0x1  }
0x15: {  	[smem:$0x3FAD] =	sst s0;
	s0 =	simm.s32 @!p2 $0x0  }
0x16: {  	s3 =	sld [smem:$0x3FDB];
	s0 =	simm.s32 @p2 $0x1  }
0x17: {  	s4 =	simm.s32 $0x1BF5;
	[smem:$0x3FAF] =	sst s0  }
0x18: {  	s0 =	sld [smem:$0x3F92];
	_ =	swait.ge [sflag:s4], $0x0  }
0x19: {  	s7 =	sld [smem:$0x3F93]  }
0x1a: {  	s8 =	sadd.s32 $0xFFFFE003, lr  }
0x1b: {  	s9 =	sadd.s32 $0xFFFFFEF7, lr;
	s5 =	simm.s32 $0xFFFFFFFF;
	p2 =	slt.u32 s8, $0xFFFFF086  }
0x1c: {  	p1 =	slt.u32 s9, $0xF7A;
	s5 =	simm.s32 @!p2 $0x0  }
0x1d: {  	s5 =	simm.s32 @p1 $0x1;
	p0 =	seq.s32 s7, s2  }
0x1e: {  	s7 =	smul.u32 @!p0 $0xF7A, s2;
	p2 =	seq.s32 @!p0 s5, $0x0  }
0x1f: {  	s9 =	smul.u32 $0xF7A, s1;
	s8 =	simm.s32 @!p0 $0x1BF5;
	p2 =	por !p2, p0  }
0x20: {  	[sflag:s8] =	ssyncset.s32 @!p0 $0xFFFFF086;
	s6 =	sadd.s32 @!p0 s3, s7;
	s7 =	simm.s32 @!p0 $0x108  }
0x21: {  	s3 =	sadd.s32 s3, s9;
	s6 =	sadd.s32 @!p0 $0x88, s6;
	s7 =	simm.s32 @p2 $0x1082  }
0x22: {  	[simem:s7], [sflag:s8] =	dma.local @!p0 [hbm:s6], $0xF7A  }
0x23: {  	s9 =	sor.u32 $0xD0000000, s2;
	s6 =	simm.s32 $0x108;
	_ =	swait.ge @!p0 [sflag:s8], $0x0  }
0x24: {  	s3 =	sadd.s32 $0x88, s3;
	s6 =	simm.s32 @!p1 $0x1082;
	[sflag:s4] =	ssyncset.s32 $0xFFFFF086  }
0x25: {  	[simem:s6], [sflag:s4] =	dma.local [hbm:s3], $0xF7A  }
0x26: {  	[smem:$0x3F93] =	sst s1;
	(tag) =	ssettag s2;
	_ =	strace s9  }
0x27: {  	s1 =	sld [smem:$0x3FA3]  }
0x28: {  	s2 =	sld [smem:$0x3FA4]  }
0x29: {  	s4 =	sld [smem:$0x3FA6]  }
0x2a: {  	p0 =	seq.s32 s5, $0x0;
	s5 =	sld [smem:$0x3FA7]  }
0x2b: {  	s6 =	sld [smem:$0x3FA8]  }
0x2c: {  	s7 =	sld [smem:$0x3FA9]  }
0x2d: {  	s3 =	simm.s32 $0x108;
	s8 =	sld [smem:$0x3FAA]  }
0x2e: {  	s3 =	simm.s32 @!p0 $0x1082;
	s9 =	sld [smem:$0x3FAB]  }
0x2f: {  	lr =	sadd.s32 s0, s3;
	s0 =	sld [smem:$0x3FA2]  }
0x30: {  	s3 =	sld [smem:$0x3FA5]  }
0x31: {  	[smem:$0x3FAE] =	sst s10  }
0x32: {  	s10 =	sld [smem:$0x3FAC];
	_ =	sdelay $0x3  }
0x33: {  	p0 =	seq.s32 s10, $0x1;
	s10 =	sld [smem:$0x3FAE];
	_ =	sdelay $0x3  }
0x34: {  	[smem:$0x3FAE] =	sst s10  }
0x35: {  	s10 =	sld [smem:$0x3FAD];
	_ =	sdelay $0x3  }
0x36: {  	p1 =	seq.s32 s10, $0x1;
	s10 =	sld [smem:$0x3FAE];
	_ =	sdelay $0x3  }
0x37: {  	[smem:$0x3FAE] =	sst s10  }
0x38: {  	s10 =	sld [smem:$0x3FAF]  }
0x39: {  	_ = 	snop;
	(pc) =	sbr.ind lr, $3  }
0x3a: {  	_ = 	snop  }
0x3b: {  	_ = 	snop  }
0x3c: {  	p2 =	seq.s32 s10, $0x1;
	s10 =	sld [smem:$0x3FAE]  }
0x3d: {  	_ =	shalt  }
0x3e: {  	_ =	shalt  }
0x3f: {  	_ =	shalt  }
0x40: {  	_ =	shalt  }
0x41: {  	_ =	shalt  }
0x42: {  	_ =	shalt  }
0x43: {  	_ =	shalt  }
0x44: {  	_ =	shalt  }
0x45: {  	_ =	shalt  }
0x46: {  	_ =	shalt  }
0x47: {  	_ =	shalt  }
0x48: {  	_ =	shalt  }
0x49: {  	_ =	shalt  }
0x4a: {  	_ =	shalt  }
0x4b: {  	_ =	shalt  }
0x4c: {  	_ =	shalt  }
0x4d: {  	_ =	shalt  }
0x4e: {  	_ =	shalt  }
0x4f: {  	_ =	shalt  }
0x50: {  	_ =	shalt  }
0x51: {  	_ =	shalt  }
0x52: {  	_ =	shalt  }
0x53: {  	_ =	shalt  }
0x54: {  	_ =	shalt  }
0x55: {  	_ =	shalt  }
0x56: {  	_ =	shalt  }
0x57: {  	_ =	shalt  }
0x58: {  	_ =	shalt  }
0x59: {  	_ =	shalt  }
0x5a: {  	_ =	shalt  }
0x5b: {  	_ =	shalt  }
0x5c: {  	_ =	shalt  }
0x5d: {  	_ =	shalt  }
0x5e: {  	_ =	shalt  }
0x5f: {  	_ =	shalt  }
0x60: {  	_ =	shalt  }
0x61: {  	_ =	shalt  }
0x62: {  	_ =	shalt  }
0x63: {  	_ =	shalt  }
0x64: {  	_ =	shalt  }
0x65: {  	_ =	shalt  }
0x66: {  	_ =	shalt  }
0x67: {  	_ =	shalt  }
0x68: {  	_ =	shalt  }
0x69: {  	_ =	shalt  }
0x6a: {  	_ =	shalt  }
0x6b: {  	_ =	shalt  }
0x6c: {  	_ =	shalt  }
0x6d: {  	_ =	shalt  }
0x6e: {  	_ =	shalt  }
0x6f: {  	_ =	shalt  }
0x70: {  	_ =	shalt  }
0x71: {  	_ =	shalt  }
0x72: {  	_ =	shalt  }
0x73: {  	_ =	shalt  }
0x74: {  	_ =	shalt  }
0x75: {  	_ =	shalt  }
0x76: {  	_ =	shalt  }
0x77: {  	_ =	shalt  }
0x78: {  	_ =	shalt  }
0x79: {  	_ =	shalt  }
0x7a: {  	_ =	shalt  }
0x7b: {  	_ =	shalt  }
0x7c: {  	_ =	shalt  }
0x7d: {  	_ =	shalt  }
0x7e: {  	_ =	shalt  }
0x7f: {  	_ =	shalt  }
0x80: {  	_ =	shalt  }
0x81: {  	_ =	shalt  }
0x82: {  	_ =	shalt  }
0x83: {  	_ =	shalt  }
0x84: {  	_ =	shalt  }
0x85: {  	_ =	shalt  }
0x86: {  	_ =	shalt  }
0x87: {  	_ =	shalt  }
.Lfunc_end0:
.L_simem_size_0:
called_computation_lowered:
.L_overlay_start_0:
0x88: {  	s2 =	sld [smem:$0x3FD9]  }
0x89: {  	s3 =	sld [smem:$0x3FFE];
	_ =	sdelay $0x1  }
0x8a: {  	s1 =	srdreg.scid  }
0x8b: {  	s0 =	sand.u32 $0x1, s1  }
0x8c: {  	s17 =	sshll.u32 s0, $0xA;
	s2 =	sadd.s32 s3, s2  }
0x8d: {  	s2 =	sadd.s32 s2, s17  }
0x8e: {  	[smem:$0x3FBA] =	sst s2  }
0x8f: {  	_ = 	snop  }
0x90: {  	s2 =	sld [smem:$0x3FC9];
	(tm) =	ssettm $0x1  }
0x91: {  	s18 =	sld [smem:$0x3FFB];
	_ =	sdelay $0x3  }
0x92: {  	_ =	strace s18  }
0x93: {  	s3 =	sld [smem:$0x3FFC];
	_ =	sdelay $0x3  }
0x94: {  	_ =	strace s3  }
0x95: {  	s3 =	sld [smem:$0x3FFD];
	_ =	sdelay $0x3  }
0x96: {  	_ =	strace s3  }
0x97: {  	_ =	strace $0x8FFFFFFF  }
0x98: {  	s19 =	sld [smem:$0x3FDB];
	_ =	sdelay $0x1  }
0x99: {  	s4 =	simm.s32 $_scs_section_size  }
0x9a: {  	s5 =	simm.s32 $_size__tile_overlayer_lowered;
	s6 =	simm.s32 $_tile_overlayer_lowered  }
0x9b: {  	s22 =	simm.s32 $0x1BFF;
	s21 =	sshll.u32 s6, $0x1;
	s3 =	sadd.s32 s4, s19  }
0x9c: {  	s7 =	simm.s32 $0x0;
	s20 =	sshll.u32 s5, $0x1;
	s5 =	sadd.s32 s21, s3  }
0x9d: {  	[timem:s7], [sflag:s22] =	dma.local [hbm:s5], s20  }
0x9e: {  	_ =	swait.ge [sflag:s22], s20  }
0x9f: {  	s4 =	ssub.s32 $0x0, s20;
	[sflag:s22] =	ssyncset.done $0x0  }
0xa0: {  	[sflag:s22] =	ssyncadd.s32 s4;
	_ =	sdelay $0x1  }
0xa1: {  	s23 =	simm.s32 $0x1B8B  }
0xa2: {  	_ =	swait.ge [sflag:s23], $0x1  }
0xa3: {  	[sflag:s23] =	ssyncset.done $0x0  }
0xa4: {  	s25 =	simm.s32 $0x1B8E;
	s24 =	sld [smem:$0x3FFE];
	[sflag:s23] =	ssyncadd.s32 $0xFFFFFFFF  }
0xa5: {  	s26 =	simm.s32 $execute0_lowered;
	[smem:$0x3FD2] =	sst s25  }
0xa6: {  	s5 =	sshll.u32 s26, $0x1;
	_ =	strace $0x80000046;
	[dreg:$0x1] =	wrdreg $0xFFFFFFFF  }
0xa7: {  	s28 =	simm.s32 $_size_execute0_lowered;
	s3 =	sadd.s32 s3, s5;
	[dreg:$0x0] =	wrdreg $0x0  }
0xa8: {  	s5 =	sshll.u32 s28, $0x1;
	[dreg:$0x2] =	wrdreg s3  }
0xa9: {  	[dreg:$0x3] =	wrdreg s5  }
0xaa: {  	[dreg:$0x4] =	wrdreg $0xC0  }
0xab: {  	_ =	task [dreg:s7], $0x5FFFF  }
0xac: {  	[dreg:$0x1] =	wrdreg $0xFFFFFFFF  }
0xad: {  	[dreg:$0x0] =	wrdreg $0x60  }
0xae: {  	[dreg:$0x2] =	wrdreg s2  }
0xaf: {  	[dreg:$0x3] =	wrdreg s24  }
0xb0: {  	[dreg:$0x4] =	wrdreg $0xC6200  }
0xb1: {  	[dreg:$0x5] =	wrdreg $0x9  }
0xb2: {  	_ =	task.clear_ibuf [dreg:s7], $0x6FFFF;
	_ =	strace $0x90000046  }
0xb3: {  	s29 =	simm.s32 $0x9;
	_ =	strace $0x80000048  }
0xb4: {  	_ =	swait.ge [sflag:s29], $0x1  }
0xb5: {  	[sflag:s29] =	ssyncadd.s32 $0xFFFFFFFF  }
0xb6: {  	_ =	strace $0x90000048  }
0xb7: {  	_ =	sfence  }
0xb8: {  	s30 =	sld [smem:$0x0];
	_ =	sdelay $0x2  }
0xb9: {  	s31 =	sshll.u32 s1, $0xD;
	s1 =	sshrl.u32 s1, $0x2  }
0xba: {  	s3 =	sand.u32 $0x4000, s31;
	s1 =	sadd.s32 s1, s30  }
0xbb: {  	s0 =	sor.u32 s3, s0;
	s1 =	sshll.u32 s1, $0x11  }
0xbc: {  	s0 =	sor.u32 s1, s0  }
0xbd: {  	s0 =	sadd.s32 $0x8F2B, s0  }
0xbe: {  	[sflag:s0] =	ssyncadd.remote.s32 $0x1  }
0xbf: {  	_ =	sfence.sel $0xFFFF  }
0xc0: {  	[dreg:$0x0] =	wrdreg $0xFFFFFFFF;
	(pc) =	sbr.abs _section_cstart, $3  }
0xc1: {  	[dreg:$0x1] =	wrdreg $0xFFFFFFFF  }
0xc2: {  	_ =	task.clear_ibuf [dreg:s7], $0x2FFFF;
	_ =	strace $0x9FFFFFFF  }
0xc3: {  	(tm) =	ssettm $0x7FFFFFFF  }
tec
execute0_lowered:
.L_overlay_start_1:
0x0: {  	(tag) =	ssettag $0x1  }
0x1: {  	s1 =	rddreg [dreg:$0x0]  }
0x2: {  	s0 =	rddreg [dreg:$0x1]  }
0x3: {  	s3 =	rddreg [dreg:$0x2]  }
0x4: {  	s2 =	srdreg.scid;
	s8 =	stileid.u32  }
0x5: {  	s4 =	simm.s32 $0x0;
	s12 =	simm.s32 $0xD;
	s14 =	simm.s32 $0x28  }
0x6: {  	s15 =	simm.s32 $0x4E20;
	s16 =	simm.s32 $0x6220;
	s18 =	simm.s32 $0x7620  }
0x7: {  	s20 =	simm.s32 $0x8A20;
	s22 =	simm.s32 $0x9E20;
	s28 =	simm.s32 $0x3  }
0x8: {  	s29 =	simm.s32 $0x4;
	s30 =	simm.s32 $0x5;
	s31 =	simm.s32 $0x6  }
0x9: {  	s13 =	simm.s32 $0x9;
	s17 =	simm.s32 $0xA;
	s19 =	simm.s32 $0xB  }
0xa: {  	s21 =	simm.s32 $0xC;
	s2 =	sand.u32 $0x1, s2;
	s5 =	sshll.u32 s8, $0x1  }
0xb: {  	s6 =	smul.u32 $0x13880, s8;
	[smem:$0x7FF] =	sst s4;
	s8 =	sshll.u32 s8, $0x6  }
0xc: {  	s5 =	sor.u32 s2, s5;
	s7 =	smul.u32 $0x138800, s2;
	s2 =	ssub.s32 $0x2, s2  }
0xd: {  	_ =	strace $0x80000047;
	s5 =	smul.u32 $0x2710, s5;
	s23 =	sshrl.u32 s2, $0x1  }
0xe: {  	s24 =	sshrl.u32 s6, $0x3;
	s11 =	sadd.s32 s6, s3;
	s7 =	sadd.s32 s6, s7  }
0xf: {  	s2 =	ssub.s32 s2, s23;
	s25 =	sadd.s32 s1, s24;
	s6 =	sor.u32 $0x1C0D, s8  }
0x10: {  	s11 =	sshrl.u32 s11, $0x3;
	s24 =	simm.s32 $0xB220;
	s23 =	simm.s32 $0x0  }
0x11: {  	s5 =	sshrl.u32 s5, $0x3;
	s7 =	sshrl.u32 s7, $0x3;
	[dreg:$0x4] =	wrdreg s25  }
0x12: {  	s10 =	smax.u32 s2, $0x1;
	s25 =	simm.s32 $0x1;
	s5 =	sadd.s32 s5, s0  }
0x13: {  	s2 =	simm.s32 $0x8;
	s0 =	sadd.s32 s7, s0;
	s26 =	sadd.s32 $0x3000, s5  }
0x14: {  	s5 =	sadd.s32 $0xCC40, s5;
	s9 =	sadd.s32 $0x16A00, s0;
	[dreg:$0x5] =	wrdreg s26  }
0x15: {  	s0 =	simm.s32 $0x7;
	[dreg:$0x6] =	wrdreg s5;
	s26 =	simm.s32 $0x2  }
.LBB2_1:
0x16: {  	s5 =	rddreg [dreg:$0x4]  }
0x17: {  	[spmem:s11], [sflag:s6] =	dma.local [hbm:s5], $0x2710  }
0x18: {  	_ =	swait.ge [sflag:s12], $0x2710  }
0x19: {  	[sflag:s12] =	ssyncset.done $0x0  }
0x1a: {  	s7 =	rddreg [dreg:$0x5];
	[sflag:s12] =	ssyncadd.s32 $0xFFFFD8F0  }
0x1b: {  	[tilespmem:s4], [sflag:$0xD] =	stream.linear.gather [hbm4b:s7+s4], $0x2710, $0x38;
	[tilespmem:$0x1FEA0] =	vst v63  }
0x1c: {  	_ =	swait.ge [sflag:s12], $0x2710  }
0x1d: {  	[sflag:s12] =	ssyncset.done $0x0  }
0x1e: {  	s7 =	simm.s32 $0x2710;
	s8 =	rddreg [dreg:$0x6];
	[sflag:s12] =	ssyncadd.s32 $0xFFFFD8F0  }
0x1f: {  	[tilespmem:s7], [sflag:$0xD] =	stream.linear.gather [hbm4b:s8+s4], $0x2710, $0x38;
	[tilespmem:$0x1FEA0] =	vst v63  }
0x20: {  	_ =	swait.ge [sflag:s12], $0x2710  }
0x21: {  	[sflag:s12] =	ssyncset.done $0x0  }
0x22: {  	[sflag:s12] =	ssyncadd.s32 $0xFFFFD8F0  }
0x23: {  	[bflag:$0x0] =	sbarrier.arrive $0xFFFF  }
0x24: {  	[tilespmem:s15], [sflag:$0x1] =	stream.indirect.gather [hbm4b:s1+s14], $0x80, s4, s14, $0xb8;
	[tilespmem:$0x1FEA0] =	vst v63  }
0x25: {  	_ = 	snop  }
0x26: {  	[tilespmem:s16], [sflag:$0x2] =	stream.indirect.gather [hbm4b:s1+s14], $0x80, s14, s14, $0xb8;
	[tilespmem:$0x1FEA0] =	vst v63  }
0x27: {  	s8 =	simm.s32 $0x50  }
0x28: {  	[tilespmem:s18], [sflag:$0x3] =	stream.indirect.gather [hbm4b:s1+s14], $0x80, s8, s14, $0xb8;
	[tilespmem:$0x1FEA0] =	vst v63  }
0x29: {  	s7 =	simm.s32 $0x78  }
0x2a: {  	[tilespmem:s20], [sflag:$0x4] =	stream.indirect.gather [hbm4b:s1+s14], $0x80, s7, s14, $0xb8;
	[tilespmem:$0x1FEA0] =	vst v63  }
0x2b: {  	s8 =	simm.s32 $0xA0  }
0x2c: {  	[tilespmem:s22], [sflag:$0x5] =	stream.indirect.gather [hbm4b:s1+s14], $0x80, s8, s14, $0xb8;
	[tilespmem:$0x1FEA0] =	vst v63  }
0x2d: {  	s7 =	simm.s32 $0xC8  }
0x2e: {  	[tilespmem:s24], [sflag:$0x6] =	stream.indirect.gather [hbm4b:s1+s14], $0x80, s7, s14, $0xb8;
	[tilespmem:$0x1FEA0] =	vst v63  }
0x2f: {  	_ =	swait.ge [sflag:s25], $0x1400  }
0x30: {  	[sflag:s25] =	ssyncset.done $0x0  }
0x31: {  	s8 =	simm.s32 $0x2710;
	[sflag:s25] =	ssyncadd.s32 $0xFFFFEC00  }
0x32: {  	[spmem:s3] =	stream.indirect.scatter.add.f32 [tilespmem:s15], [sflag:$0x7], $0x80, s8, s14, $0xb8;
	[tilespmem:$0x1FEA0] =	vst v63  }
0x33: {  	_ =	swait.ge [sflag:s26], $0x1400  }
0x34: {  	[sflag:s26] =	ssyncset.done $0x0  }
0x35: {  	s7 =	simm.s32 $0x2738;
	[sflag:s26] =	ssyncadd.s32 $0xFFFFEC00  }
0x36: {  	[spmem:s3] =	stream.indirect.scatter.add.f32 [tilespmem:s16], [sflag:$0x8], $0x80, s7, s14, $0xb8;
	[tilespmem:$0x1FEA0] =	vst v63  }
0x37: {  	_ =	swait.ge [sflag:s28], $0x1400  }
0x38: {  	[sflag:s28] =	ssyncset.done $0x0  }
0x39: {  	s8 =	simm.s32 $0x2760;
	[sflag:s28] =	ssyncadd.s32 $0xFFFFEC00  }
0x3a: {  	[spmem:s3] =	stream.indirect.scatter.add.f32 [tilespmem:s18], [sflag:$0x9], $0x80, s8, s14, $0xb8;
	[tilespmem:$0x1FEA0] =	vst v63  }
0x3b: {  	_ =	swait.ge [sflag:s29], $0x1400  }
0x3c: {  	[sflag:s29] =	ssyncset.done $0x0  }
0x3d: {  	s7 =	simm.s32 $0x2788;
	[sflag:s29] =	ssyncadd.s32 $0xFFFFEC00  }
0x3e: {  	[spmem:s3] =	stream.indirect.scatter.add.f32 [tilespmem:s20], [sflag:$0xA], $0x80, s7, s14, $0xb8;
	[tilespmem:$0x1FEA0] =	vst v63  }
0x3f: {  	_ =	swait.ge [sflag:s30], $0x1400  }
0x40: {  	[sflag:s30] =	ssyncset.done $0x0  }
0x41: {  	s8 =	simm.s32 $0x27B0;
	[sflag:s30] =	ssyncadd.s32 $0xFFFFEC00  }
0x42: {  	[spmem:s3] =	stream.indirect.scatter.add.f32 [tilespmem:s22], [sflag:$0xB], $0x80, s8, s14, $0xb8;
	[tilespmem:$0x1FEA0] =	vst v63  }
0x43: {  	_ =	swait.ge [sflag:s31], $0x1400  }
0x44: {  	[sflag:s31] =	ssyncset.done $0x0  }
0x45: {  	s7 =	simm.s32 $0x27D8;
	[sflag:s31] =	ssyncadd.s32 $0xFFFFEC00  }
0x46: {  	[spmem:s3] =	stream.indirect.scatter.add.f32 [tilespmem:s24], [sflag:$0xC], $0x80, s7, s14, $0xb8;
	[tilespmem:$0x1FEA0] =	vst v63  }
0x47: {  	_ =	swait.ge [sflag:s0], $0x1400  }
0x48: {  	[sflag:s0] =	ssyncset.done $0x0  }
0x49: {  	s8 =	simm.s32 $0xF0;
	[sflag:s0] =	ssyncadd.s32 $0xFFFFEC00  }
0x4a: {  	[tilespmem:s15], [sflag:$0x1] =	stream.indirect.gather [hbm4b:s1+s14], $0x80, s8, s14, $0xb8;
	[tilespmem:$0x1FEA0] =	vst v63  }
0x4b: {  	_ =	swait.ge [sflag:s2], $0x1400  }
0x4c: {  	[sflag:s2] =	ssyncset.done $0x0  }
0x4d: {  	s7 =	simm.s32 $0x118;
	[sflag:s2] =	ssyncadd.s32 $0xFFFFEC00  }
0x4e: {  	[tilespmem:s16], [sflag:$0x2] =	stream.indirect.gather [hbm4b:s1+s14], $0x80, s7, s14, $0xb8;
	[tilespmem:$0x1FEA0] =	vst v63  }
0x4f: {  	_ =	swait.ge [sflag:s13], $0x1400  }
0x50: {  	[sflag:s13] =	ssyncset.done $0x0  }
0x51: {  	s8 =	simm.s32 $0x140;
	[sflag:s13] =	ssyncadd.s32 $0xFFFFEC00  }
0x52: {  	[tilespmem:s18], [sflag:$0x3] =	stream.indirect.gather [hbm4b:s1+s14], $0x80, s8, s14, $0xb8;
	[tilespmem:$0x1FEA0] =	vst v63  }
0x53: {  	_ =	swait.ge [sflag:s17], $0x1400  }
0x54: {  	[sflag:s17] =	ssyncset.done $0x0  }
0x55: {  	s7 =	simm.s32 $0x168;
	[sflag:s17] =	ssyncadd.s32 $0xFFFFEC00  }
0x56: {  	[tilespmem:s20], [sflag:$0x4] =	stream.indirect.gather [hbm4b:s1+s14], $0x80, s7, s14, $0xb8;
	[tilespmem:$0x1FEA0] =	vst v63  }
0x57: {  	_ =	swait.ge [sflag:s19], $0x1400  }
0x58: {  	[sflag:s19] =	ssyncset.done $0x0  }
0x59: {  	s8 =	simm.s32 $0x190;
	[sflag:s19] =	ssyncadd.s32 $0xFFFFEC00  }
0x5a: {  	[tilespmem:s22], [sflag:$0x5] =	stream.indirect.gather [hbm4b:s1+s14], $0x80, s8, s14, $0xb8;
	[tilespmem:$0x1FEA0] =	vst v63  }
0x5b: {  	_ =	swait.ge [sflag:s21], $0x1400  }
0x5c: {  	[sflag:s21] =	ssyncset.done $0x0  }
0x5d: {  	s5 =	simm.s32 $0x3C0;
	s7 =	simm.s32 $0x1B8;
	[sflag:s21] =	ssyncadd.s32 $0xFFFFEC00  }
.LBB2_2:
0x5e: {  	[tilespmem:s24], [sflag:$0x6] =	stream.indirect.gather [hbm4b:s1+s14], $0x80, s7, s14, $0xb8;
	[tilespmem:$0x1FEA0] =	vst v63  }
0x5f: {  	s7 =	smov.u32 s5  }
0x60: {  	p0 =	sne.s32 s5, $0x9240;
	s5 =	sadd.s32 $0x3C0, s5;
	_ =	swait.ge [sflag:s25], $0x1400  }
0x61: {  	s7 =	sshra.s32 s7, $0x2;
	[sflag:s25] =	ssyncset.done $0x0  }
0x62: {  	s8 =	sadd.s32 $0x2710, s7;
	[sflag:s25] =	ssyncadd.s32 $0xFFFFEC00  }
0x63: {  	[spmem:s3] =	stream.indirect.scatter.add.f32 [tilespmem:s15], [sflag:$0x7], $0x80, s8, s14, $0xb8;
	[tilespmem:$0x1FEA0] =	vst v63  }
0x64: {  	_ =	swait.ge [sflag:s26], $0x1400  }
0x65: {  	[sflag:s26] =	ssyncset.done $0x0  }
0x66: {  	s8 =	sadd.s32 $0x2738, s7;
	[sflag:s26] =	ssyncadd.s32 $0xFFFFEC00  }
0x67: {  	[spmem:s3] =	stream.indirect.scatter.add.f32 [tilespmem:s16], [sflag:$0x8], $0x80, s8, s14, $0xb8;
	[tilespmem:$0x1FEA0] =	vst v63  }
0x68: {  	_ =	swait.ge [sflag:s28], $0x1400  }
0x69: {  	[sflag:s28] =	ssyncset.done $0x0  }
0x6a: {  	s8 =	sadd.s32 $0x2760, s7;
	[sflag:s28] =	ssyncadd.s32 $0xFFFFEC00  }
0x6b: {  	[spmem:s3] =	stream.indirect.scatter.add.f32 [tilespmem:s18], [sflag:$0x9], $0x80, s8, s14, $0xb8;
	[tilespmem:$0x1FEA0] =	vst v63  }
0x6c: {  	_ =	swait.ge [sflag:s29], $0x1400  }
0x6d: {  	[sflag:s29] =	ssyncset.done $0x0  }
0x6e: {  	s8 =	sadd.s32 $0x2788, s7;
	[sflag:s29] =	ssyncadd.s32 $0xFFFFEC00  }
0x6f: {  	[spmem:s3] =	stream.indirect.scatter.add.f32 [tilespmem:s20], [sflag:$0xA], $0x80, s8, s14, $0xb8;
	[tilespmem:$0x1FEA0] =	vst v63  }
0x70: {  	_ =	swait.ge [sflag:s30], $0x1400  }
0x71: {  	[sflag:s30] =	ssyncset.done $0x0  }
0x72: {  	s8 =	sadd.s32 $0x27B0, s7;
	[sflag:s30] =	ssyncadd.s32 $0xFFFFEC00  }
0x73: {  	[spmem:s3] =	stream.indirect.scatter.add.f32 [tilespmem:s22], [sflag:$0xB], $0x80, s8, s14, $0xb8;
	[tilespmem:$0x1FEA0] =	vst v63  }
0x74: {  	_ =	swait.ge [sflag:s31], $0x1400  }
0x75: {  	[sflag:s31] =	ssyncset.done $0x0  }
0x76: {  	s8 =	sadd.s32 $0x27D8, s7;
	[sflag:s31] =	ssyncadd.s32 $0xFFFFEC00  }
0x77: {  	[spmem:s3] =	stream.indirect.scatter.add.f32 [tilespmem:s24], [sflag:$0xC], $0x80, s8, s14, $0xb8;
	[tilespmem:$0x1FEA0] =	vst v63  }
0x78: {  	_ =	swait.ge [sflag:s0], $0x1400  }
0x79: {  	[sflag:s0] =	ssyncset.done $0x0  }
0x7a: {  	s8 =	sadd.s32 $0xF0, s7;
	[sflag:s0] =	ssyncadd.s32 $0xFFFFEC00  }
0x7b: {  	[tilespmem:s15], [sflag:$0x1] =	stream.indirect.gather [hbm4b:s1+s14], $0x80, s8, s14, $0xb8;
	[tilespmem:$0x1FEA0] =	vst v63  }
0x7c: {  	_ =	swait.ge [sflag:s2], $0x1400  }
0x7d: {  	[sflag:s2] =	ssyncset.done $0x0  }
0x7e: {  	s8 =	sadd.s32 $0x118, s7;
	[sflag:s2] =	ssyncadd.s32 $0xFFFFEC00  }
0x7f: {  	[tilespmem:s16], [sflag:$0x2] =	stream.indirect.gather [hbm4b:s1+s14], $0x80, s8, s14, $0xb8;
	[tilespmem:$0x1FEA0] =	vst v63  }
0x80: {  	_ =	swait.ge [sflag:s13], $0x1400  }
0x81: {  	[sflag:s13] =	ssyncset.done $0x0  }
0x82: {  	s8 =	sadd.s32 $0x140, s7;
	[sflag:s13] =	ssyncadd.s32 $0xFFFFEC00  }
0x83: {  	[tilespmem:s18], [sflag:$0x3] =	stream.indirect.gather [hbm4b:s1+s14], $0x80, s8, s14, $0xb8;
	[tilespmem:$0x1FEA0] =	vst v63  }
0x84: {  	_ =	swait.ge [sflag:s17], $0x1400  }
0x85: {  	[sflag:s17] =	ssyncset.done $0x0  }
0x86: {  	s8 =	sadd.s32 $0x168, s7;
	[sflag:s17] =	ssyncadd.s32 $0xFFFFEC00  }
0x87: {  	[tilespmem:s20], [sflag:$0x4] =	stream.indirect.gather [hbm4b:s1+s14], $0x80, s8, s14, $0xb8;
	[tilespmem:$0x1FEA0] =	vst v63  }
0x88: {  	_ =	swait.ge [sflag:s19], $0x1400  }
0x89: {  	[sflag:s19] =	ssyncset.done $0x0  }
.Ltmp0:
0x8a: {  	s8 =	sadd.s32 $0x190, s7;
	[sflag:s19] =	ssyncadd.s32 $0xFFFFEC00;
	(pc) =	sbr.rel @p0 .LBB2_2-.Ltmp0, $4  }
0x8b: {  	[tilespmem:s22], [sflag:$0x5] =	stream.indirect.gather [hbm4b:s1+s14], $0x80, s8, s14, $0xb8;
	[tilespmem:$0x1FEA0] =	vst v63  }
0x8c: {  	_ =	swait.ge [sflag:s21], $0x1400  }
0x8d: {  	[sflag:s21] =	ssyncset.done $0x0  }
0x8e: {  	s7 =	sadd.s32 $0x1B8, s7;
	[sflag:s21] =	ssyncadd.s32 $0xFFFFEC00  }
0x8f: {  	[tilespmem:s24], [sflag:$0x6] =	stream.indirect.gather [hbm4b:s1+s14], $0x80, s7, s14, $0xb8;
	[tilespmem:$0x1FEA0] =	vst v63  }
0x90: {  	_ =	swait.ge [sflag:s25], $0x1400  }
0x91: {  	[sflag:s25] =	ssyncset.done $0x0  }
0x92: {  	s5 =	simm.s32 $0x4C90;
	[sflag:s25] =	ssyncadd.s32 $0xFFFFEC00  }
0x93: {  	[spmem:s3] =	stream.indirect.scatter.add.f32 [tilespmem:s15], [sflag:$0x7], $0x80, s5, s14, $0xb8;
	[tilespmem:$0x1FEA0] =	vst v63  }
0x94: {  	_ =	swait.ge [sflag:s26], $0x1400  }
0x95: {  	[sflag:s26] =	ssyncset.done $0x0  }
0x96: {  	s8 =	simm.s32 $0x4CB8;
	[sflag:s26] =	ssyncadd.s32 $0xFFFFEC00  }
0x97: {  	[spmem:s3] =	stream.indirect.scatter.add.f32 [tilespmem:s16], [sflag:$0x8], $0x80, s8, s14, $0xb8;
	[tilespmem:$0x1FEA0] =	vst v63  }
0x98: {  	_ =	swait.ge [sflag:s28], $0x1400  }
0x99: {  	[sflag:s28] =	ssyncset.done $0x0  }
0x9a: {  	s7 =	simm.s32 $0x4CE0;
	[sflag:s28] =	ssyncadd.s32 $0xFFFFEC00  }
0x9b: {  	[spmem:s3] =	stream.indirect.scatter.add.f32 [tilespmem:s18], [sflag:$0x9], $0x80, s7, s14, $0xb8;
	[tilespmem:$0x1FEA0] =	vst v63  }
0x9c: {  	_ =	swait.ge [sflag:s29], $0x1400  }
0x9d: {  	[sflag:s29] =	ssyncset.done $0x0  }
0x9e: {  	s8 =	simm.s32 $0x4D08;
	[sflag:s29] =	ssyncadd.s32 $0xFFFFEC00  }
0x9f: {  	[spmem:s3] =	stream.indirect.scatter.add.f32 [tilespmem:s20], [sflag:$0xA], $0x80, s8, s14, $0xb8;
	[tilespmem:$0x1FEA0] =	vst v63  }
0xa0: {  	_ =	swait.ge [sflag:s30], $0x1400  }
0xa1: {  	[sflag:s30] =	ssyncset.done $0x0  }
0xa2: {  	s7 =	simm.s32 $0x4D30;
	[sflag:s30] =	ssyncadd.s32 $0xFFFFEC00  }
0xa3: {  	[spmem:s3] =	stream.indirect.scatter.add.f32 [tilespmem:s22], [sflag:$0xB], $0x80, s7, s14, $0xb8;
	[tilespmem:$0x1FEA0] =	vst v63  }
0xa4: {  	_ =	swait.ge [sflag:s31], $0x1400  }
0xa5: {  	[sflag:s31] =	ssyncset.done $0x0  }
0xa6: {  	s8 =	simm.s32 $0x4D58;
	[sflag:s31] =	ssyncadd.s32 $0xFFFFEC00  }
0xa7: {  	[spmem:s3] =	stream.indirect.scatter.add.f32 [tilespmem:s24], [sflag:$0xC], $0x80, s8, s14, $0xb8;
	[tilespmem:$0x1FEA0] =	vst v63  }
0xa8: {  	_ =	swait.ge [sflag:s0], $0x1400  }
0xa9: {  	[sflag:s0] =	ssyncset.done $0x0  }
0xaa: {  	s7 =	simm.s32 $0x2670;
	[sflag:s0] =	ssyncadd.s32 $0xFFFFEC00  }
0xab: {  	[tilespmem:s15], [sflag:$0x1] =	stream.indirect.gather [hbm4b:s1+s14], $0x80, s7, s14, $0xb8;
	[tilespmem:$0x1FEA0] =	vst v63  }
0xac: {  	_ =	swait.ge [sflag:s25], $0x1400  }
0xad: {  	[sflag:s25] =	ssyncset.done $0x0  }
0xae: {  	s8 =	simm.s32 $0x4D80;
	[sflag:s25] =	ssyncadd.s32 $0xFFFFEC00  }
0xaf: {  	[spmem:s3] =	stream.indirect.scatter.add.f32 [tilespmem:s15], [sflag:$0x7], $0x80, s8, s14, $0xb8;
	[tilespmem:$0x1FEA0] =	vst v63  }
0xb0: {  	_ =	swait.ge [sflag:s2], $0x1400  }
0xb1: {  	[sflag:s2] =	ssyncset.done $0x0  }
0xb2: {  	s7 =	simm.s32 $0x2698;
	[sflag:s2] =	ssyncadd.s32 $0xFFFFEC00  }
0xb3: {  	[tilespmem:s16], [sflag:$0x2] =	stream.indirect.gather [hbm4b:s1+s14], $0x80, s7, s14, $0xb8;
	[tilespmem:$0x1FEA0] =	vst v63  }
0xb4: {  	_ =	swait.ge [sflag:s26], $0x1400  }
0xb5: {  	[sflag:s26] =	ssyncset.done $0x0  }
0xb6: {  	s8 =	simm.s32 $0x4DA8;
	[sflag:s26] =	ssyncadd.s32 $0xFFFFEC00  }
0xb7: {  	[spmem:s3] =	stream.indirect.scatter.add.f32 [tilespmem:s16], [sflag:$0x8], $0x80, s8, s14, $0xb8;
	[tilespmem:$0x1FEA0] =	vst v63  }
0xb8: {  	_ =	swait.ge [sflag:s13], $0x1400  }
0xb9: {  	[sflag:s13] =	ssyncset.done $0x0  }
0xba: {  	s7 =	simm.s32 $0x26C0;
	[sflag:s13] =	ssyncadd.s32 $0xFFFFEC00  }
0xbb: {  	[tilespmem:s18], [sflag:$0x3] =	stream.indirect.gather [hbm4b:s1+s14], $0x80, s7, s14, $0xb8;
	[tilespmem:$0x1FEA0] =	vst v63  }
0xbc: {  	_ =	swait.ge [sflag:s28], $0x1400  }
0xbd: {  	[sflag:s28] =	ssyncset.done $0x0  }
0xbe: {  	s8 =	simm.s32 $0x4DD0;
	[sflag:s28] =	ssyncadd.s32 $0xFFFFEC00  }
0xbf: {  	[spmem:s3] =	stream.indirect.scatter.add.f32 [tilespmem:s18], [sflag:$0x9], $0x80, s8, s14, $0xb8;
	[tilespmem:$0x1FEA0] =	vst v63  }
0xc0: {  	_ =	swait.ge [sflag:s17], $0x1400  }
0xc1: {  	[sflag:s17] =	ssyncset.done $0x0  }
0xc2: {  	s7 =	simm.s32 $0x26E8;
	[sflag:s17] =	ssyncadd.s32 $0xFFFFEC00  }
0xc3: {  	[tilespmem:s20], [sflag:$0x4] =	stream.indirect.gather [hbm4b:s1+s14], $0x80, s7, s14, $0xb8;
	[tilespmem:$0x1FEA0] =	vst v63  }
0xc4: {  	_ =	swait.ge [sflag:s29], $0x1400  }
0xc5: {  	[sflag:s29] =	ssyncset.done $0x0  }
0xc6: {  	s8 =	simm.s32 $0x4DF8;
	[sflag:s29] =	ssyncadd.s32 $0xFFFFEC00  }
0xc7: {  	[spmem:s3] =	stream.indirect.scatter.add.f32 [tilespmem:s20], [sflag:$0xA], $0x80, s8, s14, $0xb8;
	[tilespmem:$0x1FEA0] =	vst v63  }
0xc8: {  	_ =	swait.ge [sflag:s19], $0x1400  }
0xc9: {  	[sflag:s19] =	ssyncset.done $0x0  }
0xca: {  	[sflag:s19] =	ssyncadd.s32 $0xFFFFEC00  }
0xcb: {  	_ =	swait.ge [sflag:s21], $0x1400  }
0xcc: {  	[sflag:s21] =	ssyncset.done $0x0  }
0xcd: {  	[sflag:s21] =	ssyncadd.s32 $0xFFFFEC00  }
0xce: {  	_ =	swait.ge [sflag:s0], $0x1400  }
0xcf: {  	[sflag:s0] =	ssyncset.done $0x0  }
0xd0: {  	[sflag:s0] =	ssyncadd.s32 $0xFFFFEC00  }
0xd1: {  	_ =	swait.ge [sflag:s2], $0x1400  }
0xd2: {  	[sflag:s2] =	ssyncset.done $0x0  }
0xd3: {  	[sflag:s2] =	ssyncadd.s32 $0xFFFFEC00  }
0xd4: {  	_ =	swait.ge [sflag:s13], $0x1400  }
0xd5: {  	[sflag:s13] =	ssyncset.done $0x0  }
0xd6: {  	[sflag:s13] =	ssyncadd.s32 $0xFFFFEC00  }
0xd7: {  	_ =	swait.ge [sflag:s17], $0x1400  }
0xd8: {  	s23 =	sadd.s32 $0x1, s23;
	[sflag:s17] =	ssyncset.done $0x0  }
0xd9: {  	p0 =	sne.s32 s23, s10;
	[sflag:s17] =	ssyncadd.s32 $0xFFFFEC00  }
.Ltmp1:
0xda: {  	[bflag:$0x0] =	sbarrier.arrive $0xFFFF;
	(pc) =	sbr.rel @p0 .LBB2_1-.Ltmp1, $4  }
0xdb: {  	[hbm:s9], [sflag:s6] =	dma.local [spmem:s11], $0x2710  }
0xdc: {  	_ =	swait.ge [sflag:s12], $0x2710  }
0xdd: {  	[sflag:s12] =	ssyncset.done $0x0  }
0xde: {  	[sflag:s12] =	ssyncadd.s32 $0xFFFFD8F0  }
0xdf: {  	_ =	sfence.sel $0x180000  }
0xe0: {  	[bflag:$0x0] =	sbarrier.arrive $0xFFFF  }
0xe1: {  	_ =	strace $0x90000047  }
0xe2: {  	s0 =	stileid.u32;
	[bflag:$0x2] =	sbarrier.arrive $0xFFFF  }
0xe3: {  	p0 =	sne.s32 s0, $0x0;
	s0 =	rddreg [dreg:$0x3]  }
0xe4: {  	s0 =	sadd.s32 @!p0 $0x100000, s0  }
0xe5: {  	[sflag:s0] =	ssyncadd.tile.s32 @!p0 $0x1;
	_ =	shalt  }
.Lfunc_end2:
_tile_overlayer_lowered:
.L_overlay_start_2:
0xe6: {  	(tag) =	ssettag $0x2  }
0xe7: {  	s0 =	rddreg [dreg:$0x0];
	s2 =	stileid.u32  }
0xe8: {  	s1 =	rddreg [dreg:$0x1];
	p0 =	sne.s32 s2, $0x0  }
0xe9: {  	s3 =	rddreg [dreg:$0x2];
	[bflag:$0x3] =	sbarrier.arrive $0xFFFF;
	s2 =	simm.s32 @!p0 $0x1C0D  }
0xea: {  	[timem:s3], [sflag:s2] =	dma.local @!p0 [hbm:s0], s1  }
0xeb: {  	s0 =	simm.s32 @!p0 $0xD  }
0xec: {  	_ =	swait.ge @!p0 [sflag:s0], s1  }
0xed: {  	s1 =	ssub.s32 @!p0 $0x0, s1;
	[sflag:s0] =	ssyncset.done @!p0 $0x0  }
0xee: {  	[sflag:s0] =	ssyncadd.s32 @!p0 s1  }
0xef: {  	[bflag:$0x3] =	sbarrier.arrive $0xFFFF  }
0xf0: {  	_ =	shalt  }

// kernel: kernel.9.cloned.1.call-start
scs
__scs_entry_jumppad:
0x0: {  	(pc) =	sbr.rel $0x88, $3  }
0x1: {  	(tag) =	ssettag $0x0;
	lr =	simm.s32 $0x1  }
0x2: {  	[smem:$0x3F93] =	sst lr;
	_ =	strace $0xD0000000  }
0x3: {  	_ = 	snop  }
0x4: {  	_ = 	snop  }
0x5: {  	_ = 	snop  }
0x6: {  	_ = 	snop  }
0x7: {  	_ = 	snop  }
__scs_overlays_trampoline_lowered:
0x8: {  	[smem:$0x3FA2] =	sst s0  }
0x9: {  	[smem:$0x3FA3] =	sst s1  }
0xa: {  	[smem:$0x3FA4] =	sst s2  }
0xb: {  	[smem:$0x3FA5] =	sst s3  }
0xc: {  	[smem:$0x3FA6] =	sst s4  }
0xd: {  	[smem:$0x3FA7] =	sst s5  }
0xe: {  	[smem:$0x3FA8] =	sst s6  }
0xf: {  	[smem:$0x3FA9] =	sst s7  }
0x10: {  	[smem:$0x3FAA] =	sst s8  }
0x11: {  	[smem:$0x3FAB] =	sst s9;
	s0 =	simm.s32 @!p0 $0x0  }
0x12: {  	s1 =	sld [smem:$0x3F91];
	s0 =	simm.s32 @p0 $0x1  }
0x13: {  	[smem:$0x3FAC] =	sst s0;
	s0 =	simm.s32 @!p1 $0x0  }
0x14: {  	s2 =	sld [smem:$0x3F90];
	s0 =	simm.s32 @p1 $0x1  }
0x15: {  	[smem:$0x3FAD] =	sst s0;
	s0 =	simm.s32 @!p2 $0x0  }
0x16: {  	s3 =	sld [smem:$0x3FDB];
	s0 =	simm.s32 @p2 $0x1  }
0x17: {  	s4 =	simm.s32 $0x1BF5;
	[smem:$0x3FAF] =	sst s0  }
0x18: {  	s0 =	sld [smem:$0x3F92];
	_ =	swait.ge [sflag:s4], $0x0  }
0x19: {  	s7 =	sld [smem:$0x3F93]  }
0x1a: {  	s8 =	sadd.s32 $0xFFFFE003, lr  }
0x1b: {  	s9 =	sadd.s32 $0xFFFFFEF7, lr;
	s5 =	simm.s32 $0xFFFFFFFF;
	p2 =	slt.u32 s8, $0xFFFFF086  }
0x1c: {  	p1 =	slt.u32 s9, $0xF7A;
	s5 =	simm.s32 @!p2 $0x0  }
0x1d: {  	s5 =	simm.s32 @p1 $0x1;
	p0 =	seq.s32 s7, s2  }
0x1e: {  	s7 =	smul.u32 @!p0 $0xF7A, s2;
	p2 =	seq.s32 @!p0 s5, $0x0  }
0x1f: {  	s9 =	smul.u32 $0xF7A, s1;
	s8 =	simm.s32 @!p0 $0x1BF5;
	p2 =	por !p2, p0  }
0x20: {  	[sflag:s8] =	ssyncset.s32 @!p0 $0xFFFFF086;
	s6 =	sadd.s32 @!p0 s3, s7;
	s7 =	simm.s32 @!p0 $0x108  }
0x21: {  	s3 =	sadd.s32 s3, s9;
	s6 =	sadd.s32 @!p0 $0x88, s6;
	s7 =	simm.s32 @p2 $0x1082  }
0x22: {  	[simem:s7], [sflag:s8] =	dma.local @!p0 [hbm:s6], $0xF7A  }
0x23: {  	s9 =	sor.u32 $0xD0000000, s2;
	s6 =	simm.s32 $0x108;
	_ =	swait.ge @!p0 [sflag:s8], $0x0  }
0x24: {  	s3 =	sadd.s32 $0x88, s3;
	s6 =	simm.s32 @!p1 $0x1082;
	[sflag:s4] =	ssyncset.s32 $0xFFFFF086  }
0x25: {  	[simem:s6], [sflag:s4] =	dma.local [hbm:s3], $0xF7A  }
0x26: {  	[smem:$0x3F93] =	sst s1;
	(tag) =	ssettag s2;
	_ =	strace s9  }
0x27: {  	s1 =	sld [smem:$0x3FA3]  }
0x28: {  	s2 =	sld [smem:$0x3FA4]  }
0x29: {  	s4 =	sld [smem:$0x3FA6]  }
0x2a: {  	p0 =	seq.s32 s5, $0x0;
	s5 =	sld [smem:$0x3FA7]  }
0x2b: {  	s6 =	sld [smem:$0x3FA8]  }
0x2c: {  	s7 =	sld [smem:$0x3FA9]  }
0x2d: {  	s3 =	simm.s32 $0x108;
	s8 =	sld [smem:$0x3FAA]  }
0x2e: {  	s3 =	simm.s32 @!p0 $0x1082;
	s9 =	sld [smem:$0x3FAB]  }
0x2f: {  	lr =	sadd.s32 s0, s3;
	s0 =	sld [smem:$0x3FA2]  }
0x30: {  	s3 =	sld [smem:$0x3FA5]  }
0x31: {  	[smem:$0x3FAE] =	sst s10  }
0x32: {  	s10 =	sld [smem:$0x3FAC];
	_ =	sdelay $0x3  }
0x33: {  	p0 =	seq.s32 s10, $0x1;
	s10 =	sld [smem:$0x3FAE];
	_ =	sdelay $0x3  }
0x34: {  	[smem:$0x3FAE] =	sst s10  }
0x35: {  	s10 =	sld [smem:$0x3FAD];
	_ =	sdelay $0x3  }
0x36: {  	p1 =	seq.s32 s10, $0x1;
	s10 =	sld [smem:$0x3FAE];
	_ =	sdelay $0x3  }
0x37: {  	[smem:$0x3FAE] =	sst s10  }
0x38: {  	s10 =	sld [smem:$0x3FAF]  }
0x39: {  	_ = 	snop;
	(pc) =	sbr.ind lr, $3  }
0x3a: {  	_ = 	snop  }
0x3b: {  	_ = 	snop  }
0x3c: {  	p2 =	seq.s32 s10, $0x1;
	s10 =	sld [smem:$0x3FAE]  }
0x3d: {  	_ =	shalt  }
0x3e: {  	_ =	shalt  }
0x3f: {  	_ =	shalt  }
0x40: {  	_ =	shalt  }
0x41: {  	_ =	shalt  }
0x42: {  	_ =	shalt  }
0x43: {  	_ =	shalt  }
0x44: {  	_ =	shalt  }
0x45: {  	_ =	shalt  }
0x46: {  	_ =	shalt  }
0x47: {  	_ =	shalt  }
0x48: {  	_ =	shalt  }
0x49: {  	_ =	shalt  }
0x4a: {  	_ =	shalt  }
0x4b: {  	_ =	shalt  }
0x4c: {  	_ =	shalt  }
0x4d: {  	_ =	shalt  }
0x4e: {  	_ =	shalt  }
0x4f: {  	_ =	shalt  }
0x50: {  	_ =	shalt  }
0x51: {  	_ =	shalt  }
0x52: {  	_ =	shalt  }
0x53: {  	_ =	shalt  }
0x54: {  	_ =	shalt  }
0x55: {  	_ =	shalt  }
0x56: {  	_ =	shalt  }
0x57: {  	_ =	shalt  }
0x58: {  	_ =	shalt  }
0x59: {  	_ =	shalt  }
0x5a: {  	_ =	shalt  }
0x5b: {  	_ =	shalt  }
0x5c: {  	_ =	shalt  }
0x5d: {  	_ =	shalt  }
0x5e: {  	_ =	shalt  }
0x5f: {  	_ =	shalt  }
0x60: {  	_ =	shalt  }
0x61: {  	_ =	shalt  }
0x62: {  	_ =	shalt  }
0x63: {  	_ =	shalt  }
0x64: {  	_ =	shalt  }
0x65: {  	_ =	shalt  }
0x66: {  	_ =	shalt  }
0x67: {  	_ =	shalt  }
0x68: {  	_ =	shalt  }
0x69: {  	_ =	shalt  }
0x6a: {  	_ =	shalt  }
0x6b: {  	_ =	shalt  }
0x6c: {  	_ =	shalt  }
0x6d: {  	_ =	shalt  }
0x6e: {  	_ =	shalt  }
0x6f: {  	_ =	shalt  }
0x70: {  	_ =	shalt  }
0x71: {  	_ =	shalt  }
0x72: {  	_ =	shalt  }
0x73: {  	_ =	shalt  }
0x74: {  	_ =	shalt  }
0x75: {  	_ =	shalt  }
0x76: {  	_ =	shalt  }
0x77: {  	_ =	shalt  }
0x78: {  	_ =	shalt  }
0x79: {  	_ =	shalt  }
0x7a: {  	_ =	shalt  }
0x7b: {  	_ =	shalt  }
0x7c: {  	_ =	shalt  }
0x7d: {  	_ =	shalt  }
0x7e: {  	_ =	shalt  }
0x7f: {  	_ =	shalt  }
0x80: {  	_ =	shalt  }
0x81: {  	_ =	shalt  }
0x82: {  	_ =	shalt  }
0x83: {  	_ =	shalt  }
0x84: {  	_ =	shalt  }
0x85: {  	_ =	shalt  }
0x86: {  	_ =	shalt  }
0x87: {  	_ =	shalt  }
.Lfunc_end0:
.L_simem_size_0:
called_computation.1_lowered:
.L_overlay_start_0:
0x88: {  	s2 =	sld [smem:$0x3FD9]  }
0x89: {  	s3 =	sld [smem:$0x3FFE];
	_ =	sdelay $0x1  }
0x8a: {  	s1 =	srdreg.scid  }
0x8b: {  	s0 =	sand.u32 $0x1, s1  }
0x8c: {  	s16 =	sshll.u32 s0, $0xA;
	s2 =	sadd.s32 s3, s2  }
0x8d: {  	s2 =	sadd.s32 s2, s16  }
0x8e: {  	[smem:$0x3FBA] =	sst s2  }
0x8f: {  	_ = 	snop  }
0x90: {  	(tm) =	ssettm $0x1  }
0x91: {  	s17 =	sld [smem:$0x3FFB];
	_ =	sdelay $0x3  }
0x92: {  	_ =	strace s17  }
0x93: {  	s2 =	sld [smem:$0x3FFC];
	_ =	sdelay $0x3  }
0x94: {  	_ =	strace s2  }
0x95: {  	s2 =	sld [smem:$0x3FFD];
	_ =	sdelay $0x3  }
0x96: {  	_ =	strace s2  }
0x97: {  	_ =	strace $0x8FFFFFFF  }
0x98: {  	s18 =	sld [smem:$0x3FDB];
	_ =	sdelay $0x1  }
0x99: {  	s19 =	simm.s32 $_scs_section_size  }
0x9a: {  	s4 =	simm.s32 $_size__tile_overlayer_lowered;
	s5 =	simm.s32 $_tile_overlayer_lowered  }
0x9b: {  	s22 =	simm.s32 $0x1BFF;
	s21 =	sshll.u32 s5, $0x1;
	s2 =	sadd.s32 s19, s18  }
0x9c: {  	s6 =	simm.s32 $0x0;
	s20 =	sshll.u32 s4, $0x1;
	s4 =	sadd.s32 s21, s2  }
0x9d: {  	[timem:s6], [sflag:s22] =	dma.local [hbm:s4], s20  }
0x9e: {  	_ =	swait.ge [sflag:s22], s20  }
0x9f: {  	s3 =	ssub.s32 $0x0, s20;
	[sflag:s22] =	ssyncset.done $0x0  }
0xa0: {  	[sflag:s22] =	ssyncadd.s32 s3;
	_ =	sdelay $0x1  }
0xa1: {  	s23 =	simm.s32 $0x1B8B  }
0xa2: {  	_ =	swait.ge [sflag:s23], $0x1  }
0xa3: {  	[sflag:s23] =	ssyncset.done $0x0  }
0xa4: {  	s25 =	simm.s32 $0x1B8E;
	s24 =	sld [smem:$0x3FFE];
	[sflag:s23] =	ssyncadd.s32 $0xFFFFFFFF  }
0xa5: {  	s26 =	simm.s32 $execute0_lowered;
	[smem:$0x3FD2] =	sst s25  }
0xa6: {  	s4 =	sshll.u32 s26, $0x1;
	_ =	strace $0x80000049;
	[dreg:$0x1] =	wrdreg $0xFFFFFFFF  }
0xa7: {  	s28 =	simm.s32 $_size_execute0_lowered;
	s2 =	sadd.s32 s2, s4;
	[dreg:$0x0] =	wrdreg $0x0  }
0xa8: {  	s4 =	sshll.u32 s28, $0x1;
	[dreg:$0x2] =	wrdreg s2  }
0xa9: {  	[dreg:$0x3] =	wrdreg s4  }
0xaa: {  	[dreg:$0x4] =	wrdreg $0xC0  }
0xab: {  	_ =	task [dreg:s6], $0x5FFFF  }
0xac: {  	[dreg:$0x1] =	wrdreg $0xFFFFFFFF  }
0xad: {  	[dreg:$0x0] =	wrdreg $0x60  }
0xae: {  	[dreg:$0x2] =	wrdreg s24  }
0xaf: {  	[dreg:$0x3] =	wrdreg $0xC6200  }
0xb0: {  	[dreg:$0x4] =	wrdreg $0x9  }
0xb1: {  	_ =	task.clear_ibuf [dreg:s6], $0x5FFFF;
	_ =	strace $0x90000049  }
0xb2: {  	s29 =	simm.s32 $0x9;
	_ =	strace $0x8000004B  }
0xb3: {  	_ =	swait.ge [sflag:s29], $0x1  }
0xb4: {  	[sflag:s29] =	ssyncadd.s32 $0xFFFFFFFF  }
0xb5: {  	_ =	strace $0x9000004B  }
0xb6: {  	_ =	sfence  }
0xb7: {  	s30 =	sld [smem:$0x0];
	_ =	sdelay $0x2  }
0xb8: {  	s31 =	sshll.u32 s1, $0xD;
	s1 =	sshrl.u32 s1, $0x2  }
0xb9: {  	s3 =	sand.u32 $0x4000, s31;
	s1 =	sadd.s32 s1, s30  }
0xba: {  	s0 =	sor.u32 s3, s0;
	s1 =	sshll.u32 s1, $0x11  }
0xbb: {  	s0 =	sor.u32 s1, s0  }
0xbc: {  	s0 =	sadd.s32 $0x8F2B, s0  }
0xbd: {  	[sflag:s0] =	ssyncadd.remote.s32 $0x1  }
0xbe: {  	_ =	sfence.sel $0xFFFF  }
0xbf: {  	[dreg:$0x0] =	wrdreg $0xFFFFFFFF;
	(pc) =	sbr.abs _section_cstart, $3  }
0xc0: {  	[dreg:$0x1] =	wrdreg $0xFFFFFFFF  }
0xc1: {  	_ =	task.clear_ibuf [dreg:s6], $0x2FFFF;
	_ =	strace $0x9FFFFFFF  }
0xc2: {  	(tm) =	ssettm $0x7FFFFFFF  }
0xc3: {  	_ =	shalt  }
tec
execute0_lowered:
.L_overlay_start_1:
0x0: {  	(tag) =	ssettag $0x1  }
0x1: {  	s0 =	rddreg [dreg:$0x0]  }
0x2: {  	s2 =	rddreg [dreg:$0x1]  }
0x3: {  	s1 =	srdreg.scid;
	s8 =	stileid.u32;
	s3 =	simm.s32 $0x0  }
0x4: {  	s12 =	simm.s32 $0xD;
	s14 =	simm.s32 $0x28;
	s15 =	simm.s32 $0x4E20  }
0x5: {  	s16 =	simm.s32 $0x6220;
	s18 =	simm.s32 $0x7620;
	s20 =	simm.s32 $0x8A20  }
0x6: {  	s22 =	simm.s32 $0x9E20;
	s28 =	simm.s32 $0x3;
	s29 =	simm.s32 $0x4  }
0x7: {  	s30 =	simm.s32 $0x5;
	s31 =	simm.s32 $0x6;
	s13 =	simm.s32 $0x9  }
0x8: {  	s17 =	simm.s32 $0xA;
	s19 =	simm.s32 $0xB;
	s21 =	simm.s32 $0xC  }
0x9: {  	s23 =	simm.s32 $0x0;
	s1 =	sand.u32 $0x1, s1;
	s4 =	sshll.u32 s8, $0x1  }
0xa: {  	s5 =	smul.u32 $0x13880, s8;
	[smem:$0x7FF] =	sst s3;
	s8 =	sshll.u32 s8, $0x6  }
0xb: {  	s4 =	sor.u32 s1, s4;
	s6 =	smul.u32 $0x138800, s1;
	_ =	strace $0x8000004A  }
0xc: {  	s1 =	ssub.s32 $0x2, s1;
	s7 =	smul.u32 $0x2710, s4;
	s4 =	sadd.s32 $0x16A00, s0  }
0xd: {  	s24 =	sshrl.u32 s1, $0x1;
	s25 =	sshrl.u32 s5, $0x3;
	s6 =	sadd.s32 s5, s6  }
0xe: {  	s1 =	ssub.s32 s1, s24;
	s5 =	sadd.s32 s5, s2;
	s24 =	simm.s32 $0xB220  }
0xf: {  	s7 =	sshrl.u32 s7, $0x3;
	s6 =	sshrl.u32 s6, $0x3;
	s10 =	smax.u32 s1, $0x1  }
0x10: {  	s11 =	sshrl.u32 s5, $0x3;
	s1 =	simm.s32 $0x8;
	s7 =	sadd.s32 s7, s0  }
0x11: {  	s0 =	sadd.s32 s6, s0;
	s6 =	sadd.s32 s4, s25;
	s25 =	simm.s32 $0x1  }
0x12: {  	[dreg:$0x3] =	wrdreg s6;
	s6 =	sor.u32 $0x1C0D, s8;
	s26 =	sadd.s32 $0x3000, s7  }
0x13: {  	s7 =	sadd.s32 $0xCC40, s7;
	s9 =	sadd.s32 $0x3DC00, s0;
	[dreg:$0x4] =	wrdreg s26  }
0x14: {  	s0 =	simm.s32 $0x7;
	[dreg:$0x5] =	wrdreg s7;
	s26 =	simm.s32 $0x2  }
.LBB2_1:
0x15: {  	s5 =	rddreg [dreg:$0x3]  }
0x16: {  	[spmem:s11], [sflag:s6] =	dma.local [hbm:s5], $0x2710  }
0x17: {  	_ =	swait.ge [sflag:s12], $0x2710  }
0x18: {  	[sflag:s12] =	ssyncset.done $0x0  }
0x19: {  	s7 =	rddreg [dreg:$0x4];
	[sflag:s12] =	ssyncadd.s32 $0xFFFFD8F0  }
0x1a: {  	[tilespmem:s3], [sflag:$0xD] =	stream.linear.gather [hbm4b:s7+s3], $0x2710, $0x38;
	[tilespmem:$0x1FEA0] =	vst v63  }
0x1b: {  	_ =	swait.ge [sflag:s12], $0x2710  }
0x1c: {  	[sflag:s12] =	ssyncset.done $0x0  }
0x1d: {  	s7 =	simm.s32 $0x2710;
	s8 =	rddreg [dreg:$0x5];
	[sflag:s12] =	ssyncadd.s32 $0xFFFFD8F0  }
0x1e: {  	[tilespmem:s7], [sflag:$0xD] =	stream.linear.gather [hbm4b:s8+s3], $0x2710, $0x38;
	[tilespmem:$0x1FEA0] =	vst v63  }
0x1f: {  	_ =	swait.ge [sflag:s12], $0x2710  }
0x20: {  	[sflag:s12] =	ssyncset.done $0x0  }
0x21: {  	[sflag:s12] =	ssyncadd.s32 $0xFFFFD8F0  }
0x22: {  	[bflag:$0x0] =	sbarrier.arrive $0xFFFF  }
0x23: {  	[tilespmem:s15], [sflag:$0x1] =	stream.indirect.gather [hbm4b:s4+s14], $0x80, s3, s14, $0xb8;
	[tilespmem:$0x1FEA0] =	vst v63  }
0x24: {  	_ = 	snop  }
0x25: {  	[tilespmem:s16], [sflag:$0x2] =	stream.indirect.gather [hbm4b:s4+s14], $0x80, s14, s14, $0xb8;
	[tilespmem:$0x1FEA0] =	vst v63  }
0x26: {  	s8 =	simm.s32 $0x50  }
0x27: {  	[tilespmem:s18], [sflag:$0x3] =	stream.indirect.gather [hbm4b:s4+s14], $0x80, s8, s14, $0xb8;
	[tilespmem:$0x1FEA0] =	vst v63  }
0x28: {  	s7 =	simm.s32 $0x78  }
0x29: {  	[tilespmem:s20], [sflag:$0x4] =	stream.indirect.gather [hbm4b:s4+s14], $0x80, s7, s14, $0xb8;
	[tilespmem:$0x1FEA0] =	vst v63  }
0x2a: {  	s8 =	simm.s32 $0xA0  }
0x2b: {  	[tilespmem:s22], [sflag:$0x5] =	stream.indirect.gather [hbm4b:s4+s14], $0x80, s8, s14, $0xb8;
	[tilespmem:$0x1FEA0] =	vst v63  }
0x2c: {  	s7 =	simm.s32 $0xC8  }
0x2d: {  	[tilespmem:s24], [sflag:$0x6] =	stream.indirect.gather [hbm4b:s4+s14], $0x80, s7, s14, $0xb8;
	[tilespmem:$0x1FEA0] =	vst v63  }
0x2e: {  	_ =	swait.ge [sflag:s25], $0x1400  }
0x2f: {  	[sflag:s25] =	ssyncset.done $0x0  }
0x30: {  	s8 =	simm.s32 $0x2710;
	[sflag:s25] =	ssyncadd.s32 $0xFFFFEC00  }
0x31: {  	[spmem:s2] =	stream.indirect.scatter.add.f32 [tilespmem:s15], [sflag:$0x7], $0x80, s8, s14, $0xb8;
	[tilespmem:$0x1FEA0] =	vst v63  }
0x32: {  	_ =	swait.ge [sflag:s26], $0x1400  }
0x33: {  	[sflag:s26] =	ssyncset.done $0x0  }
0x34: {  	s7 =	simm.s32 $0x2738;
	[sflag:s26] =	ssyncadd.s32 $0xFFFFEC00  }
0x35: {  	[spmem:s2] =	stream.indirect.scatter.add.f32 [tilespmem:s16], [sflag:$0x8], $0x80, s7, s14, $0xb8;
	[tilespmem:$0x1FEA0] =	vst v63  }
0x36: {  	_ =	swait.ge [sflag:s28], $0x1400  }
0x37: {  	[sflag:s28] =	ssyncset.done $0x0  }
0x38: {  	s8 =	simm.s32 $0x2760;
	[sflag:s28] =	ssyncadd.s32 $0xFFFFEC00  }
0x39: {  	[spmem:s2] =	stream.indirect.scatter.add.f32 [tilespmem:s18], [sflag:$0x9], $0x80, s8, s14, $0xb8;
	[tilespmem:$0x1FEA0] =	vst v63  }
0x3a: {  	_ =	swait.ge [sflag:s29], $0x1400  }
0x3b: {  	[sflag:s29] =	ssyncset.done $0x0  }
0x3c: {  	s7 =	simm.s32 $0x2788;
	[sflag:s29] =	ssyncadd.s32 $0xFFFFEC00  }
0x3d: {  	[spmem:s2] =	stream.indirect.scatter.add.f32 [tilespmem:s20], [sflag:$0xA], $0x80, s7, s14, $0xb8;
	[tilespmem:$0x1FEA0] =	vst v63  }
0x3e: {  	_ =	swait.ge [sflag:s30], $0x1400  }
0x3f: {  	[sflag:s30] =	ssyncset.done $0x0  }
0x40: {  	s8 =	simm.s32 $0x27B0;
	[sflag:s30] =	ssyncadd.s32 $0xFFFFEC00  }
0x41: {  	[spmem:s2] =	stream.indirect.scatter.add.f32 [tilespmem:s22], [sflag:$0xB], $0x80, s8, s14, $0xb8;
	[tilespmem:$0x1FEA0] =	vst v63  }
0x42: {  	_ =	swait.ge [sflag:s31], $0x1400  }
0x43: {  	[sflag:s31] =	ssyncset.done $0x0  }
0x44: {  	s7 =	simm.s32 $0x27D8;
	[sflag:s31] =	ssyncadd.s32 $0xFFFFEC00  }
0x45: {  	[spmem:s2] =	stream.indirect.scatter.add.f32 [tilespmem:s24], [sflag:$0xC], $0x80, s7, s14, $0xb8;
	[tilespmem:$0x1FEA0] =	vst v63  }
0x46: {  	_ =	swait.ge [sflag:s0], $0x1400  }
0x47: {  	[sflag:s0] =	ssyncset.done $0x0  }
0x48: {  	s8 =	simm.s32 $0xF0;
	[sflag:s0] =	ssyncadd.s32 $0xFFFFEC00  }
0x49: {  	[tilespmem:s15], [sflag:$0x1] =	stream.indirect.gather [hbm4b:s4+s14], $0x80, s8, s14, $0xb8;
	[tilespmem:$0x1FEA0] =	vst v63  }
0x4a: {  	_ =	swait.ge [sflag:s1], $0x1400  }
0x4b: {  	[sflag:s1] =	ssyncset.done $0x0  }
0x4c: {  	s7 =	simm.s32 $0x118;
	[sflag:s1] =	ssyncadd.s32 $0xFFFFEC00  }
0x4d: {  	[tilespmem:s16], [sflag:$0x2] =	stream.indirect.gather [hbm4b:s4+s14], $0x80, s7, s14, $0xb8;
	[tilespmem:$0x1FEA0] =	vst v63  }
0x4e: {  	_ =	swait.ge [sflag:s13], $0x1400  }
0x4f: {  	[sflag:s13] =	ssyncset.done $0x0  }
0x50: {  	s8 =	simm.s32 $0x140;
	[sflag:s13] =	ssyncadd.s32 $0xFFFFEC00  }
0x51: {  	[tilespmem:s18], [sflag:$0x3] =	stream.indirect.gather [hbm4b:s4+s14], $0x80, s8, s14, $0xb8;
	[tilespmem:$0x1FEA0] =	vst v63  }
0x52: {  	_ =	swait.ge [sflag:s17], $0x1400  }
0x53: {  	[sflag:s17] =	ssyncset.done $0x0  }
0x54: {  	s7 =	simm.s32 $0x168;
	[sflag:s17] =	ssyncadd.s32 $0xFFFFEC00  }
0x55: {  	[tilespmem:s20], [sflag:$0x4] =	stream.indirect.gather [hbm4b:s4+s14], $0x80, s7, s14, $0xb8;
	[tilespmem:$0x1FEA0] =	vst v63  }
0x56: {  	_ =	swait.ge [sflag:s19], $0x1400  }
0x57: {  	[sflag:s19] =	ssyncset.done $0x0  }
0x58: {  	s8 =	simm.s32 $0x190;
	[sflag:s19] =	ssyncadd.s32 $0xFFFFEC00  }
0x59: {  	[tilespmem:s22], [sflag:$0x5] =	stream.indirect.gather [hbm4b:s4+s14], $0x80, s8, s14, $0xb8;
	[tilespmem:$0x1FEA0] =	vst v63  }
0x5a: {  	_ =	swait.ge [sflag:s21], $0x1400  }
0x5b: {  	[sflag:s21] =	ssyncset.done $0x0  }
0x5c: {  	s5 =	simm.s32 $0x3C0;
	s7 =	simm.s32 $0x1B8;
	[sflag:s21] =	ssyncadd.s32 $0xFFFFEC00  }
.LBB2_2:
0x5d: {  	[tilespmem:s24], [sflag:$0x6] =	stream.indirect.gather [hbm4b:s4+s14], $0x80, s7, s14, $0xb8;
	[tilespmem:$0x1FEA0] =	vst v63  }
0x5e: {  	s7 =	smov.u32 s5  }
0x5f: {  	p0 =	sne.s32 s5, $0x9240;
	s5 =	sadd.s32 $0x3C0, s5;
	_ =	swait.ge [sflag:s25], $0x1400  }
0x60: {  	s7 =	sshra.s32 s7, $0x2;
	[sflag:s25] =	ssyncset.done $0x0  }
0x61: {  	s8 =	sadd.s32 $0x2710, s7;
	[sflag:s25] =	ssyncadd.s32 $0xFFFFEC00  }
0x62: {  	[spmem:s2] =	stream.indirect.scatter.add.f32 [tilespmem:s15], [sflag:$0x7], $0x80, s8, s14, $0xb8;
	[tilespmem:$0x1FEA0] =	vst v63  }
0x63: {  	_ =	swait.ge [sflag:s26], $0x1400  }
0x64: {  	[sflag:s26] =	ssyncset.done $0x0  }
0x65: {  	s8 =	sadd.s32 $0x2738, s7;
	[sflag:s26] =	ssyncadd.s32 $0xFFFFEC00  }
0x66: {  	[spmem:s2] =	stream.indirect.scatter.add.f32 [tilespmem:s16], [sflag:$0x8], $0x80, s8, s14, $0xb8;
	[tilespmem:$0x1FEA0] =	vst v63  }
0x67: {  	_ =	swait.ge [sflag:s28], $0x1400  }
0x68: {  	[sflag:s28] =	ssyncset.done $0x0  }
0x69: {  	s8 =	sadd.s32 $0x2760, s7;
	[sflag:s28] =	ssyncadd.s32 $0xFFFFEC00  }
0x6a: {  	[spmem:s2] =	stream.indirect.scatter.add.f32 [tilespmem:s18], [sflag:$0x9], $0x80, s8, s14, $0xb8;
	[tilespmem:$0x1FEA0] =	vst v63  }
0x6b: {  	_ =	swait.ge [sflag:s29], $0x1400  }
0x6c: {  	[sflag:s29] =	ssyncset.done $0x0  }
0x6d: {  	s8 =	sadd.s32 $0x2788, s7;
	[sflag:s29] =	ssyncadd.s32 $0xFFFFEC00  }
0x6e: {  	[spmem:s2] =	stream.indirect.scatter.add.f32 [tilespmem:s20], [sflag:$0xA], $0x80, s8, s14, $0xb8;
	[tilespmem:$0x1FEA0] =	vst v63  }
0x6f: {  	_ =	swait.ge [sflag:s30], $0x1400  }
0x70: {  	[sflag:s30] =	ssyncset.done $0x0  }
0x71: {  	s8 =	sadd.s32 $0x27B0, s7;
	[sflag:s30] =	ssyncadd.s32 $0xFFFFEC00  }
0x72: {  	[spmem:s2] =	stream.indirect.scatter.add.f32 [tilespmem:s22], [sflag:$0xB], $0x80, s8, s14, $0xb8;
	[tilespmem:$0x1FEA0] =	vst v63  }
0x73: {  	_ =	swait.ge [sflag:s31], $0x1400  }
0x74: {  	[sflag:s31] =	ssyncset.done $0x0  }
0x75: {  	s8 =	sadd.s32 $0x27D8, s7;
	[sflag:s31] =	ssyncadd.s32 $0xFFFFEC00  }
0x76: {  	[spmem:s2] =	stream.indirect.scatter.add.f32 [tilespmem:s24], [sflag:$0xC], $0x80, s8, s14, $0xb8;
	[tilespmem:$0x1FEA0] =	vst v63  }
0x77: {  	_ =	swait.ge [sflag:s0], $0x1400  }
0x78: {  	[sflag:s0] =	ssyncset.done $0x0  }
0x79: {  	s8 =	sadd.s32 $0xF0, s7;
	[sflag:s0] =	ssyncadd.s32 $0xFFFFEC00  }
0x7a: {  	[tilespmem:s15], [sflag:$0x1] =	stream.indirect.gather [hbm4b:s4+s14], $0x80, s8, s14, $0xb8;
	[tilespmem:$0x1FEA0] =	vst v63  }
0x7b: {  	_ =	swait.ge [sflag:s1], $0x1400  }
0x7c: {  	[sflag:s1] =	ssyncset.done $0x0  }
0x7d: {  	s8 =	sadd.s32 $0x118, s7;
	[sflag:s1] =	ssyncadd.s32 $0xFFFFEC00  }
0x7e: {  	[tilespmem:s16], [sflag:$0x2] =	stream.indirect.gather [hbm4b:s4+s14], $0x80, s8, s14, $0xb8;
	[tilespmem:$0x1FEA0] =	vst v63  }
0x7f: {  	_ =	swait.ge [sflag:s13], $0x1400  }
0x80: {  	[sflag:s13] =	ssyncset.done $0x0  }
0x81: {  	s8 =	sadd.s32 $0x140, s7;
	[sflag:s13] =	ssyncadd.s32 $0xFFFFEC00  }
0x82: {  	[tilespmem:s18], [sflag:$0x3] =	stream.indirect.gather [hbm4b:s4+s14], $0x80, s8, s14, $0xb8;
	[tilespmem:$0x1FEA0] =	vst v63  }
0x83: {  	_ =	swait.ge [sflag:s17], $0x1400  }
0x84: {  	[sflag:s17] =	ssyncset.done $0x0  }
0x85: {  	s8 =	sadd.s32 $0x168, s7;
	[sflag:s17] =	ssyncadd.s32 $0xFFFFEC00  }
0x86: {  	[tilespmem:s20], [sflag:$0x4] =	stream.indirect.gather [hbm4b:s4+s14], $0x80, s8, s14, $0xb8;
	[tilespmem:$0x1FEA0] =	vst v63  }
0x87: {  	_ =	swait.ge [sflag:s19], $0x1400  }
0x88: {  	[sflag:s19] =	ssyncset.done $0x0  }
.Ltmp0:
0x89: {  	s8 =	sadd.s32 $0x190, s7;
	[sflag:s19] =	ssyncadd.s32 $0xFFFFEC00;
	(pc) =	sbr.rel @p0 .LBB2_2-.Ltmp0, $4  }
0x8a: {  	[tilespmem:s22], [sflag:$0x5] =	stream.indirect.gather [hbm4b:s4+s14], $0x80, s8, s14, $0xb8;
	[tilespmem:$0x1FEA0] =	vst v63  }
0x8b: {  	_ =	swait.ge [sflag:s21], $0x1400  }
0x8c: {  	[sflag:s21] =	ssyncset.done $0x0  }
0x8d: {  	s7 =	sadd.s32 $0x1B8, s7;
	[sflag:s21] =	ssyncadd.s32 $0xFFFFEC00  }
0x8e: {  	[tilespmem:s24], [sflag:$0x6] =	stream.indirect.gather [hbm4b:s4+s14], $0x80, s7, s14, $0xb8;
	[tilespmem:$0x1FEA0] =	vst v63  }
0x8f: {  	_ =	swait.ge [sflag:s25], $0x1400  }
0x90: {  	[sflag:s25] =	ssyncset.done $0x0  }
0x91: {  	s5 =	simm.s32 $0x4C90;
	[sflag:s25] =	ssyncadd.s32 $0xFFFFEC00  }
0x92: {  	[spmem:s2] =	stream.indirect.scatter.add.f32 [tilespmem:s15], [sflag:$0x7], $0x80, s5, s14, $0xb8;
	[tilespmem:$0x1FEA0] =	vst v63  }
0x93: {  	_ =	swait.ge [sflag:s26], $0x1400  }
0x94: {  	[sflag:s26] =	ssyncset.done $0x0  }
0x95: {  	s8 =	simm.s32 $0x4CB8;
	[sflag:s26] =	ssyncadd.s32 $0xFFFFEC00  }
0x96: {  	[spmem:s2] =	stream.indirect.scatter.add.f32 [tilespmem:s16], [sflag:$0x8], $0x80, s8, s14, $0xb8;
	[tilespmem:$0x1FEA0] =	vst v63  }
0x97: {  	_ =	swait.ge [sflag:s28], $0x1400  }
0x98: {  	[sflag:s28] =	ssyncset.done $0x0  }
0x99: {  	s7 =	simm.s32 $0x4CE0;
	[sflag:s28] =	ssyncadd.s32 $0xFFFFEC00  }
0x9a: {  	[spmem:s2] =	stream.indirect.scatter.add.f32 [tilespmem:s18], [sflag:$0x9], $0x80, s7, s14, $0xb8;
	[tilespmem:$0x1FEA0] =	vst v63  }
0x9b: {  	_ =	swait.ge [sflag:s29], $0x1400  }
0x9c: {  	[sflag:s29] =	ssyncset.done $0x0  }
0x9d: {  	s8 =	simm.s32 $0x4D08;
	[sflag:s29] =	ssyncadd.s32 $0xFFFFEC00  }
0x9e: {  	[spmem:s2] =	stream.indirect.scatter.add.f32 [tilespmem:s20], [sflag:$0xA], $0x80, s8, s14, $0xb8;
	[tilespmem:$0x1FEA0] =	vst v63  }
0x9f: {  	_ =	swait.ge [sflag:s30], $0x1400  }
0xa0: {  	[sflag:s30] =	ssyncset.done $0x0  }
0xa1: {  	s7 =	simm.s32 $0x4D30;
	[sflag:s30] =	ssyncadd.s32 $0xFFFFEC00  }
0xa2: {  	[spmem:s2] =	stream.indirect.scatter.add.f32 [tilespmem:s22], [sflag:$0xB], $0x80, s7, s14, $0xb8;
	[tilespmem:$0x1FEA0] =	vst v63  }
0xa3: {  	_ =	swait.ge [sflag:s31], $0x1400  }
0xa4: {  	[sflag:s31] =	ssyncset.done $0x0  }
0xa5: {  	s8 =	simm.s32 $0x4D58;
	[sflag:s31] =	ssyncadd.s32 $0xFFFFEC00  }
0xa6: {  	[spmem:s2] =	stream.indirect.scatter.add.f32 [tilespmem:s24], [sflag:$0xC], $0x80, s8, s14, $0xb8;
	[tilespmem:$0x1FEA0] =	vst v63  }
0xa7: {  	_ =	swait.ge [sflag:s0], $0x1400  }
0xa8: {  	[sflag:s0] =	ssyncset.done $0x0  }
0xa9: {  	s7 =	simm.s32 $0x2670;
	[sflag:s0] =	ssyncadd.s32 $0xFFFFEC00  }
0xaa: {  	[tilespmem:s15], [sflag:$0x1] =	stream.indirect.gather [hbm4b:s4+s14], $0x80, s7, s14, $0xb8;
	[tilespmem:$0x1FEA0] =	vst v63  }
0xab: {  	_ =	swait.ge [sflag:s25], $0x1400  }
0xac: {  	[sflag:s25] =	ssyncset.done $0x0  }
0xad: {  	s8 =	simm.s32 $0x4D80;
	[sflag:s25] =	ssyncadd.s32 $0xFFFFEC00  }
0xae: {  	[spmem:s2] =	stream.indirect.scatter.add.f32 [tilespmem:s15], [sflag:$0x7], $0x80, s8, s14, $0xb8;
	[tilespmem:$0x1FEA0] =	vst v63  }
0xaf: {  	_ =	swait.ge [sflag:s1], $0x1400  }
0xb0: {  	[sflag:s1] =	ssyncset.done $0x0  }
0xb1: {  	s7 =	simm.s32 $0x2698;
	[sflag:s1] =	ssyncadd.s32 $0xFFFFEC00  }
0xb2: {  	[tilespmem:s16], [sflag:$0x2] =	stream.indirect.gather [hbm4b:s4+s14], $0x80, s7, s14, $0xb8;
	[tilespmem:$0x1FEA0] =	vst v63  }
0xb3: {  	_ =	swait.ge [sflag:s26], $0x1400  }
0xb4: {  	[sflag:s26] =	ssyncset.done $0x0  }
0xb5: {  	s8 =	simm.s32 $0x4DA8;
	[sflag:s26] =	ssyncadd.s32 $0xFFFFEC00  }
0xb6: {  	[spmem:s2] =	stream.indirect.scatter.add.f32 [tilespmem:s16], [sflag:$0x8], $0x80, s8, s14, $0xb8;
	[tilespmem:$0x1FEA0] =	vst v63  }
0xb7: {  	_ =	swait.ge [sflag:s13], $0x1400  }
0xb8: {  	[sflag:s13] =	ssyncset.done $0x0  }
0xb9: {  	s7 =	simm.s32 $0x26C0;
	[sflag:s13] =	ssyncadd.s32 $0xFFFFEC00  }
0xba: {  	[tilespmem:s18], [sflag:$0x3] =	stream.indirect.gather [hbm4b:s4+s14], $0x80, s7, s14, $0xb8;
	[tilespmem:$0x1FEA0] =	vst v63  }
0xbb: {  	_ =	swait.ge [sflag:s28], $0x1400  }
0xbc: {  	[sflag:s28] =	ssyncset.done $0x0  }
0xbd: {  	s8 =	simm.s32 $0x4DD0;
	[sflag:s28] =	ssyncadd.s32 $0xFFFFEC00  }
0xbe: {  	[spmem:s2] =	stream.indirect.scatter.add.f32 [tilespmem:s18], [sflag:$0x9], $0x80, s8, s14, $0xb8;
	[tilespmem:$0x1FEA0] =	vst v63  }
0xbf: {  	_ =	swait.ge [sflag:s17], $0x1400  }
0xc0: {  	[sflag:s17] =	ssyncset.done $0x0  }
0xc1: {  	s7 =	simm.s32 $0x26E8;
	[sflag:s17] =	ssyncadd.s32 $0xFFFFEC00  }
0xc2: {  	[tilespmem:s20], [sflag:$0x4] =	stream.indirect.gather [hbm4b:s4+s14], $0x80, s7, s14, $0xb8;
	[tilespmem:$0x1FEA0] =	vst v63  }
0xc3: {  	_ =	swait.ge [sflag:s29], $0x1400  }
0xc4: {  	[sflag:s29] =	ssyncset.done $0x0  }
0xc5: {  	s8 =	simm.s32 $0x4DF8;
	[sflag:s29] =	ssyncadd.s32 $0xFFFFEC00  }
0xc6: {  	[spmem:s2] =	stream.indirect.scatter.add.f32 [tilespmem:s20], [sflag:$0xA], $0x80, s8, s14, $0xb8;
	[tilespmem:$0x1FEA0] =	vst v63  }
0xc7: {  	_ =	swait.ge [sflag:s19], $0x1400  }
0xc8: {  	[sflag:s19] =	ssyncset.done $0x0  }
0xc9: {  	[sflag:s19] =	ssyncadd.s32 $0xFFFFEC00  }
0xca: {  	_ =	swait.ge [sflag:s21], $0x1400  }
0xcb: {  	[sflag:s21] =	ssyncset.done $0x0  }
0xcc: {  	[sflag:s21] =	ssyncadd.s32 $0xFFFFEC00  }
0xcd: {  	_ =	swait.ge [sflag:s0], $0x1400  }
0xce: {  	[sflag:s0] =	ssyncset.done $0x0  }
0xcf: {  	[sflag:s0] =	ssyncadd.s32 $0xFFFFEC00  }
0xd0: {  	_ =	swait.ge [sflag:s1], $0x1400  }
0xd1: {  	[sflag:s1] =	ssyncset.done $0x0  }
0xd2: {  	[sflag:s1] =	ssyncadd.s32 $0xFFFFEC00  }
0xd3: {  	_ =	swait.ge [sflag:s13], $0x1400  }
0xd4: {  	[sflag:s13] =	ssyncset.done $0x0  }
0xd5: {  	[sflag:s13] =	ssyncadd.s32 $0xFFFFEC00  }
0xd6: {  	_ =	swait.ge [sflag:s17], $0x1400  }
0xd7: {  	s23 =	sadd.s32 $0x1, s23;
	[sflag:s17] =	ssyncset.done $0x0  }
0xd8: {  	p0 =	sne.s32 s23, s10;
	[sflag:s17] =	ssyncadd.s32 $0xFFFFEC00  }
.Ltmp1:
0xd9: {  	[bflag:$0x0] =	sbarrier.arrive $0xFFFF;
	(pc) =	sbr.rel @p0 .LBB2_1-.Ltmp1, $4  }
0xda: {  	[hbm:s9], [sflag:s6] =	dma.local [spmem:s11], $0x2710  }
0xdb: {  	_ =	swait.ge [sflag:s12], $0x2710  }
0xdc: {  	[sflag:s12] =	ssyncset.done $0x0  }
0xdd: {  	[sflag:s12] =	ssyncadd.s32 $0xFFFFD8F0  }
0xde: {  	_ =	sfence.sel $0x180000  }
0xdf: {  	[bflag:$0x0] =	sbarrier.arrive $0xFFFF  }
0xe0: {  	_ =	strace $0x9000004A  }
0xe1: {  	s0 =	stileid.u32;
	[bflag:$0x2] =	sbarrier.arrive $0xFFFF  }
0xe2: {  	p0 =	sne.s32 s0, $0x0;
	s0 =	rddreg [dreg:$0x2]  }
0xe3: {  	s0 =	sadd.s32 @!p0 $0x100000, s0  }
0xe4: {  	[sflag:s0] =	ssyncadd.tile.s32 @!p0 $0x1;
	_ =	shalt  }
.Lfunc_end2:
_tile_overlayer_lowered:
.L_overlay_start_2:
0xe5: {  	(tag) =	ssettag $0x2  }
0xe6: {  	s0 =	rddreg [dreg:$0x0];
	s2 =	stileid.u32  }
0xe7: {  	s1 =	rddreg [dreg:$0x1];
	p0 =	sne.s32 s2, $0x0  }
0xe8: {  	s3 =	rddreg [dreg:$0x2];
	[bflag:$0x3] =	sbarrier.arrive $0xFFFF;
	s2 =	simm.s32 @!p0 $0x1C0D  }
0xe9: {  	[timem:s3], [sflag:s2] =	dma.local @!p0 [hbm:s0], s1  }
0xea: {  	s0 =	simm.s32 @!p0 $0xD  }
0xeb: {  	_ =	swait.ge @!p0 [sflag:s0], s1  }
0xec: {  	s1 =	ssub.s32 @!p0 $0x0, s1;
	[sflag:s0] =	ssyncset.done @!p0 $0x0  }
0xed: {  	[sflag:s0] =	ssyncadd.s32 @!p0 s1  }
0xee: {  	[bflag:$0x3] =	sbarrier.arrive $0xFFFF  }
0xef: {  	_ =	shalt  }

</sc_bundles>
